<compile_context>
chip_gen: v7x
topology: tpu7x:2x2x1
jax: 0.10.2.dev20260603
libtpu: 0.0.44.dev20260713+nightly
codegen_flags: <defaults>
</compile_context>

<pallas_src>
import jax
import jax.numpy as jnp
from jax import lax
from jax.experimental import pallas as pl
from jax.experimental.pallas import tpu as pltpu
from jax.experimental.pallas import tpu_sc as plsc

_B = 16384
_V = 1000
_NC = 2
_NS = 16
_L = 16
_NG = 16
_CB = _B // _NG
_RC = 56
_NBUF = 2


def _onehot_body(x_hbm, out_hbm, x_v, *bufs_sems):
    bufs = bufs_sems[:_NBUF]
    sems = bufs_sems[_NBUF:]

    wid = lax.axis_index("s") * _NC + lax.axis_index("c")
    grp = wid % _NG
    half = wid // _NG
    b0 = grp * _CB

    pltpu.sync_copy(x_hbm.at[pl.ds(b0, _CB)], x_v)

    zrow = jnp.zeros((_L,), jnp.float32)

    def _zf(buf):
        @pl.loop(0, _RC)
        def _zf_r(r):
            for c in range(0, _CB, _L):
                buf[r, pl.ds(c, _L)] = zrow

    ones = jnp.ones((_L,), jnp.float32)
    zeros = jnp.zeros((_L,), jnp.float32)
    lane = lax.iota(jnp.int32, _L)

    def _scatter(buf, c0, nc, val, c0_prev=None, nc_prev=None):
        @pl.loop(0, _CB // _L, unroll=4)
        def _sc_j(j):
            xv = x_v[pl.ds(j * _L, _L)]
            colv = lane + j * _L
            if c0_prev is not None:
                maskp = (xv >= c0_prev) & (xv < c0_prev + nc_prev)
                plsc.store_scatter(
                    buf, [xv - c0_prev, colv], zeros, mask=maskp
                )
            mask = (xv >= c0) & (xv < c0 + nc)
            plsc.store_scatter(buf, [xv - c0, colv], val, mask=mask)

    cbase = half * 504
    handles = [None] * _NBUF
    prev = [None] * _NBUF
    for ch in range(8):
        b = ch % _NBUF
        c0 = cbase + ch * _RC
        if handles[b] is not None:
            handles[b].wait()
            _scatter(bufs[b], c0, _RC, ones, prev[b], _RC)
        else:
            _zf(bufs[b])
            _scatter(bufs[b], c0, _RC, ones)
        handles[b] = pltpu.async_copy(
            bufs[b], out_hbm.at[pl.ds(c0, _RC), pl.ds(b0, _CB)], sems[b]
        )
        prev[b] = c0
    handles[0].wait()
    c0 = cbase + 8 * _RC
    nc = jnp.where(half == 0, _RC, 48)
    _scatter(bufs[0], c0, nc, ones, prev[0], _RC)

    @pl.when(half == 0)
    def _last0():
        pltpu.sync_copy(bufs[0], out_hbm.at[pl.ds(c0, _RC), pl.ds(b0, _CB)])

    @pl.when(half == 1)
    def _last1():
        pltpu.sync_copy(
            bufs[0].at[pl.ds(0, 48)],
            out_hbm.at[pl.ds(c0, 48), pl.ds(b0, _CB)],
        )

    handles[1].wait()


def kernel(x):
    mesh = plsc.VectorSubcoreMesh(core_axis_name="c", subcore_axis_name="s")
    run = pl.kernel(
        _onehot_body,
        out_type=jax.ShapeDtypeStruct((_V, _B), jnp.float32),
        mesh=mesh,
        compiler_params=pltpu.CompilerParams(
            needs_layout_passes=False, use_tc_tiling_on_sc=True
        ),
        scratch_types=(
            [pltpu.VMEM((_CB,), jnp.int32)]
            + [pltpu.VMEM((_RC, _CB), jnp.float32)] * _NBUF
            + [pltpu.SemaphoreType.DMA] * _NBUF
        ),
    )
    return run(x.astype(jnp.int32)).T

# --- scband reference (transcript-rebuilt; emitter-appended) ---
"""Pipeline reference for scband-one-hot-embedding-10307921510820 (READ-ONLY COPY).

The authoritative reference and input builder live on the scoring server;
editing this copy changes nothing except your own understanding.
"""

import jax, jax.numpy as jnp
import numpy as np

NUM_EMBEDDINGS = 1000
BATCH = 16384

def setup_inputs(seed: int = 0) -> dict:
    key = jax.random.key(seed)
    x = jax.random.randint(key, (BATCH,), 0, NUM_EMBEDDINGS, dtype=jnp.int64 if jax.config.read('jax_enable_x64') else jnp.int32)
    return {"x": x}

def reference(x) -> jnp.ndarray:
    # F.one_hot(x, num_classes=num_embeddings).float()
    return jax.nn.one_hot(x, NUM_EMBEDDINGS, dtype=jnp.float32)

if __name__ == "__main__":
    import jax
    _d = setup_inputs()
    print(jax.jit(kernel)(*tuple(_d.values())))

</pallas_src>

<mosaic_0001>
#map = affine_map<(d0, d1) -> (0)>
#map1 = affine_map<(d0, d1) -> (0, 0)>
module attributes {stable_mosaic.version = 14 : i64} {
  func.func @_onehot_body(%arg0: i32, %arg1: i32, %arg2: memref<16384xi32, #tpu.memory_space<hbm>>, %arg3: memref<1000x16384xf32, #tpu.memory_space<hbm>>, %arg4: memref<1024xi32, #tpu.memory_space<vmem>>, %arg5: memref<56x1024xf32, #tpu.memory_space<vmem>>, %arg6: memref<56x1024xf32, #tpu.memory_space<vmem>>, %arg7: memref<!tpu.dma_semaphore, #tpu.memory_space<semaphore_mem>>, %arg8: memref<!tpu.dma_semaphore, #tpu.memory_space<semaphore_mem>>) attributes {dimension_semantics = [#tpu.dimension_semantics<core_parallel>, #tpu.dimension_semantics<subcore_parallel>], iteration_bounds = array<i64: 2, 16>, scalar_prefetch = 0 : i64, scratch_operands = 5 : i64, tpu.core_type = #tpu.core_type<sc_vector_subcore>, window_params = [{transform_indices = #map}, {transform_indices = #map1}]} {
    %mul3A = arith.constant 2 : i32
    %mul3A_0 = arith.muli %arg1, %mul3A : i32
    %add3A = arith.addi %mul3A_0, %arg0 : i32
    %jit3A = arith.constant 16 : i32
    %eq3A = arith.constant 0 : i32
    %eq3A_1 = arith.cmpi eq, %jit3A, %eq3A : i32
    %jit3A_2 = arith.constant 1 : i32
    %select_n3A = arith.select %eq3A_1, %jit3A_2, %jit3A : i32
    %rem3A = arith.remsi %add3A, %select_n3A : i32
    %ne3A = arith.constant 0 : i32
    %ne3A_3 = arith.cmpi ne, %rem3A, %ne3A : i32
    %lt3A = arith.constant 0 : i32
    %lt3A_4 = arith.cmpi slt, %rem3A, %lt3A : i32
    %lt3A_5 = arith.constant 0 : i32
    %lt3A_6 = arith.cmpi slt, %select_n3A, %lt3A_5 : i32
    %ne3A_7 = arith.xori %lt3A_4, %lt3A_6 : i1
    %and3A = arith.andi %ne3A_7, %ne3A_3 : i1
    %add3A_8 = arith.addi %rem3A, %select_n3A : i32
    %select_n3A_9 = arith.select %and3A, %add3A_8, %rem3A : i32
    %jit3A_10 = arith.constant 16 : i32
    %div3A = arith.divsi %add3A, %jit3A_10 : i32
    %sign3A = arith.constant 0 : i32
    %sign3A_11 = arith.cmpi sgt, %add3A, %sign3A : i32
    %sign3A_12 = arith.extui %sign3A_11 : i1 to i32
    %sign3A_13 = arith.constant 0 : i32
    %sign3A_14 = arith.cmpi slt, %add3A, %sign3A_13 : i32
    %sign3A_15 = arith.extui %sign3A_14 : i1 to i32
    %sign3A_16 = arith.subi %sign3A_12, %sign3A_15 : i32
    %sign3A_17 = arith.constant 0 : i32
    %sign3A_18 = arith.cmpi sgt, %jit3A_10, %sign3A_17 : i32
    %sign3A_19 = arith.extui %sign3A_18 : i1 to i32
    %sign3A_20 = arith.constant 0 : i32
    %sign3A_21 = arith.cmpi slt, %jit3A_10, %sign3A_20 : i32
    %sign3A_22 = arith.extui %sign3A_21 : i1 to i32
    %sign3A_23 = arith.subi %sign3A_19, %sign3A_22 : i32
    %ne3A_24 = arith.cmpi ne, %sign3A_16, %sign3A_23 : i32
    %rem3A_25 = arith.remsi %add3A, %jit3A_10 : i32
    %ne3A_26 = arith.constant 0 : i32
    %ne3A_27 = arith.cmpi ne, %rem3A_25, %ne3A_26 : i32
    %and3A_28 = arith.andi %ne3A_24, %ne3A_27 : i1
    %sub3A = arith.constant 1 : i32
    %sub3A_29 = arith.subi %div3A, %sub3A : i32
    %select_n3A_30 = arith.select %and3A_28, %sub3A_29, %div3A : i32
    %mul3A_31 = arith.constant 1024 : i32
    %mul3A_32 = arith.muli %select_n3A_9, %mul3A_31 : i32
    "tpu.region"() ({
      %run_scoped3A = tpu.sem_alloc : memref<!tpu.dma_semaphore, #tpu.memory_space<semaphore_mem>>
      %dma_start3A_155 = tpu.memref_slice %arg2[%mul3A_32] : memref<16384xi32, #tpu.memory_space<hbm>> -> memref<1024xi32, #tpu.memory_space<hbm>>
      %dma_start3A_156 = tpu.memref_slice %arg2[%mul3A_32] : memref<16384xi32, #tpu.memory_space<hbm>> -> memref<1024xi32, #tpu.memory_space<hbm>>
      tpu.enqueue_dma source(%dma_start3A_156 : memref<1024xi32, #tpu.memory_space<hbm>>) target(%arg4 : memref<1024xi32, #tpu.memory_space<vmem>>) target_semaphore(%run_scoped3A : memref<!tpu.dma_semaphore, #tpu.memory_space<semaphore_mem>>)
      %dma_wait3A_157 = tpu.memref_slice %arg2[%mul3A_32] : memref<16384xi32, #tpu.memory_space<hbm>> -> memref<1024xi32, #tpu.memory_space<hbm>>
      %dma_wait3A_158 = tpu.memref_slice %arg2[%mul3A_32] : memref<16384xi32, #tpu.memory_space<hbm>> -> memref<1024xi32, #tpu.memory_space<hbm>>
      tpu.wait_dma2 semaphore(%run_scoped3A : memref<!tpu.dma_semaphore, #tpu.memory_space<semaphore_mem>>) src(%dma_wait3A_158 : memref<1024xi32, #tpu.memory_space<hbm>>) dst(%arg4 : memref<1024xi32, #tpu.memory_space<vmem>>)
      tpu.yield
    }) : () -> ()
    %broadcast_in_dim3A = arith.constant 0.000000e+00 : f32
    %broadcast_in_dim3A_33 = vector.broadcast %broadcast_in_dim3A : f32 to vector<16xf32>
    %broadcast_in_dim3A_34 = arith.constant 1.000000e+00 : f32
    %broadcast_in_dim3A_35 = vector.broadcast %broadcast_in_dim3A_34 : f32 to vector<16xf32>
    %broadcast_in_dim3A_36 = arith.constant 0.000000e+00 : f32
    %broadcast_in_dim3A_37 = vector.broadcast %broadcast_in_dim3A_36 : f32 to vector<16xf32>
    %iota3A = tpu.iota {dimensions = array<i32: 0>} : vector<16xi32>
    %mul3A_38 = arith.constant 504 : i32
    %mul3A_39 = arith.muli %select_n3A_30, %mul3A_38 : i32
    %add3A_40 = arith.constant 0 : i32
    %add3A_41 = arith.addi %mul3A_39, %add3A_40 : i32
    %scan3A = arith.constant 0 : i32
    %scan3A_42 = arith.constant 56 : i32
    %scan3A_43 = arith.addi %scan3A, %scan3A_42 : i32
    %scan3A_44 = arith.constant 1 : i32
    scf.for %scan3A_155 = %scan3A to %scan3A_43 step %scan3A_44  : i32 {
      %mul3A_156 = arith.constant 1 : i32
      %mul3A_157 = arith.muli %scan3A_155, %mul3A_156 : i32
      %add3A_158 = arith.constant 0 : i32
      %add3A_159 = arith.addi %add3A_158, %mul3A_157 : i32
      %swap3A = arith.index_cast %add3A_159 : i32 to index
      %swap3A_160 = arith.constant 0 : index
      %swap3A_161 = tpu.vector_load %arg5[%swap3A, %swap3A_160] {strides = array<i32>} : memref<56x1024xf32, #tpu.memory_space<vmem>>, vector<16xf32>,
      tpu.vector_store %arg5[%swap3A, %swap3A_160], %broadcast_in_dim3A_33 {strides = array<i32>} : memref<56x1024xf32, #tpu.memory_space<vmem>>, vector<16xf32>,
      %swap3A_162 = arith.index_cast %add3A_159 : i32 to index
      %swap3A_163 = arith.constant 16 : index
      %swap3A_164 = tpu.vector_load %arg5[%swap3A_162, %swap3A_163] {strides = array<i32>} : memref<56x1024xf32, #tpu.memory_space<vmem>>, vector<16xf32>,
      tpu.vector_store %arg5[%swap3A_162, %swap3A_163], %broadcast_in_dim3A_33 {strides = array<i32>} : memref<56x1024xf32, #tpu.memory_space<vmem>>, vector<16xf32>,
      %swap3A_165 = arith.index_cast %add3A_159 : i32 to index
      %swap3A_166 = arith.constant 32 : index
      %swap3A_167 = tpu.vector_load %arg5[%swap3A_165, %swap3A_166] {strides = array<i32>} : memref<56x1024xf32, #tpu.memory_space<vmem>>, vector<16xf32>,
      tpu.vector_store %arg5[%swap3A_165, %swap3A_166], %broadcast_in_dim3A_33 {strides = array<i32>} : memref<56x1024xf32, #tpu.memory_space<vmem>>, vector<16xf32>,
      %swap3A_168 = arith.index_cast %add3A_159 : i32 to index
      %swap3A_169 = arith.constant 48 : index
      %swap3A_170 = tpu.vector_load %arg5[%swap3A_168, %swap3A_169] {strides = array<i32>} : memref<56x1024xf32, #tpu.memory_space<vmem>>, vector<16xf32>,
      tpu.vector_store %arg5[%swap3A_168, %swap3A_169], %broadcast_in_dim3A_33 {strides = array<i32>} : memref<56x1024xf32, #tpu.memory_space<vmem>>, vector<16xf32>,
      %swap3A_171 = arith.index_cast %add3A_159 : i32 to index
      %swap3A_172 = arith.constant 64 : index
      %swap3A_173 = tpu.vector_load %arg5[%swap3A_171, %swap3A_172] {strides = array<i32>} : memref<56x1024xf32, #tpu.memory_space<vmem>>, vector<16xf32>,
      tpu.vector_store %arg5[%swap3A_171, %swap3A_172], %broadcast_in_dim3A_33 {strides = array<i32>} : memref<56x1024xf32, #tpu.memory_space<vmem>>, vector<16xf32>,
      %swap3A_174 = arith.index_cast %add3A_159 : i32 to index
      %swap3A_175 = arith.constant 80 : index
      %swap3A_176 = tpu.vector_load %arg5[%swap3A_174, %swap3A_175] {strides = array<i32>} : memref<56x1024xf32, #tpu.memory_space<vmem>>, vector<16xf32>,
      tpu.vector_store %arg5[%swap3A_174, %swap3A_175], %broadcast_in_dim3A_33 {strides = array<i32>} : memref<56x1024xf32, #tpu.memory_space<vmem>>, vector<16xf32>,
      %swap3A_177 = arith.index_cast %add3A_159 : i32 to index
      %swap3A_178 = arith.constant 96 : index
      %swap3A_179 = tpu.vector_load %arg5[%swap3A_177, %swap3A_178] {strides = array<i32>} : memref<56x1024xf32, #tpu.memory_space<vmem>>, vector<16xf32>,
      tpu.vector_store %arg5[%swap3A_177, %swap3A_178], %broadcast_in_dim3A_33 {strides = array<i32>} : memref<56x1024xf32, #tpu.memory_space<vmem>>, vector<16xf32>,
      %swap3A_180 = arith.index_cast %add3A_159 : i32 to index
      %swap3A_181 = arith.constant 112 : index
      %swap3A_182 = tpu.vector_load %arg5[%swap3A_180, %swap3A_181] {strides = array<i32>} : memref<56x1024xf32, #tpu.memory_space<vmem>>, vector<16xf32>,
      tpu.vector_store %arg5[%swap3A_180, %swap3A_181], %broadcast_in_dim3A_33 {strides = array<i32>} : memref<56x1024xf32, #tpu.memory_space<vmem>>, vector<16xf32>,
      %swap3A_183 = arith.index_cast %add3A_159 : i32 to index
      %swap3A_184 = arith.constant 128 : index
      %swap3A_185 = tpu.vector_load %arg5[%swap3A_183, %swap3A_184] {strides = array<i32>} : memref<56x1024xf32, #tpu.memory_space<vmem>>, vector<16xf32>,
      tpu.vector_store %arg5[%swap3A_183, %swap3A_184], %broadcast_in_dim3A_33 {strides = array<i32>} : memref<56x1024xf32, #tpu.memory_space<vmem>>, vector<16xf32>,
      %swap3A_186 = arith.index_cast %add3A_159 : i32 to index
      %swap3A_187 = arith.constant 144 : index
      %swap3A_188 = tpu.vector_load %arg5[%swap3A_186, %swap3A_187] {strides = array<i32>} : memref<56x1024xf32, #tpu.memory_space<vmem>>, vector<16xf32>,
      tpu.vector_store %arg5[%swap3A_186, %swap3A_187], %broadcast_in_dim3A_33 {strides = array<i32>} : memref<56x1024xf32, #tpu.memory_space<vmem>>, vector<16xf32>,
      %swap3A_189 = arith.index_cast %add3A_159 : i32 to index
      %swap3A_190 = arith.constant 160 : index
      %swap3A_191 = tpu.vector_load %arg5[%swap3A_189, %swap3A_190] {strides = array<i32>} : memref<56x1024xf32, #tpu.memory_space<vmem>>, vector<16xf32>,
      tpu.vector_store %arg5[%swap3A_189, %swap3A_190], %broadcast_in_dim3A_33 {strides = array<i32>} : memref<56x1024xf32, #tpu.memory_space<vmem>>, vector<16xf32>,
      %swap3A_192 = arith.index_cast %add3A_159 : i32 to index
      %swap3A_193 = arith.constant 176 : index
      %swap3A_194 = tpu.vector_load %arg5[%swap3A_192, %swap3A_193] {strides = array<i32>} : memref<56x1024xf32, #tpu.memory_space<vmem>>, vector<16xf32>,
      tpu.vector_store %arg5[%swap3A_192, %swap3A_193], %broadcast_in_dim3A_33 {strides = array<i32>} : memref<56x1024xf32, #tpu.memory_space<vmem>>, vector<16xf32>,
      %swap3A_195 = arith.index_cast %add3A_159 : i32 to index
      %swap3A_196 = arith.constant 192 : index
      %swap3A_197 = tpu.vector_load %arg5[%swap3A_195, %swap3A_196] {strides = array<i32>} : memref<56x1024xf32, #tpu.memory_space<vmem>>, vector<16xf32>,
      tpu.vector_store %arg5[%swap3A_195, %swap3A_196], %broadcast_in_dim3A_33 {strides = array<i32>} : memref<56x1024xf32, #tpu.memory_space<vmem>>, vector<16xf32>,
      %swap3A_198 = arith.index_cast %add3A_159 : i32 to index
      %swap3A_199 = arith.constant 208 : index
      %swap3A_200 = tpu.vector_load %arg5[%swap3A_198, %swap3A_199] {strides = array<i32>} : memref<56x1024xf32, #tpu.memory_space<vmem>>, vector<16xf32>,
      tpu.vector_store %arg5[%swap3A_198, %swap3A_199], %broadcast_in_dim3A_33 {strides = array<i32>} : memref<56x1024xf32, #tpu.memory_space<vmem>>, vector<16xf32>,
      %swap3A_201 = arith.index_cast %add3A_159 : i32 to index
      %swap3A_202 = arith.constant 224 : index
      %swap3A_203 = tpu.vector_load %arg5[%swap3A_201, %swap3A_202] {strides = array<i32>} : memref<56x1024xf32, #tpu.memory_space<vmem>>, vector<16xf32>,
      tpu.vector_store %arg5[%swap3A_201, %swap3A_202], %broadcast_in_dim3A_33 {strides = array<i32>} : memref<56x1024xf32, #tpu.memory_space<vmem>>, vector<16xf32>,
      %swap3A_204 = arith.index_cast %add3A_159 : i32 to index
      %swap3A_205 = arith.constant 240 : index
      %swap3A_206 = tpu.vector_load %arg5[%swap3A_204, %swap3A_205] {strides = array<i32>} : memref<56x1024xf32, #tpu.memory_space<vmem>>, vector<16xf32>,
      tpu.vector_store %arg5[%swap3A_204, %swap3A_205], %broadcast_in_dim3A_33 {strides = array<i32>} : memref<56x1024xf32, #tpu.memory_space<vmem>>, vector<16xf32>,
      %swap3A_207 = arith.index_cast %add3A_159 : i32 to index
      %swap3A_208 = arith.constant 256 : index
      %swap3A_209 = tpu.vector_load %arg5[%swap3A_207, %swap3A_208] {strides = array<i32>} : memref<56x1024xf32, #tpu.memory_space<vmem>>, vector<16xf32>,
      tpu.vector_store %arg5[%swap3A_207, %swap3A_208], %broadcast_in_dim3A_33 {strides = array<i32>} : memref<56x1024xf32, #tpu.memory_space<vmem>>, vector<16xf32>,
      %swap3A_210 = arith.index_cast %add3A_159 : i32 to index
      %swap3A_211 = arith.constant 272 : index
      %swap3A_212 = tpu.vector_load %arg5[%swap3A_210, %swap3A_211] {strides = array<i32>} : memref<56x1024xf32, #tpu.memory_space<vmem>>, vector<16xf32>,
      tpu.vector_store %arg5[%swap3A_210, %swap3A_211], %broadcast_in_dim3A_33 {strides = array<i32>} : memref<56x1024xf32, #tpu.memory_space<vmem>>, vector<16xf32>,
      %swap3A_213 = arith.index_cast %add3A_159 : i32 to index
      %swap3A_214 = arith.constant 288 : index
      %swap3A_215 = tpu.vector_load %arg5[%swap3A_213, %swap3A_214] {strides = array<i32>} : memref<56x1024xf32, #tpu.memory_space<vmem>>, vector<16xf32>,
      tpu.vector_store %arg5[%swap3A_213, %swap3A_214], %broadcast_in_dim3A_33 {strides = array<i32>} : memref<56x1024xf32, #tpu.memory_space<vmem>>, vector<16xf32>,
      %swap3A_216 = arith.index_cast %add3A_159 : i32 to index
      %swap3A_217 = arith.constant 304 : index
      %swap3A_218 = tpu.vector_load %arg5[%swap3A_216, %swap3A_217] {strides = array<i32>} : memref<56x1024xf32, #tpu.memory_space<vmem>>, vector<16xf32>,
      tpu.vector_store %arg5[%swap3A_216, %swap3A_217], %broadcast_in_dim3A_33 {strides = array<i32>} : memref<56x1024xf32, #tpu.memory_space<vmem>>, vector<16xf32>,
      %swap3A_219 = arith.index_cast %add3A_159 : i32 to index
      %swap3A_220 = arith.constant 320 : index
      %swap3A_221 = tpu.vector_load %arg5[%swap3A_219, %swap3A_220] {strides = array<i32>} : memref<56x1024xf32, #tpu.memory_space<vmem>>, vector<16xf32>,
      tpu.vector_store %arg5[%swap3A_219, %swap3A_220], %broadcast_in_dim3A_33 {strides = array<i32>} : memref<56x1024xf32, #tpu.memory_space<vmem>>, vector<16xf32>,
      %swap3A_222 = arith.index_cast %add3A_159 : i32 to index
      %swap3A_223 = arith.constant 336 : index
      %swap3A_224 = tpu.vector_load %arg5[%swap3A_222, %swap3A_223] {strides = array<i32>} : memref<56x1024xf32, #tpu.memory_space<vmem>>, vector<16xf32>,
      tpu.vector_store %arg5[%swap3A_222, %swap3A_223], %broadcast_in_dim3A_33 {strides = array<i32>} : memref<56x1024xf32, #tpu.memory_space<vmem>>, vector<16xf32>,
      %swap3A_225 = arith.index_cast %add3A_159 : i32 to index
      %swap3A_226 = arith.constant 352 : index
      %swap3A_227 = tpu.vector_load %arg5[%swap3A_225, %swap3A_226] {strides = array<i32>} : memref<56x1024xf32, #tpu.memory_space<vmem>>, vector<16xf32>,
      tpu.vector_store %arg5[%swap3A_225, %swap3A_226], %broadcast_in_dim3A_33 {strides = array<i32>} : memref<56x1024xf32, #tpu.memory_space<vmem>>, vector<16xf32>,
      %swap3A_228 = arith.index_cast %add3A_159 : i32 to index
      %swap3A_229 = arith.constant 368 : index
      %swap3A_230 = tpu.vector_load %arg5[%swap3A_228, %swap3A_229] {strides = array<i32>} : memref<56x1024xf32, #tpu.memory_space<vmem>>, vector<16xf32>,
      tpu.vector_store %arg5[%swap3A_228, %swap3A_229], %broadcast_in_dim3A_33 {strides = array<i32>} : memref<56x1024xf32, #tpu.memory_space<vmem>>, vector<16xf32>,
      %swap3A_231 = arith.index_cast %add3A_159 : i32 to index
      %swap3A_232 = arith.constant 384 : index
      %swap3A_233 = tpu.vector_load %arg5[%swap3A_231, %swap3A_232] {strides = array<i32>} : memref<56x1024xf32, #tpu.memory_space<vmem>>, vector<16xf32>,
      tpu.vector_store %arg5[%swap3A_231, %swap3A_232], %broadcast_in_dim3A_33 {strides = array<i32>} : memref<56x1024xf32, #tpu.memory_space<vmem>>, vector<16xf32>,
      %swap3A_234 = arith.index_cast %add3A_159 : i32 to index
      %swap3A_235 = arith.constant 400 : index
      %swap3A_236 = tpu.vector_load %arg5[%swap3A_234, %swap3A_235] {strides = array<i32>} : memref<56x1024xf32, #tpu.memory_space<vmem>>, vector<16xf32>,
      tpu.vector_store %arg5[%swap3A_234, %swap3A_235], %broadcast_in_dim3A_33 {strides = array<i32>} : memref<56x1024xf32, #tpu.memory_space<vmem>>, vector<16xf32>,
      %swap3A_237 = arith.index_cast %add3A_159 : i32 to index
      %swap3A_238 = arith.constant 416 : index
      %swap3A_239 = tpu.vector_load %arg5[%swap3A_237, %swap3A_238] {strides = array<i32>} : memref<56x1024xf32, #tpu.memory_space<vmem>>, vector<16xf32>,
      tpu.vector_store %arg5[%swap3A_237, %swap3A_238], %broadcast_in_dim3A_33 {strides = array<i32>} : memref<56x1024xf32, #tpu.memory_space<vmem>>, vector<16xf32>,
      %swap3A_240 = arith.index_cast %add3A_159 : i32 to index
      %swap3A_241 = arith.constant 432 : index
      %swap3A_242 = tpu.vector_load %arg5[%swap3A_240, %swap3A_241] {strides = array<i32>} : memref<56x1024xf32, #tpu.memory_space<vmem>>, vector<16xf32>,
      tpu.vector_store %arg5[%swap3A_240, %swap3A_241], %broadcast_in_dim3A_33 {strides = array<i32>} : memref<56x1024xf32, #tpu.memory_space<vmem>>, vector<16xf32>,
      %swap3A_243 = arith.index_cast %add3A_159 : i32 to index
      %swap3A_244 = arith.constant 448 : index
      %swap3A_245 = tpu.vector_load %arg5[%swap3A_243, %swap3A_244] {strides = array<i32>} : memref<56x1024xf32, #tpu.memory_space<vmem>>, vector<16xf32>,
      tpu.vector_store %arg5[%swap3A_243, %swap3A_244], %broadcast_in_dim3A_33 {strides = array<i32>} : memref<56x1024xf32, #tpu.memory_space<vmem>>, vector<16xf32>,
      %swap3A_246 = arith.index_cast %add3A_159 : i32 to index
      %swap3A_247 = arith.constant 464 : index
      %swap3A_248 = tpu.vector_load %arg5[%swap3A_246, %swap3A_247] {strides = array<i32>} : memref<56x1024xf32, #tpu.memory_space<vmem>>, vector<16xf32>,
      tpu.vector_store %arg5[%swap3A_246, %swap3A_247], %broadcast_in_dim3A_33 {strides = array<i32>} : memref<56x1024xf32, #tpu.memory_space<vmem>>, vector<16xf32>,
      %swap3A_249 = arith.index_cast %add3A_159 : i32 to index
      %swap3A_250 = arith.constant 480 : index
      %swap3A_251 = tpu.vector_load %arg5[%swap3A_249, %swap3A_250] {strides = array<i32>} : memref<56x1024xf32, #tpu.memory_space<vmem>>, vector<16xf32>,
      tpu.vector_store %arg5[%swap3A_249, %swap3A_250], %broadcast_in_dim3A_33 {strides = array<i32>} : memref<56x1024xf32, #tpu.memory_space<vmem>>, vector<16xf32>,
      %swap3A_252 = arith.index_cast %add3A_159 : i32 to index
      %swap3A_253 = arith.constant 496 : index
      %swap3A_254 = tpu.vector_load %arg5[%swap3A_252, %swap3A_253] {strides = array<i32>} : memref<56x1024xf32, #tpu.memory_space<vmem>>, vector<16xf32>,
      tpu.vector_store %arg5[%swap3A_252, %swap3A_253], %broadcast_in_dim3A_33 {strides = array<i32>} : memref<56x1024xf32, #tpu.memory_space<vmem>>, vector<16xf32>,
      %swap3A_255 = arith.index_cast %add3A_159 : i32 to index
      %swap3A_256 = arith.constant 512 : index
      %swap3A_257 = tpu.vector_load %arg5[%swap3A_255, %swap3A_256] {strides = array<i32>} : memref<56x1024xf32, #tpu.memory_space<vmem>>, vector<16xf32>,
      tpu.vector_store %arg5[%swap3A_255, %swap3A_256], %broadcast_in_dim3A_33 {strides = array<i32>} : memref<56x1024xf32, #tpu.memory_space<vmem>>, vector<16xf32>,
      %swap3A_258 = arith.index_cast %add3A_159 : i32 to index
      %swap3A_259 = arith.constant 528 : index
      %swap3A_260 = tpu.vector_load %arg5[%swap3A_258, %swap3A_259] {strides = array<i32>} : memref<56x1024xf32, #tpu.memory_space<vmem>>, vector<16xf32>,
      tpu.vector_store %arg5[%swap3A_258, %swap3A_259], %broadcast_in_dim3A_33 {strides = array<i32>} : memref<56x1024xf32, #tpu.memory_space<vmem>>, vector<16xf32>,
      %swap3A_261 = arith.index_cast %add3A_159 : i32 to index
      %swap3A_262 = arith.constant 544 : index
      %swap3A_263 = tpu.vector_load %arg5[%swap3A_261, %swap3A_262] {strides = array<i32>} : memref<56x1024xf32, #tpu.memory_space<vmem>>, vector<16xf32>,
      tpu.vector_store %arg5[%swap3A_261, %swap3A_262], %broadcast_in_dim3A_33 {strides = array<i32>} : memref<56x1024xf32, #tpu.memory_space<vmem>>, vector<16xf32>,
      %swap3A_264 = arith.index_cast %add3A_159 : i32 to index
      %swap3A_265 = arith.constant 560 : index
      %swap3A_266 = tpu.vector_load %arg5[%swap3A_264, %swap3A_265] {strides = array<i32>} : memref<56x1024xf32, #tpu.memory_space<vmem>>, vector<16xf32>,
      tpu.vector_store %arg5[%swap3A_264, %swap3A_265], %broadcast_in_dim3A_33 {strides = array<i32>} : memref<56x1024xf32, #tpu.memory_space<vmem>>, vector<16xf32>,
      %swap3A_267 = arith.index_cast %add3A_159 : i32 to index
      %swap3A_268 = arith.constant 576 : index
      %swap3A_269 = tpu.vector_load %arg5[%swap3A_267, %swap3A_268] {strides = array<i32>} : memref<56x1024xf32, #tpu.memory_space<vmem>>, vector<16xf32>,
      tpu.vector_store %arg5[%swap3A_267, %swap3A_268], %broadcast_in_dim3A_33 {strides = array<i32>} : memref<56x1024xf32, #tpu.memory_space<vmem>>, vector<16xf32>,
      %swap3A_270 = arith.index_cast %add3A_159 : i32 to index
      %swap3A_271 = arith.constant 592 : index
      %swap3A_272 = tpu.vector_load %arg5[%swap3A_270, %swap3A_271] {strides = array<i32>} : memref<56x1024xf32, #tpu.memory_space<vmem>>, vector<16xf32>,
      tpu.vector_store %arg5[%swap3A_270, %swap3A_271], %broadcast_in_dim3A_33 {strides = array<i32>} : memref<56x1024xf32, #tpu.memory_space<vmem>>, vector<16xf32>,
      %swap3A_273 = arith.index_cast %add3A_159 : i32 to index
      %swap3A_274 = arith.constant 608 : index
      %swap3A_275 = tpu.vector_load %arg5[%swap3A_273, %swap3A_274] {strides = array<i32>} : memref<56x1024xf32, #tpu.memory_space<vmem>>, vector<16xf32>,
      tpu.vector_store %arg5[%swap3A_273, %swap3A_274], %broadcast_in_dim3A_33 {strides = array<i32>} : memref<56x1024xf32, #tpu.memory_space<vmem>>, vector<16xf32>,
      %swap3A_276 = arith.index_cast %add3A_159 : i32 to index
      %swap3A_277 = arith.constant 624 : index
      %swap3A_278 = tpu.vector_load %arg5[%swap3A_276, %swap3A_277] {strides = array<i32>} : memref<56x1024xf32, #tpu.memory_space<vmem>>, vector<16xf32>,
      tpu.vector_store %arg5[%swap3A_276, %swap3A_277], %broadcast_in_dim3A_33 {strides = array<i32>} : memref<56x1024xf32, #tpu.memory_space<vmem>>, vector<16xf32>,
      %swap3A_279 = arith.index_cast %add3A_159 : i32 to index
      %swap3A_280 = arith.constant 640 : index
      %swap3A_281 = tpu.vector_load %arg5[%swap3A_279, %swap3A_280] {strides = array<i32>} : memref<56x1024xf32, #tpu.memory_space<vmem>>, vector<16xf32>,
      tpu.vector_store %arg5[%swap3A_279, %swap3A_280], %broadcast_in_dim3A_33 {strides = array<i32>} : memref<56x1024xf32, #tpu.memory_space<vmem>>, vector<16xf32>,
      %swap3A_282 = arith.index_cast %add3A_159 : i32 to index
      %swap3A_283 = arith.constant 656 : index
      %swap3A_284 = tpu.vector_load %arg5[%swap3A_282, %swap3A_283] {strides = array<i32>} : memref<56x1024xf32, #tpu.memory_space<vmem>>, vector<16xf32>,
      tpu.vector_store %arg5[%swap3A_282, %swap3A_283], %broadcast_in_dim3A_33 {strides = array<i32>} : memref<56x1024xf32, #tpu.memory_space<vmem>>, vector<16xf32>,
      %swap3A_285 = arith.index_cast %add3A_159 : i32 to index
      %swap3A_286 = arith.constant 672 : index
      %swap3A_287 = tpu.vector_load %arg5[%swap3A_285, %swap3A_286] {strides = array<i32>} : memref<56x1024xf32, #tpu.memory_space<vmem>>, vector<16xf32>,
      tpu.vector_store %arg5[%swap3A_285, %swap3A_286], %broadcast_in_dim3A_33 {strides = array<i32>} : memref<56x1024xf32, #tpu.memory_space<vmem>>, vector<16xf32>,
      %swap3A_288 = arith.index_cast %add3A_159 : i32 to index
      %swap3A_289 = arith.constant 688 : index
      %swap3A_290 = tpu.vector_load %arg5[%swap3A_288, %swap3A_289] {strides = array<i32>} : memref<56x1024xf32, #tpu.memory_space<vmem>>, vector<16xf32>,
      tpu.vector_store %arg5[%swap3A_288, %swap3A_289], %broadcast_in_dim3A_33 {strides = array<i32>} : memref<56x1024xf32, #tpu.memory_space<vmem>>, vector<16xf32>,
      %swap3A_291 = arith.index_cast %add3A_159 : i32 to index
      %swap3A_292 = arith.constant 704 : index
      %swap3A_293 = tpu.vector_load %arg5[%swap3A_291, %swap3A_292] {strides = array<i32>} : memref<56x1024xf32, #tpu.memory_space<vmem>>, vector<16xf32>,
      tpu.vector_store %arg5[%swap3A_291, %swap3A_292], %broadcast_in_dim3A_33 {strides = array<i32>} : memref<56x1024xf32, #tpu.memory_space<vmem>>, vector<16xf32>,
      %swap3A_294 = arith.index_cast %add3A_159 : i32 to index
      %swap3A_295 = arith.constant 720 : index
      %swap3A_296 = tpu.vector_load %arg5[%swap3A_294, %swap3A_295] {strides = array<i32>} : memref<56x1024xf32, #tpu.memory_space<vmem>>, vector<16xf32>,
      tpu.vector_store %arg5[%swap3A_294, %swap3A_295], %broadcast_in_dim3A_33 {strides = array<i32>} : memref<56x1024xf32, #tpu.memory_space<vmem>>, vector<16xf32>,
      %swap3A_297 = arith.index_cast %add3A_159 : i32 to index
      %swap3A_298 = arith.constant 736 : index
      %swap3A_299 = tpu.vector_load %arg5[%swap3A_297, %swap3A_298] {strides = array<i32>} : memref<56x1024xf32, #tpu.memory_space<vmem>>, vector<16xf32>,
      tpu.vector_store %arg5[%swap3A_297, %swap3A_298], %broadcast_in_dim3A_33 {strides = array<i32>} : memref<56x1024xf32, #tpu.memory_space<vmem>>, vector<16xf32>,
      %swap3A_300 = arith.index_cast %add3A_159 : i32 to index
      %swap3A_301 = arith.constant 752 : index
      %swap3A_302 = tpu.vector_load %arg5[%swap3A_300, %swap3A_301] {strides = array<i32>} : memref<56x1024xf32, #tpu.memory_space<vmem>>, vector<16xf32>,
      tpu.vector_store %arg5[%swap3A_300, %swap3A_301], %broadcast_in_dim3A_33 {strides = array<i32>} : memref<56x1024xf32, #tpu.memory_space<vmem>>, vector<16xf32>,
      %swap3A_303 = arith.index_cast %add3A_159 : i32 to index
      %swap3A_304 = arith.constant 768 : index
      %swap3A_305 = tpu.vector_load %arg5[%swap3A_303, %swap3A_304] {strides = array<i32>} : memref<56x1024xf32, #tpu.memory_space<vmem>>, vector<16xf32>,
      tpu.vector_store %arg5[%swap3A_303, %swap3A_304], %broadcast_in_dim3A_33 {strides = array<i32>} : memref<56x1024xf32, #tpu.memory_space<vmem>>, vector<16xf32>,
      %swap3A_306 = arith.index_cast %add3A_159 : i32 to index
      %swap3A_307 = arith.constant 784 : index
      %swap3A_308 = tpu.vector_load %arg5[%swap3A_306, %swap3A_307] {strides = array<i32>} : memref<56x1024xf32, #tpu.memory_space<vmem>>, vector<16xf32>,
      tpu.vector_store %arg5[%swap3A_306, %swap3A_307], %broadcast_in_dim3A_33 {strides = array<i32>} : memref<56x1024xf32, #tpu.memory_space<vmem>>, vector<16xf32>,
      %swap3A_309 = arith.index_cast %add3A_159 : i32 to index
      %swap3A_310 = arith.constant 800 : index
      %swap3A_311 = tpu.vector_load %arg5[%swap3A_309, %swap3A_310] {strides = array<i32>} : memref<56x1024xf32, #tpu.memory_space<vmem>>, vector<16xf32>,
      tpu.vector_store %arg5[%swap3A_309, %swap3A_310], %broadcast_in_dim3A_33 {strides = array<i32>} : memref<56x1024xf32, #tpu.memory_space<vmem>>, vector<16xf32>,
      %swap3A_312 = arith.index_cast %add3A_159 : i32 to index
      %swap3A_313 = arith.constant 816 : index
      %swap3A_314 = tpu.vector_load %arg5[%swap3A_312, %swap3A_313] {strides = array<i32>} : memref<56x1024xf32, #tpu.memory_space<vmem>>, vector<16xf32>,
      tpu.vector_store %arg5[%swap3A_312, %swap3A_313], %broadcast_in_dim3A_33 {strides = array<i32>} : memref<56x1024xf32, #tpu.memory_space<vmem>>, vector<16xf32>,
      %swap3A_315 = arith.index_cast %add3A_159 : i32 to index
      %swap3A_316 = arith.constant 832 : index
      %swap3A_317 = tpu.vector_load %arg5[%swap3A_315, %swap3A_316] {strides = array<i32>} : memref<56x1024xf32, #tpu.memory_space<vmem>>, vector<16xf32>,
      tpu.vector_store %arg5[%swap3A_315, %swap3A_316], %broadcast_in_dim3A_33 {strides = array<i32>} : memref<56x1024xf32, #tpu.memory_space<vmem>>, vector<16xf32>,
      %swap3A_318 = arith.index_cast %add3A_159 : i32 to index
      %swap3A_319 = arith.constant 848 : index
      %swap3A_320 = tpu.vector_load %arg5[%swap3A_318, %swap3A_319] {strides = array<i32>} : memref<56x1024xf32, #tpu.memory_space<vmem>>, vector<16xf32>,
      tpu.vector_store %arg5[%swap3A_318, %swap3A_319], %broadcast_in_dim3A_33 {strides = array<i32>} : memref<56x1024xf32, #tpu.memory_space<vmem>>, vector<16xf32>,
      %swap3A_321 = arith.index_cast %add3A_159 : i32 to index
      %swap3A_322 = arith.constant 864 : index
      %swap3A_323 = tpu.vector_load %arg5[%swap3A_321, %swap3A_322] {strides = array<i32>} : memref<56x1024xf32, #tpu.memory_space<vmem>>, vector<16xf32>,
      tpu.vector_store %arg5[%swap3A_321, %swap3A_322], %broadcast_in_dim3A_33 {strides = array<i32>} : memref<56x1024xf32, #tpu.memory_space<vmem>>, vector<16xf32>,
      %swap3A_324 = arith.index_cast %add3A_159 : i32 to index
      %swap3A_325 = arith.constant 880 : index
      %swap3A_326 = tpu.vector_load %arg5[%swap3A_324, %swap3A_325] {strides = array<i32>} : memref<56x1024xf32, #tpu.memory_space<vmem>>, vector<16xf32>,
      tpu.vector_store %arg5[%swap3A_324, %swap3A_325], %broadcast_in_dim3A_33 {strides = array<i32>} : memref<56x1024xf32, #tpu.memory_space<vmem>>, vector<16xf32>,
      %swap3A_327 = arith.index_cast %add3A_159 : i32 to index
      %swap3A_328 = arith.constant 896 : index
      %swap3A_329 = tpu.vector_load %arg5[%swap3A_327, %swap3A_328] {strides = array<i32>} : memref<56x1024xf32, #tpu.memory_space<vmem>>, vector<16xf32>,
      tpu.vector_store %arg5[%swap3A_327, %swap3A_328], %broadcast_in_dim3A_33 {strides = array<i32>} : memref<56x1024xf32, #tpu.memory_space<vmem>>, vector<16xf32>,
      %swap3A_330 = arith.index_cast %add3A_159 : i32 to index
      %swap3A_331 = arith.constant 912 : index
      %swap3A_332 = tpu.vector_load %arg5[%swap3A_330, %swap3A_331] {strides = array<i32>} : memref<56x1024xf32, #tpu.memory_space<vmem>>, vector<16xf32>,
      tpu.vector_store %arg5[%swap3A_330, %swap3A_331], %broadcast_in_dim3A_33 {strides = array<i32>} : memref<56x1024xf32, #tpu.memory_space<vmem>>, vector<16xf32>,
      %swap3A_333 = arith.index_cast %add3A_159 : i32 to index
      %swap3A_334 = arith.constant 928 : index
      %swap3A_335 = tpu.vector_load %arg5[%swap3A_333, %swap3A_334] {strides = array<i32>} : memref<56x1024xf32, #tpu.memory_space<vmem>>, vector<16xf32>,
      tpu.vector_store %arg5[%swap3A_333, %swap3A_334], %broadcast_in_dim3A_33 {strides = array<i32>} : memref<56x1024xf32, #tpu.memory_space<vmem>>, vector<16xf32>,
      %swap3A_336 = arith.index_cast %add3A_159 : i32 to index
      %swap3A_337 = arith.constant 944 : index
      %swap3A_338 = tpu.vector_load %arg5[%swap3A_336, %swap3A_337] {strides = array<i32>} : memref<56x1024xf32, #tpu.memory_space<vmem>>, vector<16xf32>,
      tpu.vector_store %arg5[%swap3A_336, %swap3A_337], %broadcast_in_dim3A_33 {strides = array<i32>} : memref<56x1024xf32, #tpu.memory_space<vmem>>, vector<16xf32>,
      %swap3A_339 = arith.index_cast %add3A_159 : i32 to index
      %swap3A_340 = arith.constant 960 : index
      %swap3A_341 = tpu.vector_load %arg5[%swap3A_339, %swap3A_340] {strides = array<i32>} : memref<56x1024xf32, #tpu.memory_space<vmem>>, vector<16xf32>,
      tpu.vector_store %arg5[%swap3A_339, %swap3A_340], %broadcast_in_dim3A_33 {strides = array<i32>} : memref<56x1024xf32, #tpu.memory_space<vmem>>, vector<16xf32>,
      %swap3A_342 = arith.index_cast %add3A_159 : i32 to index
      %swap3A_343 = arith.constant 976 : index
      %swap3A_344 = tpu.vector_load %arg5[%swap3A_342, %swap3A_343] {strides = array<i32>} : memref<56x1024xf32, #tpu.memory_space<vmem>>, vector<16xf32>,
      tpu.vector_store %arg5[%swap3A_342, %swap3A_343], %broadcast_in_dim3A_33 {strides = array<i32>} : memref<56x1024xf32, #tpu.memory_space<vmem>>, vector<16xf32>,
      %swap3A_345 = arith.index_cast %add3A_159 : i32 to index
      %swap3A_346 = arith.constant 992 : index
      %swap3A_347 = tpu.vector_load %arg5[%swap3A_345, %swap3A_346] {strides = array<i32>} : memref<56x1024xf32, #tpu.memory_space<vmem>>, vector<16xf32>,
      tpu.vector_store %arg5[%swap3A_345, %swap3A_346], %broadcast_in_dim3A_33 {strides = array<i32>} : memref<56x1024xf32, #tpu.memory_space<vmem>>, vector<16xf32>,
      %swap3A_348 = arith.index_cast %add3A_159 : i32 to index
      %swap3A_349 = arith.constant 1008 : index
      %swap3A_350 = tpu.vector_load %arg5[%swap3A_348, %swap3A_349] {strides = array<i32>} : memref<56x1024xf32, #tpu.memory_space<vmem>>, vector<16xf32>,
      tpu.vector_store %arg5[%swap3A_348, %swap3A_349], %broadcast_in_dim3A_33 {strides = array<i32>} : memref<56x1024xf32, #tpu.memory_space<vmem>>, vector<16xf32>,
    }
    %scan3A_45 = arith.constant 56 : i32
    %scan3A_46 = arith.constant 0 : i32
    %scan3A_47 = arith.constant 64 : i32
    %scan3A_48 = arith.addi %scan3A_46, %scan3A_47 : i32
    %scan3A_49 = arith.constant 4 : i32
    scf.for %scan3A_155 = %scan3A_46 to %scan3A_48 step %scan3A_49  : i32 {
      %mul3A_156 = arith.constant 1 : i32
      %mul3A_157 = arith.muli %scan3A_155, %mul3A_156 : i32
      %add3A_158 = arith.constant 0 : i32
      %add3A_159 = arith.addi %add3A_158, %mul3A_157 : i32
      %mul3A_160 = arith.constant 16 : i32
      %mul3A_161 = arith.muli %add3A_159, %mul3A_160 : i32
      %get3A = arith.index_cast %mul3A_161 : i32 to index
      %get3A_162 = tpu.vector_load %arg4[%get3A] {strides = array<i32>} : memref<1024xi32, #tpu.memory_space<vmem>>, vector<16xi32>,
      %mul3A_163 = arith.constant 16 : i32
      %mul3A_164 = arith.muli %add3A_159, %mul3A_163 : i32
      %add3A_165 = vector.broadcast %mul3A_164 : i32 to vector<16xi32>
      %add3A_166 = arith.addi %iota3A, %add3A_165 : vector<16xi32>
      %ge3A = vector.broadcast %add3A_41 : i32 to vector<16xi32>
      %ge3A_167 = arith.cmpi sge, %get3A_162, %ge3A : vector<16xi32>
      %add3A_168 = arith.constant 56 : i32
      %add3A_169 = arith.addi %add3A_41, %add3A_168 : i32
      %lt3A_170 = vector.broadcast %add3A_169 : i32 to vector<16xi32>
      %lt3A_171 = arith.cmpi slt, %get3A_162, %lt3A_170 : vector<16xi32>
      %and3A_172 = arith.andi %ge3A_167, %lt3A_171 : vector<16xi1>
      %sub3A_173 = vector.broadcast %add3A_41 : i32 to vector<16xi32>
      %sub3A_174 = arith.subi %get3A_162, %sub3A_173 : vector<16xi32>
      tpu.vector_store_idx %arg5[%sub3A_174, %add3A_166], %broadcast_in_dim3A_35 masked %and3A_172 : memref<56x1024xf32, #tpu.memory_space<vmem>>[vector<16xi32>, vector<16xi32>], vector<16xf32>, vector<16xi1>
      %scan3A_175 = arith.constant 1 : i32
      %scan3A_176 = arith.addi %scan3A_155, %scan3A_175 : i32
      %mul3A_177 = arith.constant 1 : i32
      %mul3A_178 = arith.muli %scan3A_176, %mul3A_177 : i32
      %add3A_179 = arith.constant 0 : i32
      %add3A_180 = arith.addi %add3A_179, %mul3A_178 : i32
      %mul3A_181 = arith.constant 16 : i32
      %mul3A_182 = arith.muli %add3A_180, %mul3A_181 : i32
      %get3A_183 = arith.index_cast %mul3A_182 : i32 to index
      %get3A_184 = tpu.vector_load %arg4[%get3A_183] {strides = array<i32>} : memref<1024xi32, #tpu.memory_space<vmem>>, vector<16xi32>,
      %mul3A_185 = arith.constant 16 : i32
      %mul3A_186 = arith.muli %add3A_180, %mul3A_185 : i32
      %add3A_187 = vector.broadcast %mul3A_186 : i32 to vector<16xi32>
      %add3A_188 = arith.addi %iota3A, %add3A_187 : vector<16xi32>
      %ge3A_189 = vector.broadcast %add3A_41 : i32 to vector<16xi32>
      %ge3A_190 = arith.cmpi sge, %get3A_184, %ge3A_189 : vector<16xi32>
      %add3A_191 = arith.constant 56 : i32
      %add3A_192 = arith.addi %add3A_41, %add3A_191 : i32
      %lt3A_193 = vector.broadcast %add3A_192 : i32 to vector<16xi32>
      %lt3A_194 = arith.cmpi slt, %get3A_184, %lt3A_193 : vector<16xi32>
      %and3A_195 = arith.andi %ge3A_190, %lt3A_194 : vector<16xi1>
      %sub3A_196 = vector.broadcast %add3A_41 : i32 to vector<16xi32>
      %sub3A_197 = arith.subi %get3A_184, %sub3A_196 : vector<16xi32>
      tpu.vector_store_idx %arg5[%sub3A_197, %add3A_188], %broadcast_in_dim3A_35 masked %and3A_195 : memref<56x1024xf32, #tpu.memory_space<vmem>>[vector<16xi32>, vector<16xi32>], vector<16xf32>, vector<16xi1>
      %scan3A_198 = arith.constant 2 : i32
      %scan3A_199 = arith.addi %scan3A_155, %scan3A_198 : i32
      %mul3A_200 = arith.constant 1 : i32
      %mul3A_201 = arith.muli %scan3A_199, %mul3A_200 : i32
      %add3A_202 = arith.constant 0 : i32
      %add3A_203 = arith.addi %add3A_202, %mul3A_201 : i32
      %mul3A_204 = arith.constant 16 : i32
      %mul3A_205 = arith.muli %add3A_203, %mul3A_204 : i32
      %get3A_206 = arith.index_cast %mul3A_205 : i32 to index
      %get3A_207 = tpu.vector_load %arg4[%get3A_206] {strides = array<i32>} : memref<1024xi32, #tpu.memory_space<vmem>>, vector<16xi32>,
      %mul3A_208 = arith.constant 16 : i32
      %mul3A_209 = arith.muli %add3A_203, %mul3A_208 : i32
      %add3A_210 = vector.broadcast %mul3A_209 : i32 to vector<16xi32>
      %add3A_211 = arith.addi %iota3A, %add3A_210 : vector<16xi32>
      %ge3A_212 = vector.broadcast %add3A_41 : i32 to vector<16xi32>
      %ge3A_213 = arith.cmpi sge, %get3A_207, %ge3A_212 : vector<16xi32>
      %add3A_214 = arith.constant 56 : i32
      %add3A_215 = arith.addi %add3A_41, %add3A_214 : i32
      %lt3A_216 = vector.broadcast %add3A_215 : i32 to vector<16xi32>
      %lt3A_217 = arith.cmpi slt, %get3A_207, %lt3A_216 : vector<16xi32>
      %and3A_218 = arith.andi %ge3A_213, %lt3A_217 : vector<16xi1>
      %sub3A_219 = vector.broadcast %add3A_41 : i32 to vector<16xi32>
      %sub3A_220 = arith.subi %get3A_207, %sub3A_219 : vector<16xi32>
      tpu.vector_store_idx %arg5[%sub3A_220, %add3A_211], %broadcast_in_dim3A_35 masked %and3A_218 : memref<56x1024xf32, #tpu.memory_space<vmem>>[vector<16xi32>, vector<16xi32>], vector<16xf32>, vector<16xi1>
      %scan3A_221 = arith.constant 3 : i32
      %scan3A_222 = arith.addi %scan3A_155, %scan3A_221 : i32
      %mul3A_223 = arith.constant 1 : i32
      %mul3A_224 = arith.muli %scan3A_222, %mul3A_223 : i32
      %add3A_225 = arith.constant 0 : i32
      %add3A_226 = arith.addi %add3A_225, %mul3A_224 : i32
      %mul3A_227 = arith.constant 16 : i32
      %mul3A_228 = arith.muli %add3A_226, %mul3A_227 : i32
      %get3A_229 = arith.index_cast %mul3A_228 : i32 to index
      %get3A_230 = tpu.vector_load %arg4[%get3A_229] {strides = array<i32>} : memref<1024xi32, #tpu.memory_space<vmem>>, vector<16xi32>,
      %mul3A_231 = arith.constant 16 : i32
      %mul3A_232 = arith.muli %add3A_226, %mul3A_231 : i32
      %add3A_233 = vector.broadcast %mul3A_232 : i32 to vector<16xi32>
      %add3A_234 = arith.addi %iota3A, %add3A_233 : vector<16xi32>
      %ge3A_235 = vector.broadcast %add3A_41 : i32 to vector<16xi32>
      %ge3A_236 = arith.cmpi sge, %get3A_230, %ge3A_235 : vector<16xi32>
      %add3A_237 = arith.constant 56 : i32
      %add3A_238 = arith.addi %add3A_41, %add3A_237 : i32
      %lt3A_239 = vector.broadcast %add3A_238 : i32 to vector<16xi32>
      %lt3A_240 = arith.cmpi slt, %get3A_230, %lt3A_239 : vector<16xi32>
      %and3A_241 = arith.andi %ge3A_236, %lt3A_240 : vector<16xi1>
      %sub3A_242 = vector.broadcast %add3A_41 : i32 to vector<16xi32>
      %sub3A_243 = arith.subi %get3A_230, %sub3A_242 : vector<16xi32>
      tpu.vector_store_idx %arg5[%sub3A_243, %add3A_234], %broadcast_in_dim3A_35 masked %and3A_241 : memref<56x1024xf32, #tpu.memory_space<vmem>>[vector<16xi32>, vector<16xi32>], vector<16xf32>, vector<16xi1>
    }
    %scan3A_50 = arith.constant 64 : i32
    %dma_start3A = tpu.memref_slice %arg3[%add3A_41, %mul3A_32] : memref<1000x16384xf32, #tpu.memory_space<hbm>> -> memref<56x1024xf32, #tpu.memory_space<hbm>>
    %dma_start3A_51 = tpu.memref_slice %arg3[%add3A_41, %mul3A_32] : memref<1000x16384xf32, #tpu.memory_space<hbm>> -> memref<56x1024xf32, #tpu.memory_space<hbm>>
    tpu.enqueue_dma source(%arg5 : memref<56x1024xf32, #tpu.memory_space<vmem>>) target(%dma_start3A_51 : memref<56x1024xf32, #tpu.memory_space<hbm>>) target_semaphore(%arg7 : memref<!tpu.dma_semaphore, #tpu.memory_space<semaphore_mem>>)
    %add3A_52 = arith.constant 56 : i32
    %add3A_53 = arith.addi %mul3A_39, %add3A_52 : i32
    %scan3A_54 = arith.constant 0 : i32
    %scan3A_55 = arith.constant 56 : i32
    %scan3A_56 = arith.addi %scan3A_54, %scan3A_55 : i32
    %scan3A_57 = arith.constant 1 : i32
    scf.for %scan3A_155 = %scan3A_54 to %scan3A_56 step %scan3A_57  : i32 {
      %mul3A_156 = arith.constant 1 : i32
      %mul3A_157 = arith.muli %scan3A_155, %mul3A_156 : i32
      %add3A_158 = arith.constant 0 : i32
      %add3A_159 = arith.addi %add3A_158, %mul3A_157 : i32
      %swap3A = arith.index_cast %add3A_159 : i32 to index
      %swap3A_160 = arith.constant 0 : index
      %swap3A_161 = tpu.vector_load %arg6[%swap3A, %swap3A_160] {strides = array<i32>} : memref<56x1024xf32, #tpu.memory_space<vmem>>, vector<16xf32>,
      tpu.vector_store %arg6[%swap3A, %swap3A_160], %broadcast_in_dim3A_33 {strides = array<i32>} : memref<56x1024xf32, #tpu.memory_space<vmem>>, vector<16xf32>,
      %swap3A_162 = arith.index_cast %add3A_159 : i32 to index
      %swap3A_163 = arith.constant 16 : index
      %swap3A_164 = tpu.vector_load %arg6[%swap3A_162, %swap3A_163] {strides = array<i32>} : memref<56x1024xf32, #tpu.memory_space<vmem>>, vector<16xf32>,
      tpu.vector_store %arg6[%swap3A_162, %swap3A_163], %broadcast_in_dim3A_33 {strides = array<i32>} : memref<56x1024xf32, #tpu.memory_space<vmem>>, vector<16xf32>,
      %swap3A_165 = arith.index_cast %add3A_159 : i32 to index
      %swap3A_166 = arith.constant 32 : index
      %swap3A_167 = tpu.vector_load %arg6[%swap3A_165, %swap3A_166] {strides = array<i32>} : memref<56x1024xf32, #tpu.memory_space<vmem>>, vector<16xf32>,
      tpu.vector_store %arg6[%swap3A_165, %swap3A_166], %broadcast_in_dim3A_33 {strides = array<i32>} : memref<56x1024xf32, #tpu.memory_space<vmem>>, vector<16xf32>,
      %swap3A_168 = arith.index_cast %add3A_159 : i32 to index
      %swap3A_169 = arith.constant 48 : index
      %swap3A_170 = tpu.vector_load %arg6[%swap3A_168, %swap3A_169] {strides = array<i32>} : memref<56x1024xf32, #tpu.memory_space<vmem>>, vector<16xf32>,
      tpu.vector_store %arg6[%swap3A_168, %swap3A_169], %broadcast_in_dim3A_33 {strides = array<i32>} : memref<56x1024xf32, #tpu.memory_space<vmem>>, vector<16xf32>,
      %swap3A_171 = arith.index_cast %add3A_159 : i32 to index
      %swap3A_172 = arith.constant 64 : index
      %swap3A_173 = tpu.vector_load %arg6[%swap3A_171, %swap3A_172] {strides = array<i32>} : memref<56x1024xf32, #tpu.memory_space<vmem>>, vector<16xf32>,
      tpu.vector_store %arg6[%swap3A_171, %swap3A_172], %broadcast_in_dim3A_33 {strides = array<i32>} : memref<56x1024xf32, #tpu.memory_space<vmem>>, vector<16xf32>,
      %swap3A_174 = arith.index_cast %add3A_159 : i32 to index
      %swap3A_175 = arith.constant 80 : index
      %swap3A_176 = tpu.vector_load %arg6[%swap3A_174, %swap3A_175] {strides = array<i32>} : memref<56x1024xf32, #tpu.memory_space<vmem>>, vector<16xf32>,
      tpu.vector_store %arg6[%swap3A_174, %swap3A_175], %broadcast_in_dim3A_33 {strides = array<i32>} : memref<56x1024xf32, #tpu.memory_space<vmem>>, vector<16xf32>,
      %swap3A_177 = arith.index_cast %add3A_159 : i32 to index
      %swap3A_178 = arith.constant 96 : index
      %swap3A_179 = tpu.vector_load %arg6[%swap3A_177, %swap3A_178] {strides = array<i32>} : memref<56x1024xf32, #tpu.memory_space<vmem>>, vector<16xf32>,
      tpu.vector_store %arg6[%swap3A_177, %swap3A_178], %broadcast_in_dim3A_33 {strides = array<i32>} : memref<56x1024xf32, #tpu.memory_space<vmem>>, vector<16xf32>,
      %swap3A_180 = arith.index_cast %add3A_159 : i32 to index
      %swap3A_181 = arith.constant 112 : index
      %swap3A_182 = tpu.vector_load %arg6[%swap3A_180, %swap3A_181] {strides = array<i32>} : memref<56x1024xf32, #tpu.memory_space<vmem>>, vector<16xf32>,
      tpu.vector_store %arg6[%swap3A_180, %swap3A_181], %broadcast_in_dim3A_33 {strides = array<i32>} : memref<56x1024xf32, #tpu.memory_space<vmem>>, vector<16xf32>,
      %swap3A_183 = arith.index_cast %add3A_159 : i32 to index
      %swap3A_184 = arith.constant 128 : index
      %swap3A_185 = tpu.vector_load %arg6[%swap3A_183, %swap3A_184] {strides = array<i32>} : memref<56x1024xf32, #tpu.memory_space<vmem>>, vector<16xf32>,
      tpu.vector_store %arg6[%swap3A_183, %swap3A_184], %broadcast_in_dim3A_33 {strides = array<i32>} : memref<56x1024xf32, #tpu.memory_space<vmem>>, vector<16xf32>,
      %swap3A_186 = arith.index_cast %add3A_159 : i32 to index
      %swap3A_187 = arith.constant 144 : index
      %swap3A_188 = tpu.vector_load %arg6[%swap3A_186, %swap3A_187] {strides = array<i32>} : memref<56x1024xf32, #tpu.memory_space<vmem>>, vector<16xf32>,
      tpu.vector_store %arg6[%swap3A_186, %swap3A_187], %broadcast_in_dim3A_33 {strides = array<i32>} : memref<56x1024xf32, #tpu.memory_space<vmem>>, vector<16xf32>,
      %swap3A_189 = arith.index_cast %add3A_159 : i32 to index
      %swap3A_190 = arith.constant 160 : index
      %swap3A_191 = tpu.vector_load %arg6[%swap3A_189, %swap3A_190] {strides = array<i32>} : memref<56x1024xf32, #tpu.memory_space<vmem>>, vector<16xf32>,
      tpu.vector_store %arg6[%swap3A_189, %swap3A_190], %broadcast_in_dim3A_33 {strides = array<i32>} : memref<56x1024xf32, #tpu.memory_space<vmem>>, vector<16xf32>,
      %swap3A_192 = arith.index_cast %add3A_159 : i32 to index
      %swap3A_193 = arith.constant 176 : index
      %swap3A_194 = tpu.vector_load %arg6[%swap3A_192, %swap3A_193] {strides = array<i32>} : memref<56x1024xf32, #tpu.memory_space<vmem>>, vector<16xf32>,
      tpu.vector_store %arg6[%swap3A_192, %swap3A_193], %broadcast_in_dim3A_33 {strides = array<i32>} : memref<56x1024xf32, #tpu.memory_space<vmem>>, vector<16xf32>,
      %swap3A_195 = arith.index_cast %add3A_159 : i32 to index
      %swap3A_196 = arith.constant 192 : index
      %swap3A_197 = tpu.vector_load %arg6[%swap3A_195, %swap3A_196] {strides = array<i32>} : memref<56x1024xf32, #tpu.memory_space<vmem>>, vector<16xf32>,
      tpu.vector_store %arg6[%swap3A_195, %swap3A_196], %broadcast_in_dim3A_33 {strides = array<i32>} : memref<56x1024xf32, #tpu.memory_space<vmem>>, vector<16xf32>,
      %swap3A_198 = arith.index_cast %add3A_159 : i32 to index
      %swap3A_199 = arith.constant 208 : index
      %swap3A_200 = tpu.vector_load %arg6[%swap3A_198, %swap3A_199] {strides = array<i32>} : memref<56x1024xf32, #tpu.memory_space<vmem>>, vector<16xf32>,
      tpu.vector_store %arg6[%swap3A_198, %swap3A_199], %broadcast_in_dim3A_33 {strides = array<i32>} : memref<56x1024xf32, #tpu.memory_space<vmem>>, vector<16xf32>,
      %swap3A_201 = arith.index_cast %add3A_159 : i32 to index
      %swap3A_202 = arith.constant 224 : index
      %swap3A_203 = tpu.vector_load %arg6[%swap3A_201, %swap3A_202] {strides = array<i32>} : memref<56x1024xf32, #tpu.memory_space<vmem>>, vector<16xf32>,
      tpu.vector_store %arg6[%swap3A_201, %swap3A_202], %broadcast_in_dim3A_33 {strides = array<i32>} : memref<56x1024xf32, #tpu.memory_space<vmem>>, vector<16xf32>,
      %swap3A_204 = arith.index_cast %add3A_159 : i32 to index
      %swap3A_205 = arith.constant 240 : index
      %swap3A_206 = tpu.vector_load %arg6[%swap3A_204, %swap3A_205] {strides = array<i32>} : memref<56x1024xf32, #tpu.memory_space<vmem>>, vector<16xf32>,
      tpu.vector_store %arg6[%swap3A_204, %swap3A_205], %broadcast_in_dim3A_33 {strides = array<i32>} : memref<56x1024xf32, #tpu.memory_space<vmem>>, vector<16xf32>,
      %swap3A_207 = arith.index_cast %add3A_159 : i32 to index
      %swap3A_208 = arith.constant 256 : index
      %swap3A_209 = tpu.vector_load %arg6[%swap3A_207, %swap3A_208] {strides = array<i32>} : memref<56x1024xf32, #tpu.memory_space<vmem>>, vector<16xf32>,
      tpu.vector_store %arg6[%swap3A_207, %swap3A_208], %broadcast_in_dim3A_33 {strides = array<i32>} : memref<56x1024xf32, #tpu.memory_space<vmem>>, vector<16xf32>,
      %swap3A_210 = arith.index_cast %add3A_159 : i32 to index
      %swap3A_211 = arith.constant 272 : index
      %swap3A_212 = tpu.vector_load %arg6[%swap3A_210, %swap3A_211] {strides = array<i32>} : memref<56x1024xf32, #tpu.memory_space<vmem>>, vector<16xf32>,
      tpu.vector_store %arg6[%swap3A_210, %swap3A_211], %broadcast_in_dim3A_33 {strides = array<i32>} : memref<56x1024xf32, #tpu.memory_space<vmem>>, vector<16xf32>,
      %swap3A_213 = arith.index_cast %add3A_159 : i32 to index
      %swap3A_214 = arith.constant 288 : index
      %swap3A_215 = tpu.vector_load %arg6[%swap3A_213, %swap3A_214] {strides = array<i32>} : memref<56x1024xf32, #tpu.memory_space<vmem>>, vector<16xf32>,
      tpu.vector_store %arg6[%swap3A_213, %swap3A_214], %broadcast_in_dim3A_33 {strides = array<i32>} : memref<56x1024xf32, #tpu.memory_space<vmem>>, vector<16xf32>,
      %swap3A_216 = arith.index_cast %add3A_159 : i32 to index
      %swap3A_217 = arith.constant 304 : index
      %swap3A_218 = tpu.vector_load %arg6[%swap3A_216, %swap3A_217] {strides = array<i32>} : memref<56x1024xf32, #tpu.memory_space<vmem>>, vector<16xf32>,
      tpu.vector_store %arg6[%swap3A_216, %swap3A_217], %broadcast_in_dim3A_33 {strides = array<i32>} : memref<56x1024xf32, #tpu.memory_space<vmem>>, vector<16xf32>,
      %swap3A_219 = arith.index_cast %add3A_159 : i32 to index
      %swap3A_220 = arith.constant 320 : index
      %swap3A_221 = tpu.vector_load %arg6[%swap3A_219, %swap3A_220] {strides = array<i32>} : memref<56x1024xf32, #tpu.memory_space<vmem>>, vector<16xf32>,
      tpu.vector_store %arg6[%swap3A_219, %swap3A_220], %broadcast_in_dim3A_33 {strides = array<i32>} : memref<56x1024xf32, #tpu.memory_space<vmem>>, vector<16xf32>,
      %swap3A_222 = arith.index_cast %add3A_159 : i32 to index
      %swap3A_223 = arith.constant 336 : index
      %swap3A_224 = tpu.vector_load %arg6[%swap3A_222, %swap3A_223] {strides = array<i32>} : memref<56x1024xf32, #tpu.memory_space<vmem>>, vector<16xf32>,
      tpu.vector_store %arg6[%swap3A_222, %swap3A_223], %broadcast_in_dim3A_33 {strides = array<i32>} : memref<56x1024xf32, #tpu.memory_space<vmem>>, vector<16xf32>,
      %swap3A_225 = arith.index_cast %add3A_159 : i32 to index
      %swap3A_226 = arith.constant 352 : index
      %swap3A_227 = tpu.vector_load %arg6[%swap3A_225, %swap3A_226] {strides = array<i32>} : memref<56x1024xf32, #tpu.memory_space<vmem>>, vector<16xf32>,
      tpu.vector_store %arg6[%swap3A_225, %swap3A_226], %broadcast_in_dim3A_33 {strides = array<i32>} : memref<56x1024xf32, #tpu.memory_space<vmem>>, vector<16xf32>,
      %swap3A_228 = arith.index_cast %add3A_159 : i32 to index
      %swap3A_229 = arith.constant 368 : index
      %swap3A_230 = tpu.vector_load %arg6[%swap3A_228, %swap3A_229] {strides = array<i32>} : memref<56x1024xf32, #tpu.memory_space<vmem>>, vector<16xf32>,
      tpu.vector_store %arg6[%swap3A_228, %swap3A_229], %broadcast_in_dim3A_33 {strides = array<i32>} : memref<56x1024xf32, #tpu.memory_space<vmem>>, vector<16xf32>,
      %swap3A_231 = arith.index_cast %add3A_159 : i32 to index
      %swap3A_232 = arith.constant 384 : index
      %swap3A_233 = tpu.vector_load %arg6[%swap3A_231, %swap3A_232] {strides = array<i32>} : memref<56x1024xf32, #tpu.memory_space<vmem>>, vector<16xf32>,
      tpu.vector_store %arg6[%swap3A_231, %swap3A_232], %broadcast_in_dim3A_33 {strides = array<i32>} : memref<56x1024xf32, #tpu.memory_space<vmem>>, vector<16xf32>,
      %swap3A_234 = arith.index_cast %add3A_159 : i32 to index
      %swap3A_235 = arith.constant 400 : index
      %swap3A_236 = tpu.vector_load %arg6[%swap3A_234, %swap3A_235] {strides = array<i32>} : memref<56x1024xf32, #tpu.memory_space<vmem>>, vector<16xf32>,
      tpu.vector_store %arg6[%swap3A_234, %swap3A_235], %broadcast_in_dim3A_33 {strides = array<i32>} : memref<56x1024xf32, #tpu.memory_space<vmem>>, vector<16xf32>,
      %swap3A_237 = arith.index_cast %add3A_159 : i32 to index
      %swap3A_238 = arith.constant 416 : index
      %swap3A_239 = tpu.vector_load %arg6[%swap3A_237, %swap3A_238] {strides = array<i32>} : memref<56x1024xf32, #tpu.memory_space<vmem>>, vector<16xf32>,
      tpu.vector_store %arg6[%swap3A_237, %swap3A_238], %broadcast_in_dim3A_33 {strides = array<i32>} : memref<56x1024xf32, #tpu.memory_space<vmem>>, vector<16xf32>,
      %swap3A_240 = arith.index_cast %add3A_159 : i32 to index
      %swap3A_241 = arith.constant 432 : index
      %swap3A_242 = tpu.vector_load %arg6[%swap3A_240, %swap3A_241] {strides = array<i32>} : memref<56x1024xf32, #tpu.memory_space<vmem>>, vector<16xf32>,
      tpu.vector_store %arg6[%swap3A_240, %swap3A_241], %broadcast_in_dim3A_33 {strides = array<i32>} : memref<56x1024xf32, #tpu.memory_space<vmem>>, vector<16xf32>,
      %swap3A_243 = arith.index_cast %add3A_159 : i32 to index
      %swap3A_244 = arith.constant 448 : index
      %swap3A_245 = tpu.vector_load %arg6[%swap3A_243, %swap3A_244] {strides = array<i32>} : memref<56x1024xf32, #tpu.memory_space<vmem>>, vector<16xf32>,
      tpu.vector_store %arg6[%swap3A_243, %swap3A_244], %broadcast_in_dim3A_33 {strides = array<i32>} : memref<56x1024xf32, #tpu.memory_space<vmem>>, vector<16xf32>,
      %swap3A_246 = arith.index_cast %add3A_159 : i32 to index
      %swap3A_247 = arith.constant 464 : index
      %swap3A_248 = tpu.vector_load %arg6[%swap3A_246, %swap3A_247] {strides = array<i32>} : memref<56x1024xf32, #tpu.memory_space<vmem>>, vector<16xf32>,
      tpu.vector_store %arg6[%swap3A_246, %swap3A_247], %broadcast_in_dim3A_33 {strides = array<i32>} : memref<56x1024xf32, #tpu.memory_space<vmem>>, vector<16xf32>,
      %swap3A_249 = arith.index_cast %add3A_159 : i32 to index
      %swap3A_250 = arith.constant 480 : index
      %swap3A_251 = tpu.vector_load %arg6[%swap3A_249, %swap3A_250] {strides = array<i32>} : memref<56x1024xf32, #tpu.memory_space<vmem>>, vector<16xf32>,
      tpu.vector_store %arg6[%swap3A_249, %swap3A_250], %broadcast_in_dim3A_33 {strides = array<i32>} : memref<56x1024xf32, #tpu.memory_space<vmem>>, vector<16xf32>,
      %swap3A_252 = arith.index_cast %add3A_159 : i32 to index
      %swap3A_253 = arith.constant 496 : index
      %swap3A_254 = tpu.vector_load %arg6[%swap3A_252, %swap3A_253] {strides = array<i32>} : memref<56x1024xf32, #tpu.memory_space<vmem>>, vector<16xf32>,
      tpu.vector_store %arg6[%swap3A_252, %swap3A_253], %broadcast_in_dim3A_33 {strides = array<i32>} : memref<56x1024xf32, #tpu.memory_space<vmem>>, vector<16xf32>,
      %swap3A_255 = arith.index_cast %add3A_159 : i32 to index
      %swap3A_256 = arith.constant 512 : index
      %swap3A_257 = tpu.vector_load %arg6[%swap3A_255, %swap3A_256] {strides = array<i32>} : memref<56x1024xf32, #tpu.memory_space<vmem>>, vector<16xf32>,
      tpu.vector_store %arg6[%swap3A_255, %swap3A_256], %broadcast_in_dim3A_33 {strides = array<i32>} : memref<56x1024xf32, #tpu.memory_space<vmem>>, vector<16xf32>,
      %swap3A_258 = arith.index_cast %add3A_159 : i32 to index
      %swap3A_259 = arith.constant 528 : index
      %swap3A_260 = tpu.vector_load %arg6[%swap3A_258, %swap3A_259] {strides = array<i32>} : memref<56x1024xf32, #tpu.memory_space<vmem>>, vector<16xf32>,
      tpu.vector_store %arg6[%swap3A_258, %swap3A_259], %broadcast_in_dim3A_33 {strides = array<i32>} : memref<56x1024xf32, #tpu.memory_space<vmem>>, vector<16xf32>,
      %swap3A_261 = arith.index_cast %add3A_159 : i32 to index
      %swap3A_262 = arith.constant 544 : index
      %swap3A_263 = tpu.vector_load %arg6[%swap3A_261, %swap3A_262] {strides = array<i32>} : memref<56x1024xf32, #tpu.memory_space<vmem>>, vector<16xf32>,
      tpu.vector_store %arg6[%swap3A_261, %swap3A_262], %broadcast_in_dim3A_33 {strides = array<i32>} : memref<56x1024xf32, #tpu.memory_space<vmem>>, vector<16xf32>,
      %swap3A_264 = arith.index_cast %add3A_159 : i32 to index
      %swap3A_265 = arith.constant 560 : index
      %swap3A_266 = tpu.vector_load %arg6[%swap3A_264, %swap3A_265] {strides = array<i32>} : memref<56x1024xf32, #tpu.memory_space<vmem>>, vector<16xf32>,
      tpu.vector_store %arg6[%swap3A_264, %swap3A_265], %broadcast_in_dim3A_33 {strides = array<i32>} : memref<56x1024xf32, #tpu.memory_space<vmem>>, vector<16xf32>,
      %swap3A_267 = arith.index_cast %add3A_159 : i32 to index
      %swap3A_268 = arith.constant 576 : index
      %swap3A_269 = tpu.vector_load %arg6[%swap3A_267, %swap3A_268] {strides = array<i32>} : memref<56x1024xf32, #tpu.memory_space<vmem>>, vector<16xf32>,
      tpu.vector_store %arg6[%swap3A_267, %swap3A_268], %broadcast_in_dim3A_33 {strides = array<i32>} : memref<56x1024xf32, #tpu.memory_space<vmem>>, vector<16xf32>,
      %swap3A_270 = arith.index_cast %add3A_159 : i32 to index
      %swap3A_271 = arith.constant 592 : index
      %swap3A_272 = tpu.vector_load %arg6[%swap3A_270, %swap3A_271] {strides = array<i32>} : memref<56x1024xf32, #tpu.memory_space<vmem>>, vector<16xf32>,
      tpu.vector_store %arg6[%swap3A_270, %swap3A_271], %broadcast_in_dim3A_33 {strides = array<i32>} : memref<56x1024xf32, #tpu.memory_space<vmem>>, vector<16xf32>,
      %swap3A_273 = arith.index_cast %add3A_159 : i32 to index
      %swap3A_274 = arith.constant 608 : index
      %swap3A_275 = tpu.vector_load %arg6[%swap3A_273, %swap3A_274] {strides = array<i32>} : memref<56x1024xf32, #tpu.memory_space<vmem>>, vector<16xf32>,
      tpu.vector_store %arg6[%swap3A_273, %swap3A_274], %broadcast_in_dim3A_33 {strides = array<i32>} : memref<56x1024xf32, #tpu.memory_space<vmem>>, vector<16xf32>,
      %swap3A_276 = arith.index_cast %add3A_159 : i32 to index
      %swap3A_277 = arith.constant 624 : index
      %swap3A_278 = tpu.vector_load %arg6[%swap3A_276, %swap3A_277] {strides = array<i32>} : memref<56x1024xf32, #tpu.memory_space<vmem>>, vector<16xf32>,
      tpu.vector_store %arg6[%swap3A_276, %swap3A_277], %broadcast_in_dim3A_33 {strides = array<i32>} : memref<56x1024xf32, #tpu.memory_space<vmem>>, vector<16xf32>,
      %swap3A_279 = arith.index_cast %add3A_159 : i32 to index
      %swap3A_280 = arith.constant 640 : index
      %swap3A_281 = tpu.vector_load %arg6[%swap3A_279, %swap3A_280] {strides = array<i32>} : memref<56x1024xf32, #tpu.memory_space<vmem>>, vector<16xf32>,
      tpu.vector_store %arg6[%swap3A_279, %swap3A_280], %broadcast_in_dim3A_33 {strides = array<i32>} : memref<56x1024xf32, #tpu.memory_space<vmem>>, vector<16xf32>,
      %swap3A_282 = arith.index_cast %add3A_159 : i32 to index
      %swap3A_283 = arith.constant 656 : index
      %swap3A_284 = tpu.vector_load %arg6[%swap3A_282, %swap3A_283] {strides = array<i32>} : memref<56x1024xf32, #tpu.memory_space<vmem>>, vector<16xf32>,
      tpu.vector_store %arg6[%swap3A_282, %swap3A_283], %broadcast_in_dim3A_33 {strides = array<i32>} : memref<56x1024xf32, #tpu.memory_space<vmem>>, vector<16xf32>,
      %swap3A_285 = arith.index_cast %add3A_159 : i32 to index
      %swap3A_286 = arith.constant 672 : index
      %swap3A_287 = tpu.vector_load %arg6[%swap3A_285, %swap3A_286] {strides = array<i32>} : memref<56x1024xf32, #tpu.memory_space<vmem>>, vector<16xf32>,
      tpu.vector_store %arg6[%swap3A_285, %swap3A_286], %broadcast_in_dim3A_33 {strides = array<i32>} : memref<56x1024xf32, #tpu.memory_space<vmem>>, vector<16xf32>,
      %swap3A_288 = arith.index_cast %add3A_159 : i32 to index
      %swap3A_289 = arith.constant 688 : index
      %swap3A_290 = tpu.vector_load %arg6[%swap3A_288, %swap3A_289] {strides = array<i32>} : memref<56x1024xf32, #tpu.memory_space<vmem>>, vector<16xf32>,
      tpu.vector_store %arg6[%swap3A_288, %swap3A_289], %broadcast_in_dim3A_33 {strides = array<i32>} : memref<56x1024xf32, #tpu.memory_space<vmem>>, vector<16xf32>,
      %swap3A_291 = arith.index_cast %add3A_159 : i32 to index
      %swap3A_292 = arith.constant 704 : index
      %swap3A_293 = tpu.vector_load %arg6[%swap3A_291, %swap3A_292] {strides = array<i32>} : memref<56x1024xf32, #tpu.memory_space<vmem>>, vector<16xf32>,
      tpu.vector_store %arg6[%swap3A_291, %swap3A_292], %broadcast_in_dim3A_33 {strides = array<i32>} : memref<56x1024xf32, #tpu.memory_space<vmem>>, vector<16xf32>,
      %swap3A_294 = arith.index_cast %add3A_159 : i32 to index
      %swap3A_295 = arith.constant 720 : index
      %swap3A_296 = tpu.vector_load %arg6[%swap3A_294, %swap3A_295] {strides = array<i32>} : memref<56x1024xf32, #tpu.memory_space<vmem>>, vector<16xf32>,
      tpu.vector_store %arg6[%swap3A_294, %swap3A_295], %broadcast_in_dim3A_33 {strides = array<i32>} : memref<56x1024xf32, #tpu.memory_space<vmem>>, vector<16xf32>,
      %swap3A_297 = arith.index_cast %add3A_159 : i32 to index
      %swap3A_298 = arith.constant 736 : index
      %swap3A_299 = tpu.vector_load %arg6[%swap3A_297, %swap3A_298] {strides = array<i32>} : memref<56x1024xf32, #tpu.memory_space<vmem>>, vector<16xf32>,
      tpu.vector_store %arg6[%swap3A_297, %swap3A_298], %broadcast_in_dim3A_33 {strides = array<i32>} : memref<56x1024xf32, #tpu.memory_space<vmem>>, vector<16xf32>,
      %swap3A_300 = arith.index_cast %add3A_159 : i32 to index
      %swap3A_301 = arith.constant 752 : index
      %swap3A_302 = tpu.vector_load %arg6[%swap3A_300, %swap3A_301] {strides = array<i32>} : memref<56x1024xf32, #tpu.memory_space<vmem>>, vector<16xf32>,
      tpu.vector_store %arg6[%swap3A_300, %swap3A_301], %broadcast_in_dim3A_33 {strides = array<i32>} : memref<56x1024xf32, #tpu.memory_space<vmem>>, vector<16xf32>,
      %swap3A_303 = arith.index_cast %add3A_159 : i32 to index
      %swap3A_304 = arith.constant 768 : index
      %swap3A_305 = tpu.vector_load %arg6[%swap3A_303, %swap3A_304] {strides = array<i32>} : memref<56x1024xf32, #tpu.memory_space<vmem>>, vector<16xf32>,
      tpu.vector_store %arg6[%swap3A_303, %swap3A_304], %broadcast_in_dim3A_33 {strides = array<i32>} : memref<56x1024xf32, #tpu.memory_space<vmem>>, vector<16xf32>,
      %swap3A_306 = arith.index_cast %add3A_159 : i32 to index
      %swap3A_307 = arith.constant 784 : index
      %swap3A_308 = tpu.vector_load %arg6[%swap3A_306, %swap3A_307] {strides = array<i32>} : memref<56x1024xf32, #tpu.memory_space<vmem>>, vector<16xf32>,
      tpu.vector_store %arg6[%swap3A_306, %swap3A_307], %broadcast_in_dim3A_33 {strides = array<i32>} : memref<56x1024xf32, #tpu.memory_space<vmem>>, vector<16xf32>,
      %swap3A_309 = arith.index_cast %add3A_159 : i32 to index
      %swap3A_310 = arith.constant 800 : index
      %swap3A_311 = tpu.vector_load %arg6[%swap3A_309, %swap3A_310] {strides = array<i32>} : memref<56x1024xf32, #tpu.memory_space<vmem>>, vector<16xf32>,
      tpu.vector_store %arg6[%swap3A_309, %swap3A_310], %broadcast_in_dim3A_33 {strides = array<i32>} : memref<56x1024xf32, #tpu.memory_space<vmem>>, vector<16xf32>,
      %swap3A_312 = arith.index_cast %add3A_159 : i32 to index
      %swap3A_313 = arith.constant 816 : index
      %swap3A_314 = tpu.vector_load %arg6[%swap3A_312, %swap3A_313] {strides = array<i32>} : memref<56x1024xf32, #tpu.memory_space<vmem>>, vector<16xf32>,
      tpu.vector_store %arg6[%swap3A_312, %swap3A_313], %broadcast_in_dim3A_33 {strides = array<i32>} : memref<56x1024xf32, #tpu.memory_space<vmem>>, vector<16xf32>,
      %swap3A_315 = arith.index_cast %add3A_159 : i32 to index
      %swap3A_316 = arith.constant 832 : index
      %swap3A_317 = tpu.vector_load %arg6[%swap3A_315, %swap3A_316] {strides = array<i32>} : memref<56x1024xf32, #tpu.memory_space<vmem>>, vector<16xf32>,
      tpu.vector_store %arg6[%swap3A_315, %swap3A_316], %broadcast_in_dim3A_33 {strides = array<i32>} : memref<56x1024xf32, #tpu.memory_space<vmem>>, vector<16xf32>,
      %swap3A_318 = arith.index_cast %add3A_159 : i32 to index
      %swap3A_319 = arith.constant 848 : index
      %swap3A_320 = tpu.vector_load %arg6[%swap3A_318, %swap3A_319] {strides = array<i32>} : memref<56x1024xf32, #tpu.memory_space<vmem>>, vector<16xf32>,
      tpu.vector_store %arg6[%swap3A_318, %swap3A_319], %broadcast_in_dim3A_33 {strides = array<i32>} : memref<56x1024xf32, #tpu.memory_space<vmem>>, vector<16xf32>,
      %swap3A_321 = arith.index_cast %add3A_159 : i32 to index
      %swap3A_322 = arith.constant 864 : index
      %swap3A_323 = tpu.vector_load %arg6[%swap3A_321, %swap3A_322] {strides = array<i32>} : memref<56x1024xf32, #tpu.memory_space<vmem>>, vector<16xf32>,
      tpu.vector_store %arg6[%swap3A_321, %swap3A_322], %broadcast_in_dim3A_33 {strides = array<i32>} : memref<56x1024xf32, #tpu.memory_space<vmem>>, vector<16xf32>,
      %swap3A_324 = arith.index_cast %add3A_159 : i32 to index
      %swap3A_325 = arith.constant 880 : index
      %swap3A_326 = tpu.vector_load %arg6[%swap3A_324, %swap3A_325] {strides = array<i32>} : memref<56x1024xf32, #tpu.memory_space<vmem>>, vector<16xf32>,
      tpu.vector_store %arg6[%swap3A_324, %swap3A_325], %broadcast_in_dim3A_33 {strides = array<i32>} : memref<56x1024xf32, #tpu.memory_space<vmem>>, vector<16xf32>,
      %swap3A_327 = arith.index_cast %add3A_159 : i32 to index
      %swap3A_328 = arith.constant 896 : index
      %swap3A_329 = tpu.vector_load %arg6[%swap3A_327, %swap3A_328] {strides = array<i32>} : memref<56x1024xf32, #tpu.memory_space<vmem>>, vector<16xf32>,
      tpu.vector_store %arg6[%swap3A_327, %swap3A_328], %broadcast_in_dim3A_33 {strides = array<i32>} : memref<56x1024xf32, #tpu.memory_space<vmem>>, vector<16xf32>,
      %swap3A_330 = arith.index_cast %add3A_159 : i32 to index
      %swap3A_331 = arith.constant 912 : index
      %swap3A_332 = tpu.vector_load %arg6[%swap3A_330, %swap3A_331] {strides = array<i32>} : memref<56x1024xf32, #tpu.memory_space<vmem>>, vector<16xf32>,
      tpu.vector_store %arg6[%swap3A_330, %swap3A_331], %broadcast_in_dim3A_33 {strides = array<i32>} : memref<56x1024xf32, #tpu.memory_space<vmem>>, vector<16xf32>,
      %swap3A_333 = arith.index_cast %add3A_159 : i32 to index
      %swap3A_334 = arith.constant 928 : index
      %swap3A_335 = tpu.vector_load %arg6[%swap3A_333, %swap3A_334] {strides = array<i32>} : memref<56x1024xf32, #tpu.memory_space<vmem>>, vector<16xf32>,
      tpu.vector_store %arg6[%swap3A_333, %swap3A_334], %broadcast_in_dim3A_33 {strides = array<i32>} : memref<56x1024xf32, #tpu.memory_space<vmem>>, vector<16xf32>,
      %swap3A_336 = arith.index_cast %add3A_159 : i32 to index
      %swap3A_337 = arith.constant 944 : index
      %swap3A_338 = tpu.vector_load %arg6[%swap3A_336, %swap3A_337] {strides = array<i32>} : memref<56x1024xf32, #tpu.memory_space<vmem>>, vector<16xf32>,
      tpu.vector_store %arg6[%swap3A_336, %swap3A_337], %broadcast_in_dim3A_33 {strides = array<i32>} : memref<56x1024xf32, #tpu.memory_space<vmem>>, vector<16xf32>,
      %swap3A_339 = arith.index_cast %add3A_159 : i32 to index
      %swap3A_340 = arith.constant 960 : index
      %swap3A_341 = tpu.vector_load %arg6[%swap3A_339, %swap3A_340] {strides = array<i32>} : memref<56x1024xf32, #tpu.memory_space<vmem>>, vector<16xf32>,
      tpu.vector_store %arg6[%swap3A_339, %swap3A_340], %broadcast_in_dim3A_33 {strides = array<i32>} : memref<56x1024xf32, #tpu.memory_space<vmem>>, vector<16xf32>,
      %swap3A_342 = arith.index_cast %add3A_159 : i32 to index
      %swap3A_343 = arith.constant 976 : index
      %swap3A_344 = tpu.vector_load %arg6[%swap3A_342, %swap3A_343] {strides = array<i32>} : memref<56x1024xf32, #tpu.memory_space<vmem>>, vector<16xf32>,
      tpu.vector_store %arg6[%swap3A_342, %swap3A_343], %broadcast_in_dim3A_33 {strides = array<i32>} : memref<56x1024xf32, #tpu.memory_space<vmem>>, vector<16xf32>,
      %swap3A_345 = arith.index_cast %add3A_159 : i32 to index
      %swap3A_346 = arith.constant 992 : index
      %swap3A_347 = tpu.vector_load %arg6[%swap3A_345, %swap3A_346] {strides = array<i32>} : memref<56x1024xf32, #tpu.memory_space<vmem>>, vector<16xf32>,
      tpu.vector_store %arg6[%swap3A_345, %swap3A_346], %broadcast_in_dim3A_33 {strides = array<i32>} : memref<56x1024xf32, #tpu.memory_space<vmem>>, vector<16xf32>,
      %swap3A_348 = arith.index_cast %add3A_159 : i32 to index
      %swap3A_349 = arith.constant 1008 : index
      %swap3A_350 = tpu.vector_load %arg6[%swap3A_348, %swap3A_349] {strides = array<i32>} : memref<56x1024xf32, #tpu.memory_space<vmem>>, vector<16xf32>,
      tpu.vector_store %arg6[%swap3A_348, %swap3A_349], %broadcast_in_dim3A_33 {strides = array<i32>} : memref<56x1024xf32, #tpu.memory_space<vmem>>, vector<16xf32>,
    }
    %scan3A_58 = arith.constant 56 : i32
    %scan3A_59 = arith.constant 0 : i32
    %scan3A_60 = arith.constant 64 : i32
    %scan3A_61 = arith.addi %scan3A_59, %scan3A_60 : i32
    %scan3A_62 = arith.constant 4 : i32
    scf.for %scan3A_155 = %scan3A_59 to %scan3A_61 step %scan3A_62  : i32 {
      %mul3A_156 = arith.constant 1 : i32
      %mul3A_157 = arith.muli %scan3A_155, %mul3A_156 : i32
      %add3A_158 = arith.constant 0 : i32
      %add3A_159 = arith.addi %add3A_158, %mul3A_157 : i32
      %mul3A_160 = arith.constant 16 : i32
      %mul3A_161 = arith.muli %add3A_159, %mul3A_160 : i32
      %get3A = arith.index_cast %mul3A_161 : i32 to index
      %get3A_162 = tpu.vector_load %arg4[%get3A] {strides = array<i32>} : memref<1024xi32, #tpu.memory_space<vmem>>, vector<16xi32>,
      %mul3A_163 = arith.constant 16 : i32
      %mul3A_164 = arith.muli %add3A_159, %mul3A_163 : i32
      %add3A_165 = vector.broadcast %mul3A_164 : i32 to vector<16xi32>
      %add3A_166 = arith.addi %iota3A, %add3A_165 : vector<16xi32>
      %ge3A = vector.broadcast %add3A_53 : i32 to vector<16xi32>
      %ge3A_167 = arith.cmpi sge, %get3A_162, %ge3A : vector<16xi32>
      %add3A_168 = arith.constant 56 : i32
      %add3A_169 = arith.addi %add3A_53, %add3A_168 : i32
      %lt3A_170 = vector.broadcast %add3A_169 : i32 to vector<16xi32>
      %lt3A_171 = arith.cmpi slt, %get3A_162, %lt3A_170 : vector<16xi32>
      %and3A_172 = arith.andi %ge3A_167, %lt3A_171 : vector<16xi1>
      %sub3A_173 = vector.broadcast %add3A_53 : i32 to vector<16xi32>
      %sub3A_174 = arith.subi %get3A_162, %sub3A_173 : vector<16xi32>
      tpu.vector_store_idx %arg6[%sub3A_174, %add3A_166], %broadcast_in_dim3A_35 masked %and3A_172 : memref<56x1024xf32, #tpu.memory_space<vmem>>[vector<16xi32>, vector<16xi32>], vector<16xf32>, vector<16xi1>
      %scan3A_175 = arith.constant 1 : i32
      %scan3A_176 = arith.addi %scan3A_155, %scan3A_175 : i32
      %mul3A_177 = arith.constant 1 : i32
      %mul3A_178 = arith.muli %scan3A_176, %mul3A_177 : i32
      %add3A_179 = arith.constant 0 : i32
      %add3A_180 = arith.addi %add3A_179, %mul3A_178 : i32
      %mul3A_181 = arith.constant 16 : i32
      %mul3A_182 = arith.muli %add3A_180, %mul3A_181 : i32
      %get3A_183 = arith.index_cast %mul3A_182 : i32 to index
      %get3A_184 = tpu.vector_load %arg4[%get3A_183] {strides = array<i32>} : memref<1024xi32, #tpu.memory_space<vmem>>, vector<16xi32>,
      %mul3A_185 = arith.constant 16 : i32
      %mul3A_186 = arith.muli %add3A_180, %mul3A_185 : i32
      %add3A_187 = vector.broadcast %mul3A_186 : i32 to vector<16xi32>
      %add3A_188 = arith.addi %iota3A, %add3A_187 : vector<16xi32>
      %ge3A_189 = vector.broadcast %add3A_53 : i32 to vector<16xi32>
      %ge3A_190 = arith.cmpi sge, %get3A_184, %ge3A_189 : vector<16xi32>
      %add3A_191 = arith.constant 56 : i32
      %add3A_192 = arith.addi %add3A_53, %add3A_191 : i32
      %lt3A_193 = vector.broadcast %add3A_192 : i32 to vector<16xi32>
      %lt3A_194 = arith.cmpi slt, %get3A_184, %lt3A_193 : vector<16xi32>
      %and3A_195 = arith.andi %ge3A_190, %lt3A_194 : vector<16xi1>
      %sub3A_196 = vector.broadcast %add3A_53 : i32 to vector<16xi32>
      %sub3A_197 = arith.subi %get3A_184, %sub3A_196 : vector<16xi32>
      tpu.vector_store_idx %arg6[%sub3A_197, %add3A_188], %broadcast_in_dim3A_35 masked %and3A_195 : memref<56x1024xf32, #tpu.memory_space<vmem>>[vector<16xi32>, vector<16xi32>], vector<16xf32>, vector<16xi1>
      %scan3A_198 = arith.constant 2 : i32
      %scan3A_199 = arith.addi %scan3A_155, %scan3A_198 : i32
      %mul3A_200 = arith.constant 1 : i32
      %mul3A_201 = arith.muli %scan3A_199, %mul3A_200 : i32
      %add3A_202 = arith.constant 0 : i32
      %add3A_203 = arith.addi %add3A_202, %mul3A_201 : i32
      %mul3A_204 = arith.constant 16 : i32
      %mul3A_205 = arith.muli %add3A_203, %mul3A_204 : i32
      %get3A_206 = arith.index_cast %mul3A_205 : i32 to index
      %get3A_207 = tpu.vector_load %arg4[%get3A_206] {strides = array<i32>} : memref<1024xi32, #tpu.memory_space<vmem>>, vector<16xi32>,
      %mul3A_208 = arith.constant 16 : i32
      %mul3A_209 = arith.muli %add3A_203, %mul3A_208 : i32
      %add3A_210 = vector.broadcast %mul3A_209 : i32 to vector<16xi32>
      %add3A_211 = arith.addi %iota3A, %add3A_210 : vector<16xi32>
      %ge3A_212 = vector.broadcast %add3A_53 : i32 to vector<16xi32>
      %ge3A_213 = arith.cmpi sge, %get3A_207, %ge3A_212 : vector<16xi32>
      %add3A_214 = arith.constant 56 : i32
      %add3A_215 = arith.addi %add3A_53, %add3A_214 : i32
      %lt3A_216 = vector.broadcast %add3A_215 : i32 to vector<16xi32>
      %lt3A_217 = arith.cmpi slt, %get3A_207, %lt3A_216 : vector<16xi32>
      %and3A_218 = arith.andi %ge3A_213, %lt3A_217 : vector<16xi1>
      %sub3A_219 = vector.broadcast %add3A_53 : i32 to vector<16xi32>
      %sub3A_220 = arith.subi %get3A_207, %sub3A_219 : vector<16xi32>
      tpu.vector_store_idx %arg6[%sub3A_220, %add3A_211], %broadcast_in_dim3A_35 masked %and3A_218 : memref<56x1024xf32, #tpu.memory_space<vmem>>[vector<16xi32>, vector<16xi32>], vector<16xf32>, vector<16xi1>
      %scan3A_221 = arith.constant 3 : i32
      %scan3A_222 = arith.addi %scan3A_155, %scan3A_221 : i32
      %mul3A_223 = arith.constant 1 : i32
      %mul3A_224 = arith.muli %scan3A_222, %mul3A_223 : i32
      %add3A_225 = arith.constant 0 : i32
      %add3A_226 = arith.addi %add3A_225, %mul3A_224 : i32
      %mul3A_227 = arith.constant 16 : i32
      %mul3A_228 = arith.muli %add3A_226, %mul3A_227 : i32
      %get3A_229 = arith.index_cast %mul3A_228 : i32 to index
      %get3A_230 = tpu.vector_load %arg4[%get3A_229] {strides = array<i32>} : memref<1024xi32, #tpu.memory_space<vmem>>, vector<16xi32>,
      %mul3A_231 = arith.constant 16 : i32
      %mul3A_232 = arith.muli %add3A_226, %mul3A_231 : i32
      %add3A_233 = vector.broadcast %mul3A_232 : i32 to vector<16xi32>
      %add3A_234 = arith.addi %iota3A, %add3A_233 : vector<16xi32>
      %ge3A_235 = vector.broadcast %add3A_53 : i32 to vector<16xi32>
      %ge3A_236 = arith.cmpi sge, %get3A_230, %ge3A_235 : vector<16xi32>
      %add3A_237 = arith.constant 56 : i32
      %add3A_238 = arith.addi %add3A_53, %add3A_237 : i32
      %lt3A_239 = vector.broadcast %add3A_238 : i32 to vector<16xi32>
      %lt3A_240 = arith.cmpi slt, %get3A_230, %lt3A_239 : vector<16xi32>
      %and3A_241 = arith.andi %ge3A_236, %lt3A_240 : vector<16xi1>
      %sub3A_242 = vector.broadcast %add3A_53 : i32 to vector<16xi32>
      %sub3A_243 = arith.subi %get3A_230, %sub3A_242 : vector<16xi32>
      tpu.vector_store_idx %arg6[%sub3A_243, %add3A_234], %broadcast_in_dim3A_35 masked %and3A_241 : memref<56x1024xf32, #tpu.memory_space<vmem>>[vector<16xi32>, vector<16xi32>], vector<16xf32>, vector<16xi1>
    }
    %scan3A_63 = arith.constant 64 : i32
    %dma_start3A_64 = tpu.memref_slice %arg3[%add3A_53, %mul3A_32] : memref<1000x16384xf32, #tpu.memory_space<hbm>> -> memref<56x1024xf32, #tpu.memory_space<hbm>>
    %dma_start3A_65 = tpu.memref_slice %arg3[%add3A_53, %mul3A_32] : memref<1000x16384xf32, #tpu.memory_space<hbm>> -> memref<56x1024xf32, #tpu.memory_space<hbm>>
    tpu.enqueue_dma source(%arg6 : memref<56x1024xf32, #tpu.memory_space<vmem>>) target(%dma_start3A_65 : memref<56x1024xf32, #tpu.memory_space<hbm>>) target_semaphore(%arg8 : memref<!tpu.dma_semaphore, #tpu.memory_space<semaphore_mem>>)
    %add3A_66 = arith.constant 112 : i32
    %add3A_67 = arith.addi %mul3A_39, %add3A_66 : i32
    %dma_wait3A = tpu.memref_slice %arg3[%add3A_41, %mul3A_32] : memref<1000x16384xf32, #tpu.memory_space<hbm>> -> memref<56x1024xf32, #tpu.memory_space<hbm>>
    %dma_wait3A_68 = tpu.memref_slice %arg3[%add3A_41, %mul3A_32] : memref<1000x16384xf32, #tpu.memory_space<hbm>> -> memref<56x1024xf32, #tpu.memory_space<hbm>>
    tpu.wait_dma2 semaphore(%arg7 : memref<!tpu.dma_semaphore, #tpu.memory_space<semaphore_mem>>) src(%arg5 : memref<56x1024xf32, #tpu.memory_space<vmem>>) dst(%dma_wait3A_68 : memref<56x1024xf32, #tpu.memory_space<hbm>>)
    %scan3A_69 = arith.constant 0 : i32
    %scan3A_70 = arith.constant 64 : i32
    %scan3A_71 = arith.addi %scan3A_69, %scan3A_70 : i32
    %scan3A_72 = arith.constant 4 : i32
    scf.for %scan3A_155 = %scan3A_69 to %scan3A_71 step %scan3A_72  : i32 {
      %mul3A_156 = arith.constant 1 : i32
      %mul3A_157 = arith.muli %scan3A_155, %mul3A_156 : i32
      %add3A_158 = arith.constant 0 : i32
      %add3A_159 = arith.addi %add3A_158, %mul3A_157 : i32
      %mul3A_160 = arith.constant 16 : i32
      %mul3A_161 = arith.muli %add3A_159, %mul3A_160 : i32
      %get3A = arith.index_cast %mul3A_161 : i32 to index
      %get3A_162 = tpu.vector_load %arg4[%get3A] {strides = array<i32>} : memref<1024xi32, #tpu.memory_space<vmem>>, vector<16xi32>,
      %mul3A_163 = arith.constant 16 : i32
      %mul3A_164 = arith.muli %add3A_159, %mul3A_163 : i32
      %add3A_165 = vector.broadcast %mul3A_164 : i32 to vector<16xi32>
      %add3A_166 = arith.addi %iota3A, %add3A_165 : vector<16xi32>
      %ge3A = vector.broadcast %add3A_41 : i32 to vector<16xi32>
      %ge3A_167 = arith.cmpi sge, %get3A_162, %ge3A : vector<16xi32>
      %add3A_168 = arith.constant 56 : i32
      %add3A_169 = arith.addi %add3A_41, %add3A_168 : i32
      %lt3A_170 = vector.broadcast %add3A_169 : i32 to vector<16xi32>
      %lt3A_171 = arith.cmpi slt, %get3A_162, %lt3A_170 : vector<16xi32>
      %and3A_172 = arith.andi %ge3A_167, %lt3A_171 : vector<16xi1>
      %sub3A_173 = vector.broadcast %add3A_41 : i32 to vector<16xi32>
      %sub3A_174 = arith.subi %get3A_162, %sub3A_173 : vector<16xi32>
      tpu.vector_store_idx %arg5[%sub3A_174, %add3A_166], %broadcast_in_dim3A_37 masked %and3A_172 : memref<56x1024xf32, #tpu.memory_space<vmem>>[vector<16xi32>, vector<16xi32>], vector<16xf32>, vector<16xi1>
      %ge3A_175 = vector.broadcast %add3A_67 : i32 to vector<16xi32>
      %ge3A_176 = arith.cmpi sge, %get3A_162, %ge3A_175 : vector<16xi32>
      %add3A_177 = arith.constant 56 : i32
      %add3A_178 = arith.addi %add3A_67, %add3A_177 : i32
      %lt3A_179 = vector.broadcast %add3A_178 : i32 to vector<16xi32>
      %lt3A_180 = arith.cmpi slt, %get3A_162, %lt3A_179 : vector<16xi32>
      %and3A_181 = arith.andi %ge3A_176, %lt3A_180 : vector<16xi1>
      %sub3A_182 = vector.broadcast %add3A_67 : i32 to vector<16xi32>
      %sub3A_183 = arith.subi %get3A_162, %sub3A_182 : vector<16xi32>
      tpu.vector_store_idx %arg5[%sub3A_183, %add3A_166], %broadcast_in_dim3A_35 masked %and3A_181 : memref<56x1024xf32, #tpu.memory_space<vmem>>[vector<16xi32>, vector<16xi32>], vector<16xf32>, vector<16xi1>
      %scan3A_184 = arith.constant 1 : i32
      %scan3A_185 = arith.addi %scan3A_155, %scan3A_184 : i32
      %mul3A_186 = arith.constant 1 : i32
      %mul3A_187 = arith.muli %scan3A_185, %mul3A_186 : i32
      %add3A_188 = arith.constant 0 : i32
      %add3A_189 = arith.addi %add3A_188, %mul3A_187 : i32
      %mul3A_190 = arith.constant 16 : i32
      %mul3A_191 = arith.muli %add3A_189, %mul3A_190 : i32
      %get3A_192 = arith.index_cast %mul3A_191 : i32 to index
      %get3A_193 = tpu.vector_load %arg4[%get3A_192] {strides = array<i32>} : memref<1024xi32, #tpu.memory_space<vmem>>, vector<16xi32>,
      %mul3A_194 = arith.constant 16 : i32
      %mul3A_195 = arith.muli %add3A_189, %mul3A_194 : i32
      %add3A_196 = vector.broadcast %mul3A_195 : i32 to vector<16xi32>
      %add3A_197 = arith.addi %iota3A, %add3A_196 : vector<16xi32>
      %ge3A_198 = vector.broadcast %add3A_41 : i32 to vector<16xi32>
      %ge3A_199 = arith.cmpi sge, %get3A_193, %ge3A_198 : vector<16xi32>
      %add3A_200 = arith.constant 56 : i32
      %add3A_201 = arith.addi %add3A_41, %add3A_200 : i32
      %lt3A_202 = vector.broadcast %add3A_201 : i32 to vector<16xi32>
      %lt3A_203 = arith.cmpi slt, %get3A_193, %lt3A_202 : vector<16xi32>
      %and3A_204 = arith.andi %ge3A_199, %lt3A_203 : vector<16xi1>
      %sub3A_205 = vector.broadcast %add3A_41 : i32 to vector<16xi32>
      %sub3A_206 = arith.subi %get3A_193, %sub3A_205 : vector<16xi32>
      tpu.vector_store_idx %arg5[%sub3A_206, %add3A_197], %broadcast_in_dim3A_37 masked %and3A_204 : memref<56x1024xf32, #tpu.memory_space<vmem>>[vector<16xi32>, vector<16xi32>], vector<16xf32>, vector<16xi1>
      %ge3A_207 = vector.broadcast %add3A_67 : i32 to vector<16xi32>
      %ge3A_208 = arith.cmpi sge, %get3A_193, %ge3A_207 : vector<16xi32>
      %add3A_209 = arith.constant 56 : i32
      %add3A_210 = arith.addi %add3A_67, %add3A_209 : i32
      %lt3A_211 = vector.broadcast %add3A_210 : i32 to vector<16xi32>
      %lt3A_212 = arith.cmpi slt, %get3A_193, %lt3A_211 : vector<16xi32>
      %and3A_213 = arith.andi %ge3A_208, %lt3A_212 : vector<16xi1>
      %sub3A_214 = vector.broadcast %add3A_67 : i32 to vector<16xi32>
      %sub3A_215 = arith.subi %get3A_193, %sub3A_214 : vector<16xi32>
      tpu.vector_store_idx %arg5[%sub3A_215, %add3A_197], %broadcast_in_dim3A_35 masked %and3A_213 : memref<56x1024xf32, #tpu.memory_space<vmem>>[vector<16xi32>, vector<16xi32>], vector<16xf32>, vector<16xi1>
      %scan3A_216 = arith.constant 2 : i32
      %scan3A_217 = arith.addi %scan3A_155, %scan3A_216 : i32
      %mul3A_218 = arith.constant 1 : i32
      %mul3A_219 = arith.muli %scan3A_217, %mul3A_218 : i32
      %add3A_220 = arith.constant 0 : i32
      %add3A_221 = arith.addi %add3A_220, %mul3A_219 : i32
      %mul3A_222 = arith.constant 16 : i32
      %mul3A_223 = arith.muli %add3A_221, %mul3A_222 : i32
      %get3A_224 = arith.index_cast %mul3A_223 : i32 to index
      %get3A_225 = tpu.vector_load %arg4[%get3A_224] {strides = array<i32>} : memref<1024xi32, #tpu.memory_space<vmem>>, vector<16xi32>,
      %mul3A_226 = arith.constant 16 : i32
      %mul3A_227 = arith.muli %add3A_221, %mul3A_226 : i32
      %add3A_228 = vector.broadcast %mul3A_227 : i32 to vector<16xi32>
      %add3A_229 = arith.addi %iota3A, %add3A_228 : vector<16xi32>
      %ge3A_230 = vector.broadcast %add3A_41 : i32 to vector<16xi32>
      %ge3A_231 = arith.cmpi sge, %get3A_225, %ge3A_230 : vector<16xi32>
      %add3A_232 = arith.constant 56 : i32
      %add3A_233 = arith.addi %add3A_41, %add3A_232 : i32
      %lt3A_234 = vector.broadcast %add3A_233 : i32 to vector<16xi32>
      %lt3A_235 = arith.cmpi slt, %get3A_225, %lt3A_234 : vector<16xi32>
      %and3A_236 = arith.andi %ge3A_231, %lt3A_235 : vector<16xi1>
      %sub3A_237 = vector.broadcast %add3A_41 : i32 to vector<16xi32>
      %sub3A_238 = arith.subi %get3A_225, %sub3A_237 : vector<16xi32>
      tpu.vector_store_idx %arg5[%sub3A_238, %add3A_229], %broadcast_in_dim3A_37 masked %and3A_236 : memref<56x1024xf32, #tpu.memory_space<vmem>>[vector<16xi32>, vector<16xi32>], vector<16xf32>, vector<16xi1>
      %ge3A_239 = vector.broadcast %add3A_67 : i32 to vector<16xi32>
      %ge3A_240 = arith.cmpi sge, %get3A_225, %ge3A_239 : vector<16xi32>
      %add3A_241 = arith.constant 56 : i32
      %add3A_242 = arith.addi %add3A_67, %add3A_241 : i32
      %lt3A_243 = vector.broadcast %add3A_242 : i32 to vector<16xi32>
      %lt3A_244 = arith.cmpi slt, %get3A_225, %lt3A_243 : vector<16xi32>
      %and3A_245 = arith.andi %ge3A_240, %lt3A_244 : vector<16xi1>
      %sub3A_246 = vector.broadcast %add3A_67 : i32 to vector<16xi32>
      %sub3A_247 = arith.subi %get3A_225, %sub3A_246 : vector<16xi32>
      tpu.vector_store_idx %arg5[%sub3A_247, %add3A_229], %broadcast_in_dim3A_35 masked %and3A_245 : memref<56x1024xf32, #tpu.memory_space<vmem>>[vector<16xi32>, vector<16xi32>], vector<16xf32>, vector<16xi1>
      %scan3A_248 = arith.constant 3 : i32
      %scan3A_249 = arith.addi %scan3A_155, %scan3A_248 : i32
      %mul3A_250 = arith.constant 1 : i32
      %mul3A_251 = arith.muli %scan3A_249, %mul3A_250 : i32
      %add3A_252 = arith.constant 0 : i32
      %add3A_253 = arith.addi %add3A_252, %mul3A_251 : i32
      %mul3A_254 = arith.constant 16 : i32
      %mul3A_255 = arith.muli %add3A_253, %mul3A_254 : i32
      %get3A_256 = arith.index_cast %mul3A_255 : i32 to index
      %get3A_257 = tpu.vector_load %arg4[%get3A_256] {strides = array<i32>} : memref<1024xi32, #tpu.memory_space<vmem>>, vector<16xi32>,
      %mul3A_258 = arith.constant 16 : i32
      %mul3A_259 = arith.muli %add3A_253, %mul3A_258 : i32
      %add3A_260 = vector.broadcast %mul3A_259 : i32 to vector<16xi32>
      %add3A_261 = arith.addi %iota3A, %add3A_260 : vector<16xi32>
      %ge3A_262 = vector.broadcast %add3A_41 : i32 to vector<16xi32>
      %ge3A_263 = arith.cmpi sge, %get3A_257, %ge3A_262 : vector<16xi32>
      %add3A_264 = arith.constant 56 : i32
      %add3A_265 = arith.addi %add3A_41, %add3A_264 : i32
      %lt3A_266 = vector.broadcast %add3A_265 : i32 to vector<16xi32>
      %lt3A_267 = arith.cmpi slt, %get3A_257, %lt3A_266 : vector<16xi32>
      %and3A_268 = arith.andi %ge3A_263, %lt3A_267 : vector<16xi1>
      %sub3A_269 = vector.broadcast %add3A_41 : i32 to vector<16xi32>
      %sub3A_270 = arith.subi %get3A_257, %sub3A_269 : vector<16xi32>
      tpu.vector_store_idx %arg5[%sub3A_270, %add3A_261], %broadcast_in_dim3A_37 masked %and3A_268 : memref<56x1024xf32, #tpu.memory_space<vmem>>[vector<16xi32>, vector<16xi32>], vector<16xf32>, vector<16xi1>
      %ge3A_271 = vector.broadcast %add3A_67 : i32 to vector<16xi32>
      %ge3A_272 = arith.cmpi sge, %get3A_257, %ge3A_271 : vector<16xi32>
      %add3A_273 = arith.constant 56 : i32
      %add3A_274 = arith.addi %add3A_67, %add3A_273 : i32
      %lt3A_275 = vector.broadcast %add3A_274 : i32 to vector<16xi32>
      %lt3A_276 = arith.cmpi slt, %get3A_257, %lt3A_275 : vector<16xi32>
      %and3A_277 = arith.andi %ge3A_272, %lt3A_276 : vector<16xi1>
      %sub3A_278 = vector.broadcast %add3A_67 : i32 to vector<16xi32>
      %sub3A_279 = arith.subi %get3A_257, %sub3A_278 : vector<16xi32>
      tpu.vector_store_idx %arg5[%sub3A_279, %add3A_261], %broadcast_in_dim3A_35 masked %and3A_277 : memref<56x1024xf32, #tpu.memory_space<vmem>>[vector<16xi32>, vector<16xi32>], vector<16xf32>, vector<16xi1>
    }
    %scan3A_73 = arith.constant 64 : i32
    %dma_start3A_74 = tpu.memref_slice %arg3[%add3A_67, %mul3A_32] : memref<1000x16384xf32, #tpu.memory_space<hbm>> -> memref<56x1024xf32, #tpu.memory_space<hbm>>
    %dma_start3A_75 = tpu.memref_slice %arg3[%add3A_67, %mul3A_32] : memref<1000x16384xf32, #tpu.memory_space<hbm>> -> memref<56x1024xf32, #tpu.memory_space<hbm>>
    tpu.enqueue_dma source(%arg5 : memref<56x1024xf32, #tpu.memory_space<vmem>>) target(%dma_start3A_75 : memref<56x1024xf32, #tpu.memory_space<hbm>>) target_semaphore(%arg7 : memref<!tpu.dma_semaphore, #tpu.memory_space<semaphore_mem>>)
    %add3A_76 = arith.constant 168 : i32
    %add3A_77 = arith.addi %mul3A_39, %add3A_76 : i32
    %dma_wait3A_78 = tpu.memref_slice %arg3[%add3A_53, %mul3A_32] : memref<1000x16384xf32, #tpu.memory_space<hbm>> -> memref<56x1024xf32, #tpu.memory_space<hbm>>
    %dma_wait3A_79 = tpu.memref_slice %arg3[%add3A_53, %mul3A_32] : memref<1000x16384xf32, #tpu.memory_space<hbm>> -> memref<56x1024xf32, #tpu.memory_space<hbm>>
    tpu.wait_dma2 semaphore(%arg8 : memref<!tpu.dma_semaphore, #tpu.memory_space<semaphore_mem>>) src(%arg6 : memref<56x1024xf32, #tpu.memory_space<vmem>>) dst(%dma_wait3A_79 : memref<56x1024xf32, #tpu.memory_space<hbm>>)
    %scan3A_80 = arith.constant 0 : i32
    %scan3A_81 = arith.constant 64 : i32
    %scan3A_82 = arith.addi %scan3A_80, %scan3A_81 : i32
    %scan3A_83 = arith.constant 4 : i32
    scf.for %scan3A_155 = %scan3A_80 to %scan3A_82 step %scan3A_83  : i32 {
      %mul3A_156 = arith.constant 1 : i32
      %mul3A_157 = arith.muli %scan3A_155, %mul3A_156 : i32
      %add3A_158 = arith.constant 0 : i32
      %add3A_159 = arith.addi %add3A_158, %mul3A_157 : i32
      %mul3A_160 = arith.constant 16 : i32
      %mul3A_161 = arith.muli %add3A_159, %mul3A_160 : i32
      %get3A = arith.index_cast %mul3A_161 : i32 to index
      %get3A_162 = tpu.vector_load %arg4[%get3A] {strides = array<i32>} : memref<1024xi32, #tpu.memory_space<vmem>>, vector<16xi32>,
      %mul3A_163 = arith.constant 16 : i32
      %mul3A_164 = arith.muli %add3A_159, %mul3A_163 : i32
      %add3A_165 = vector.broadcast %mul3A_164 : i32 to vector<16xi32>
      %add3A_166 = arith.addi %iota3A, %add3A_165 : vector<16xi32>
      %ge3A = vector.broadcast %add3A_53 : i32 to vector<16xi32>
      %ge3A_167 = arith.cmpi sge, %get3A_162, %ge3A : vector<16xi32>
      %add3A_168 = arith.constant 56 : i32
      %add3A_169 = arith.addi %add3A_53, %add3A_168 : i32
      %lt3A_170 = vector.broadcast %add3A_169 : i32 to vector<16xi32>
      %lt3A_171 = arith.cmpi slt, %get3A_162, %lt3A_170 : vector<16xi32>
      %and3A_172 = arith.andi %ge3A_167, %lt3A_171 : vector<16xi1>
      %sub3A_173 = vector.broadcast %add3A_53 : i32 to vector<16xi32>
      %sub3A_174 = arith.subi %get3A_162, %sub3A_173 : vector<16xi32>
      tpu.vector_store_idx %arg6[%sub3A_174, %add3A_166], %broadcast_in_dim3A_37 masked %and3A_172 : memref<56x1024xf32, #tpu.memory_space<vmem>>[vector<16xi32>, vector<16xi32>], vector<16xf32>, vector<16xi1>
      %ge3A_175 = vector.broadcast %add3A_77 : i32 to vector<16xi32>
      %ge3A_176 = arith.cmpi sge, %get3A_162, %ge3A_175 : vector<16xi32>
      %add3A_177 = arith.constant 56 : i32
      %add3A_178 = arith.addi %add3A_77, %add3A_177 : i32
      %lt3A_179 = vector.broadcast %add3A_178 : i32 to vector<16xi32>
      %lt3A_180 = arith.cmpi slt, %get3A_162, %lt3A_179 : vector<16xi32>
      %and3A_181 = arith.andi %ge3A_176, %lt3A_180 : vector<16xi1>
      %sub3A_182 = vector.broadcast %add3A_77 : i32 to vector<16xi32>
      %sub3A_183 = arith.subi %get3A_162, %sub3A_182 : vector<16xi32>
      tpu.vector_store_idx %arg6[%sub3A_183, %add3A_166], %broadcast_in_dim3A_35 masked %and3A_181 : memref<56x1024xf32, #tpu.memory_space<vmem>>[vector<16xi32>, vector<16xi32>], vector<16xf32>, vector<16xi1>
      %scan3A_184 = arith.constant 1 : i32
      %scan3A_185 = arith.addi %scan3A_155, %scan3A_184 : i32
      %mul3A_186 = arith.constant 1 : i32
      %mul3A_187 = arith.muli %scan3A_185, %mul3A_186 : i32
      %add3A_188 = arith.constant 0 : i32
      %add3A_189 = arith.addi %add3A_188, %mul3A_187 : i32
      %mul3A_190 = arith.constant 16 : i32
      %mul3A_191 = arith.muli %add3A_189, %mul3A_190 : i32
      %get3A_192 = arith.index_cast %mul3A_191 : i32 to index
      %get3A_193 = tpu.vector_load %arg4[%get3A_192] {strides = array<i32>} : memref<1024xi32, #tpu.memory_space<vmem>>, vector<16xi32>,
      %mul3A_194 = arith.constant 16 : i32
      %mul3A_195 = arith.muli %add3A_189, %mul3A_194 : i32
      %add3A_196 = vector.broadcast %mul3A_195 : i32 to vector<16xi32>
      %add3A_197 = arith.addi %iota3A, %add3A_196 : vector<16xi32>
      %ge3A_198 = vector.broadcast %add3A_53 : i32 to vector<16xi32>
      %ge3A_199 = arith.cmpi sge, %get3A_193, %ge3A_198 : vector<16xi32>
      %add3A_200 = arith.constant 56 : i32
      %add3A_201 = arith.addi %add3A_53, %add3A_200 : i32
      %lt3A_202 = vector.broadcast %add3A_201 : i32 to vector<16xi32>
      %lt3A_203 = arith.cmpi slt, %get3A_193, %lt3A_202 : vector<16xi32>
      %and3A_204 = arith.andi %ge3A_199, %lt3A_203 : vector<16xi1>
      %sub3A_205 = vector.broadcast %add3A_53 : i32 to vector<16xi32>
      %sub3A_206 = arith.subi %get3A_193, %sub3A_205 : vector<16xi32>
      tpu.vector_store_idx %arg6[%sub3A_206, %add3A_197], %broadcast_in_dim3A_37 masked %and3A_204 : memref<56x1024xf32, #tpu.memory_space<vmem>>[vector<16xi32>, vector<16xi32>], vector<16xf32>, vector<16xi1>
      %ge3A_207 = vector.broadcast %add3A_77 : i32 to vector<16xi32>
      %ge3A_208 = arith.cmpi sge, %get3A_193, %ge3A_207 : vector<16xi32>
      %add3A_209 = arith.constant 56 : i32
      %add3A_210 = arith.addi %add3A_77, %add3A_209 : i32
      %lt3A_211 = vector.broadcast %add3A_210 : i32 to vector<16xi32>
      %lt3A_212 = arith.cmpi slt, %get3A_193, %lt3A_211 : vector<16xi32>
      %and3A_213 = arith.andi %ge3A_208, %lt3A_212 : vector<16xi1>
      %sub3A_214 = vector.broadcast %add3A_77 : i32 to vector<16xi32>
      %sub3A_215 = arith.subi %get3A_193, %sub3A_214 : vector<16xi32>
      tpu.vector_store_idx %arg6[%sub3A_215, %add3A_197], %broadcast_in_dim3A_35 masked %and3A_213 : memref<56x1024xf32, #tpu.memory_space<vmem>>[vector<16xi32>, vector<16xi32>], vector<16xf32>, vector<16xi1>
      %scan3A_216 = arith.constant 2 : i32
      %scan3A_217 = arith.addi %scan3A_155, %scan3A_216 : i32
      %mul3A_218 = arith.constant 1 : i32
      %mul3A_219 = arith.muli %scan3A_217, %mul3A_218 : i32
      %add3A_220 = arith.constant 0 : i32
      %add3A_221 = arith.addi %add3A_220, %mul3A_219 : i32
      %mul3A_222 = arith.constant 16 : i32
      %mul3A_223 = arith.muli %add3A_221, %mul3A_222 : i32
      %get3A_224 = arith.index_cast %mul3A_223 : i32 to index
      %get3A_225 = tpu.vector_load %arg4[%get3A_224] {strides = array<i32>} : memref<1024xi32, #tpu.memory_space<vmem>>, vector<16xi32>,
      %mul3A_226 = arith.constant 16 : i32
      %mul3A_227 = arith.muli %add3A_221, %mul3A_226 : i32
      %add3A_228 = vector.broadcast %mul3A_227 : i32 to vector<16xi32>
      %add3A_229 = arith.addi %iota3A, %add3A_228 : vector<16xi32>
      %ge3A_230 = vector.broadcast %add3A_53 : i32 to vector<16xi32>
      %ge3A_231 = arith.cmpi sge, %get3A_225, %ge3A_230 : vector<16xi32>
      %add3A_232 = arith.constant 56 : i32
      %add3A_233 = arith.addi %add3A_53, %add3A_232 : i32
      %lt3A_234 = vector.broadcast %add3A_233 : i32 to vector<16xi32>
      %lt3A_235 = arith.cmpi slt, %get3A_225, %lt3A_234 : vector<16xi32>
      %and3A_236 = arith.andi %ge3A_231, %lt3A_235 : vector<16xi1>
      %sub3A_237 = vector.broadcast %add3A_53 : i32 to vector<16xi32>
      %sub3A_238 = arith.subi %get3A_225, %sub3A_237 : vector<16xi32>
      tpu.vector_store_idx %arg6[%sub3A_238, %add3A_229], %broadcast_in_dim3A_37 masked %and3A_236 : memref<56x1024xf32, #tpu.memory_space<vmem>>[vector<16xi32>, vector<16xi32>], vector<16xf32>, vector<16xi1>
      %ge3A_239 = vector.broadcast %add3A_77 : i32 to vector<16xi32>
      %ge3A_240 = arith.cmpi sge, %get3A_225, %ge3A_239 : vector<16xi32>
      %add3A_241 = arith.constant 56 : i32
      %add3A_242 = arith.addi %add3A_77, %add3A_241 : i32
      %lt3A_243 = vector.broadcast %add3A_242 : i32 to vector<16xi32>
      %lt3A_244 = arith.cmpi slt, %get3A_225, %lt3A_243 : vector<16xi32>
      %and3A_245 = arith.andi %ge3A_240, %lt3A_244 : vector<16xi1>
      %sub3A_246 = vector.broadcast %add3A_77 : i32 to vector<16xi32>
      %sub3A_247 = arith.subi %get3A_225, %sub3A_246 : vector<16xi32>
      tpu.vector_store_idx %arg6[%sub3A_247, %add3A_229], %broadcast_in_dim3A_35 masked %and3A_245 : memref<56x1024xf32, #tpu.memory_space<vmem>>[vector<16xi32>, vector<16xi32>], vector<16xf32>, vector<16xi1>
      %scan3A_248 = arith.constant 3 : i32
      %scan3A_249 = arith.addi %scan3A_155, %scan3A_248 : i32
      %mul3A_250 = arith.constant 1 : i32
      %mul3A_251 = arith.muli %scan3A_249, %mul3A_250 : i32
      %add3A_252 = arith.constant 0 : i32
      %add3A_253 = arith.addi %add3A_252, %mul3A_251 : i32
      %mul3A_254 = arith.constant 16 : i32
      %mul3A_255 = arith.muli %add3A_253, %mul3A_254 : i32
      %get3A_256 = arith.index_cast %mul3A_255 : i32 to index
      %get3A_257 = tpu.vector_load %arg4[%get3A_256] {strides = array<i32>} : memref<1024xi32, #tpu.memory_space<vmem>>, vector<16xi32>,
      %mul3A_258 = arith.constant 16 : i32
      %mul3A_259 = arith.muli %add3A_253, %mul3A_258 : i32
      %add3A_260 = vector.broadcast %mul3A_259 : i32 to vector<16xi32>
      %add3A_261 = arith.addi %iota3A, %add3A_260 : vector<16xi32>
      %ge3A_262 = vector.broadcast %add3A_53 : i32 to vector<16xi32>
      %ge3A_263 = arith.cmpi sge, %get3A_257, %ge3A_262 : vector<16xi32>
      %add3A_264 = arith.constant 56 : i32
      %add3A_265 = arith.addi %add3A_53, %add3A_264 : i32
      %lt3A_266 = vector.broadcast %add3A_265 : i32 to vector<16xi32>
      %lt3A_267 = arith.cmpi slt, %get3A_257, %lt3A_266 : vector<16xi32>
      %and3A_268 = arith.andi %ge3A_263, %lt3A_267 : vector<16xi1>
      %sub3A_269 = vector.broadcast %add3A_53 : i32 to vector<16xi32>
      %sub3A_270 = arith.subi %get3A_257, %sub3A_269 : vector<16xi32>
      tpu.vector_store_idx %arg6[%sub3A_270, %add3A_261], %broadcast_in_dim3A_37 masked %and3A_268 : memref<56x1024xf32, #tpu.memory_space<vmem>>[vector<16xi32>, vector<16xi32>], vector<16xf32>, vector<16xi1>
      %ge3A_271 = vector.broadcast %add3A_77 : i32 to vector<16xi32>
      %ge3A_272 = arith.cmpi sge, %get3A_257, %ge3A_271 : vector<16xi32>
      %add3A_273 = arith.constant 56 : i32
      %add3A_274 = arith.addi %add3A_77, %add3A_273 : i32
      %lt3A_275 = vector.broadcast %add3A_274 : i32 to vector<16xi32>
      %lt3A_276 = arith.cmpi slt, %get3A_257, %lt3A_275 : vector<16xi32>
      %and3A_277 = arith.andi %ge3A_272, %lt3A_276 : vector<16xi1>
      %sub3A_278 = vector.broadcast %add3A_77 : i32 to vector<16xi32>
      %sub3A_279 = arith.subi %get3A_257, %sub3A_278 : vector<16xi32>
      tpu.vector_store_idx %arg6[%sub3A_279, %add3A_261], %broadcast_in_dim3A_35 masked %and3A_277 : memref<56x1024xf32, #tpu.memory_space<vmem>>[vector<16xi32>, vector<16xi32>], vector<16xf32>, vector<16xi1>
    }
    %scan3A_84 = arith.constant 64 : i32
    %dma_start3A_85 = tpu.memref_slice %arg3[%add3A_77, %mul3A_32] : memref<1000x16384xf32, #tpu.memory_space<hbm>> -> memref<56x1024xf32, #tpu.memory_space<hbm>>
    %dma_start3A_86 = tpu.memref_slice %arg3[%add3A_77, %mul3A_32] : memref<1000x16384xf32, #tpu.memory_space<hbm>> -> memref<56x1024xf32, #tpu.memory_space<hbm>>
    tpu.enqueue_dma source(%arg6 : memref<56x1024xf32, #tpu.memory_space<vmem>>) target(%dma_start3A_86 : memref<56x1024xf32, #tpu.memory_space<hbm>>) target_semaphore(%arg8 : memref<!tpu.dma_semaphore, #tpu.memory_space<semaphore_mem>>)
    %add3A_87 = arith.constant 224 : i32
    %add3A_88 = arith.addi %mul3A_39, %add3A_87 : i32
    %dma_wait3A_89 = tpu.memref_slice %arg3[%add3A_67, %mul3A_32] : memref<1000x16384xf32, #tpu.memory_space<hbm>> -> memref<56x1024xf32, #tpu.memory_space<hbm>>
    %dma_wait3A_90 = tpu.memref_slice %arg3[%add3A_67, %mul3A_32] : memref<1000x16384xf32, #tpu.memory_space<hbm>> -> memref<56x1024xf32, #tpu.memory_space<hbm>>
    tpu.wait_dma2 semaphore(%arg7 : memref<!tpu.dma_semaphore, #tpu.memory_space<semaphore_mem>>) src(%arg5 : memref<56x1024xf32, #tpu.memory_space<vmem>>) dst(%dma_wait3A_90 : memref<56x1024xf32, #tpu.memory_space<hbm>>)
    %scan3A_91 = arith.constant 0 : i32
    %scan3A_92 = arith.constant 64 : i32
    %scan3A_93 = arith.addi %scan3A_91, %scan3A_92 : i32
    %scan3A_94 = arith.constant 4 : i32
    scf.for %scan3A_155 = %scan3A_91 to %scan3A_93 step %scan3A_94  : i32 {
      %mul3A_156 = arith.constant 1 : i32
      %mul3A_157 = arith.muli %scan3A_155, %mul3A_156 : i32
      %add3A_158 = arith.constant 0 : i32
      %add3A_159 = arith.addi %add3A_158, %mul3A_157 : i32
      %mul3A_160 = arith.constant 16 : i32
      %mul3A_161 = arith.muli %add3A_159, %mul3A_160 : i32
      %get3A = arith.index_cast %mul3A_161 : i32 to index
      %get3A_162 = tpu.vector_load %arg4[%get3A] {strides = array<i32>} : memref<1024xi32, #tpu.memory_space<vmem>>, vector<16xi32>,
      %mul3A_163 = arith.constant 16 : i32
      %mul3A_164 = arith.muli %add3A_159, %mul3A_163 : i32
      %add3A_165 = vector.broadcast %mul3A_164 : i32 to vector<16xi32>
      %add3A_166 = arith.addi %iota3A, %add3A_165 : vector<16xi32>
      %ge3A = vector.broadcast %add3A_67 : i32 to vector<16xi32>
      %ge3A_167 = arith.cmpi sge, %get3A_162, %ge3A : vector<16xi32>
      %add3A_168 = arith.constant 56 : i32
      %add3A_169 = arith.addi %add3A_67, %add3A_168 : i32
      %lt3A_170 = vector.broadcast %add3A_169 : i32 to vector<16xi32>
      %lt3A_171 = arith.cmpi slt, %get3A_162, %lt3A_170 : vector<16xi32>
      %and3A_172 = arith.andi %ge3A_167, %lt3A_171 : vector<16xi1>
      %sub3A_173 = vector.broadcast %add3A_67 : i32 to vector<16xi32>
      %sub3A_174 = arith.subi %get3A_162, %sub3A_173 : vector<16xi32>
      tpu.vector_store_idx %arg5[%sub3A_174, %add3A_166], %broadcast_in_dim3A_37 masked %and3A_172 : memref<56x1024xf32, #tpu.memory_space<vmem>>[vector<16xi32>, vector<16xi32>], vector<16xf32>, vector<16xi1>
      %ge3A_175 = vector.broadcast %add3A_88 : i32 to vector<16xi32>
      %ge3A_176 = arith.cmpi sge, %get3A_162, %ge3A_175 : vector<16xi32>
      %add3A_177 = arith.constant 56 : i32
      %add3A_178 = arith.addi %add3A_88, %add3A_177 : i32
      %lt3A_179 = vector.broadcast %add3A_178 : i32 to vector<16xi32>
      %lt3A_180 = arith.cmpi slt, %get3A_162, %lt3A_179 : vector<16xi32>
      %and3A_181 = arith.andi %ge3A_176, %lt3A_180 : vector<16xi1>
      %sub3A_182 = vector.broadcast %add3A_88 : i32 to vector<16xi32>
      %sub3A_183 = arith.subi %get3A_162, %sub3A_182 : vector<16xi32>
      tpu.vector_store_idx %arg5[%sub3A_183, %add3A_166], %broadcast_in_dim3A_35 masked %and3A_181 : memref<56x1024xf32, #tpu.memory_space<vmem>>[vector<16xi32>, vector<16xi32>], vector<16xf32>, vector<16xi1>
      %scan3A_184 = arith.constant 1 : i32
      %scan3A_185 = arith.addi %scan3A_155, %scan3A_184 : i32
      %mul3A_186 = arith.constant 1 : i32
      %mul3A_187 = arith.muli %scan3A_185, %mul3A_186 : i32
      %add3A_188 = arith.constant 0 : i32
      %add3A_189 = arith.addi %add3A_188, %mul3A_187 : i32
      %mul3A_190 = arith.constant 16 : i32
      %mul3A_191 = arith.muli %add3A_189, %mul3A_190 : i32
      %get3A_192 = arith.index_cast %mul3A_191 : i32 to index
      %get3A_193 = tpu.vector_load %arg4[%get3A_192] {strides = array<i32>} : memref<1024xi32, #tpu.memory_space<vmem>>, vector<16xi32>,
      %mul3A_194 = arith.constant 16 : i32
      %mul3A_195 = arith.muli %add3A_189, %mul3A_194 : i32
      %add3A_196 = vector.broadcast %mul3A_195 : i32 to vector<16xi32>
      %add3A_197 = arith.addi %iota3A, %add3A_196 : vector<16xi32>
      %ge3A_198 = vector.broadcast %add3A_67 : i32 to vector<16xi32>
      %ge3A_199 = arith.cmpi sge, %get3A_193, %ge3A_198 : vector<16xi32>
      %add3A_200 = arith.constant 56 : i32
      %add3A_201 = arith.addi %add3A_67, %add3A_200 : i32
      %lt3A_202 = vector.broadcast %add3A_201 : i32 to vector<16xi32>
      %lt3A_203 = arith.cmpi slt, %get3A_193, %lt3A_202 : vector<16xi32>
      %and3A_204 = arith.andi %ge3A_199, %lt3A_203 : vector<16xi1>
      %sub3A_205 = vector.broadcast %add3A_67 : i32 to vector<16xi32>
      %sub3A_206 = arith.subi %get3A_193, %sub3A_205 : vector<16xi32>
      tpu.vector_store_idx %arg5[%sub3A_206, %add3A_197], %broadcast_in_dim3A_37 masked %and3A_204 : memref<56x1024xf32, #tpu.memory_space<vmem>>[vector<16xi32>, vector<16xi32>], vector<16xf32>, vector<16xi1>
      %ge3A_207 = vector.broadcast %add3A_88 : i32 to vector<16xi32>
      %ge3A_208 = arith.cmpi sge, %get3A_193, %ge3A_207 : vector<16xi32>
      %add3A_209 = arith.constant 56 : i32
      %add3A_210 = arith.addi %add3A_88, %add3A_209 : i32
      %lt3A_211 = vector.broadcast %add3A_210 : i32 to vector<16xi32>
      %lt3A_212 = arith.cmpi slt, %get3A_193, %lt3A_211 : vector<16xi32>
      %and3A_213 = arith.andi %ge3A_208, %lt3A_212 : vector<16xi1>
      %sub3A_214 = vector.broadcast %add3A_88 : i32 to vector<16xi32>
      %sub3A_215 = arith.subi %get3A_193, %sub3A_214 : vector<16xi32>
      tpu.vector_store_idx %arg5[%sub3A_215, %add3A_197], %broadcast_in_dim3A_35 masked %and3A_213 : memref<56x1024xf32, #tpu.memory_space<vmem>>[vector<16xi32>, vector<16xi32>], vector<16xf32>, vector<16xi1>
      %scan3A_216 = arith.constant 2 : i32
      %scan3A_217 = arith.addi %scan3A_155, %scan3A_216 : i32
      %mul3A_218 = arith.constant 1 : i32
      %mul3A_219 = arith.muli %scan3A_217, %mul3A_218 : i32
      %add3A_220 = arith.constant 0 : i32
      %add3A_221 = arith.addi %add3A_220, %mul3A_219 : i32
      %mul3A_222 = arith.constant 16 : i32
      %mul3A_223 = arith.muli %add3A_221, %mul3A_222 : i32
      %get3A_224 = arith.index_cast %mul3A_223 : i32 to index
      %get3A_225 = tpu.vector_load %arg4[%get3A_224] {strides = array<i32>} : memref<1024xi32, #tpu.memory_space<vmem>>, vector<16xi32>,
      %mul3A_226 = arith.constant 16 : i32
      %mul3A_227 = arith.muli %add3A_221, %mul3A_226 : i32
      %add3A_228 = vector.broadcast %mul3A_227 : i32 to vector<16xi32>
      %add3A_229 = arith.addi %iota3A, %add3A_228 : vector<16xi32>
      %ge3A_230 = vector.broadcast %add3A_67 : i32 to vector<16xi32>
      %ge3A_231 = arith.cmpi sge, %get3A_225, %ge3A_230 : vector<16xi32>
      %add3A_232 = arith.constant 56 : i32
      %add3A_233 = arith.addi %add3A_67, %add3A_232 : i32
      %lt3A_234 = vector.broadcast %add3A_233 : i32 to vector<16xi32>
      %lt3A_235 = arith.cmpi slt, %get3A_225, %lt3A_234 : vector<16xi32>
      %and3A_236 = arith.andi %ge3A_231, %lt3A_235 : vector<16xi1>
      %sub3A_237 = vector.broadcast %add3A_67 : i32 to vector<16xi32>
      %sub3A_238 = arith.subi %get3A_225, %sub3A_237 : vector<16xi32>
      tpu.vector_store_idx %arg5[%sub3A_238, %add3A_229], %broadcast_in_dim3A_37 masked %and3A_236 : memref<56x1024xf32, #tpu.memory_space<vmem>>[vector<16xi32>, vector<16xi32>], vector<16xf32>, vector<16xi1>
      %ge3A_239 = vector.broadcast %add3A_88 : i32 to vector<16xi32>
      %ge3A_240 = arith.cmpi sge, %get3A_225, %ge3A_239 : vector<16xi32>
      %add3A_241 = arith.constant 56 : i32
      %add3A_242 = arith.addi %add3A_88, %add3A_241 : i32
      %lt3A_243 = vector.broadcast %add3A_242 : i32 to vector<16xi32>
      %lt3A_244 = arith.cmpi slt, %get3A_225, %lt3A_243 : vector<16xi32>
      %and3A_245 = arith.andi %ge3A_240, %lt3A_244 : vector<16xi1>
      %sub3A_246 = vector.broadcast %add3A_88 : i32 to vector<16xi32>
      %sub3A_247 = arith.subi %get3A_225, %sub3A_246 : vector<16xi32>
      tpu.vector_store_idx %arg5[%sub3A_247, %add3A_229], %broadcast_in_dim3A_35 masked %and3A_245 : memref<56x1024xf32, #tpu.memory_space<vmem>>[vector<16xi32>, vector<16xi32>], vector<16xf32>, vector<16xi1>
      %scan3A_248 = arith.constant 3 : i32
      %scan3A_249 = arith.addi %scan3A_155, %scan3A_248 : i32
      %mul3A_250 = arith.constant 1 : i32
      %mul3A_251 = arith.muli %scan3A_249, %mul3A_250 : i32
      %add3A_252 = arith.constant 0 : i32
      %add3A_253 = arith.addi %add3A_252, %mul3A_251 : i32
      %mul3A_254 = arith.constant 16 : i32
      %mul3A_255 = arith.muli %add3A_253, %mul3A_254 : i32
      %get3A_256 = arith.index_cast %mul3A_255 : i32 to index
      %get3A_257 = tpu.vector_load %arg4[%get3A_256] {strides = array<i32>} : memref<1024xi32, #tpu.memory_space<vmem>>, vector<16xi32>,
      %mul3A_258 = arith.constant 16 : i32
      %mul3A_259 = arith.muli %add3A_253, %mul3A_258 : i32
      %add3A_260 = vector.broadcast %mul3A_259 : i32 to vector<16xi32>
      %add3A_261 = arith.addi %iota3A, %add3A_260 : vector<16xi32>
      %ge3A_262 = vector.broadcast %add3A_67 : i32 to vector<16xi32>
      %ge3A_263 = arith.cmpi sge, %get3A_257, %ge3A_262 : vector<16xi32>
      %add3A_264 = arith.constant 56 : i32
      %add3A_265 = arith.addi %add3A_67, %add3A_264 : i32
      %lt3A_266 = vector.broadcast %add3A_265 : i32 to vector<16xi32>
      %lt3A_267 = arith.cmpi slt, %get3A_257, %lt3A_266 : vector<16xi32>
      %and3A_268 = arith.andi %ge3A_263, %lt3A_267 : vector<16xi1>
      %sub3A_269 = vector.broadcast %add3A_67 : i32 to vector<16xi32>
      %sub3A_270 = arith.subi %get3A_257, %sub3A_269 : vector<16xi32>
      tpu.vector_store_idx %arg5[%sub3A_270, %add3A_261], %broadcast_in_dim3A_37 masked %and3A_268 : memref<56x1024xf32, #tpu.memory_space<vmem>>[vector<16xi32>, vector<16xi32>], vector<16xf32>, vector<16xi1>
      %ge3A_271 = vector.broadcast %add3A_88 : i32 to vector<16xi32>
      %ge3A_272 = arith.cmpi sge, %get3A_257, %ge3A_271 : vector<16xi32>
      %add3A_273 = arith.constant 56 : i32
      %add3A_274 = arith.addi %add3A_88, %add3A_273 : i32
      %lt3A_275 = vector.broadcast %add3A_274 : i32 to vector<16xi32>
      %lt3A_276 = arith.cmpi slt, %get3A_257, %lt3A_275 : vector<16xi32>
      %and3A_277 = arith.andi %ge3A_272, %lt3A_276 : vector<16xi1>
      %sub3A_278 = vector.broadcast %add3A_88 : i32 to vector<16xi32>
      %sub3A_279 = arith.subi %get3A_257, %sub3A_278 : vector<16xi32>
      tpu.vector_store_idx %arg5[%sub3A_279, %add3A_261], %broadcast_in_dim3A_35 masked %and3A_277 : memref<56x1024xf32, #tpu.memory_space<vmem>>[vector<16xi32>, vector<16xi32>], vector<16xf32>, vector<16xi1>
    }
    %scan3A_95 = arith.constant 64 : i32
    %dma_start3A_96 = tpu.memref_slice %arg3[%add3A_88, %mul3A_32] : memref<1000x16384xf32, #tpu.memory_space<hbm>> -> memref<56x1024xf32, #tpu.memory_space<hbm>>
    %dma_start3A_97 = tpu.memref_slice %arg3[%add3A_88, %mul3A_32] : memref<1000x16384xf32, #tpu.memory_space<hbm>> -> memref<56x1024xf32, #tpu.memory_space<hbm>>
    tpu.enqueue_dma source(%arg5 : memref<56x1024xf32, #tpu.memory_space<vmem>>) target(%dma_start3A_97 : memref<56x1024xf32, #tpu.memory_space<hbm>>) target_semaphore(%arg7 : memref<!tpu.dma_semaphore, #tpu.memory_space<semaphore_mem>>)
    %add3A_98 = arith.constant 280 : i32
    %add3A_99 = arith.addi %mul3A_39, %add3A_98 : i32
    %dma_wait3A_100 = tpu.memref_slice %arg3[%add3A_77, %mul3A_32] : memref<1000x16384xf32, #tpu.memory_space<hbm>> -> memref<56x1024xf32, #tpu.memory_space<hbm>>
    %dma_wait3A_101 = tpu.memref_slice %arg3[%add3A_77, %mul3A_32] : memref<1000x16384xf32, #tpu.memory_space<hbm>> -> memref<56x1024xf32, #tpu.memory_space<hbm>>
    tpu.wait_dma2 semaphore(%arg8 : memref<!tpu.dma_semaphore, #tpu.memory_space<semaphore_mem>>) src(%arg6 : memref<56x1024xf32, #tpu.memory_space<vmem>>) dst(%dma_wait3A_101 : memref<56x1024xf32, #tpu.memory_space<hbm>>)
    %scan3A_102 = arith.constant 0 : i32
    %scan3A_103 = arith.constant 64 : i32
    %scan3A_104 = arith.addi %scan3A_102, %scan3A_103 : i32
    %scan3A_105 = arith.constant 4 : i32
    scf.for %scan3A_155 = %scan3A_102 to %scan3A_104 step %scan3A_105  : i32 {
      %mul3A_156 = arith.constant 1 : i32
      %mul3A_157 = arith.muli %scan3A_155, %mul3A_156 : i32
      %add3A_158 = arith.constant 0 : i32
      %add3A_159 = arith.addi %add3A_158, %mul3A_157 : i32
      %mul3A_160 = arith.constant 16 : i32
      %mul3A_161 = arith.muli %add3A_159, %mul3A_160 : i32
      %get3A = arith.index_cast %mul3A_161 : i32 to index
      %get3A_162 = tpu.vector_load %arg4[%get3A] {strides = array<i32>} : memref<1024xi32, #tpu.memory_space<vmem>>, vector<16xi32>,
      %mul3A_163 = arith.constant 16 : i32
      %mul3A_164 = arith.muli %add3A_159, %mul3A_163 : i32
      %add3A_165 = vector.broadcast %mul3A_164 : i32 to vector<16xi32>
      %add3A_166 = arith.addi %iota3A, %add3A_165 : vector<16xi32>
      %ge3A = vector.broadcast %add3A_77 : i32 to vector<16xi32>
      %ge3A_167 = arith.cmpi sge, %get3A_162, %ge3A : vector<16xi32>
      %add3A_168 = arith.constant 56 : i32
      %add3A_169 = arith.addi %add3A_77, %add3A_168 : i32
      %lt3A_170 = vector.broadcast %add3A_169 : i32 to vector<16xi32>
      %lt3A_171 = arith.cmpi slt, %get3A_162, %lt3A_170 : vector<16xi32>
      %and3A_172 = arith.andi %ge3A_167, %lt3A_171 : vector<16xi1>
      %sub3A_173 = vector.broadcast %add3A_77 : i32 to vector<16xi32>
      %sub3A_174 = arith.subi %get3A_162, %sub3A_173 : vector<16xi32>
      tpu.vector_store_idx %arg6[%sub3A_174, %add3A_166], %broadcast_in_dim3A_37 masked %and3A_172 : memref<56x1024xf32, #tpu.memory_space<vmem>>[vector<16xi32>, vector<16xi32>], vector<16xf32>, vector<16xi1>
      %ge3A_175 = vector.broadcast %add3A_99 : i32 to vector<16xi32>
      %ge3A_176 = arith.cmpi sge, %get3A_162, %ge3A_175 : vector<16xi32>
      %add3A_177 = arith.constant 56 : i32
      %add3A_178 = arith.addi %add3A_99, %add3A_177 : i32
      %lt3A_179 = vector.broadcast %add3A_178 : i32 to vector<16xi32>
      %lt3A_180 = arith.cmpi slt, %get3A_162, %lt3A_179 : vector<16xi32>
      %and3A_181 = arith.andi %ge3A_176, %lt3A_180 : vector<16xi1>
      %sub3A_182 = vector.broadcast %add3A_99 : i32 to vector<16xi32>
      %sub3A_183 = arith.subi %get3A_162, %sub3A_182 : vector<16xi32>
      tpu.vector_store_idx %arg6[%sub3A_183, %add3A_166], %broadcast_in_dim3A_35 masked %and3A_181 : memref<56x1024xf32, #tpu.memory_space<vmem>>[vector<16xi32>, vector<16xi32>], vector<16xf32>, vector<16xi1>
      %scan3A_184 = arith.constant 1 : i32
      %scan3A_185 = arith.addi %scan3A_155, %scan3A_184 : i32
      %mul3A_186 = arith.constant 1 : i32
      %mul3A_187 = arith.muli %scan3A_185, %mul3A_186 : i32
      %add3A_188 = arith.constant 0 : i32
      %add3A_189 = arith.addi %add3A_188, %mul3A_187 : i32
      %mul3A_190 = arith.constant 16 : i32
      %mul3A_191 = arith.muli %add3A_189, %mul3A_190 : i32
      %get3A_192 = arith.index_cast %mul3A_191 : i32 to index
      %get3A_193 = tpu.vector_load %arg4[%get3A_192] {strides = array<i32>} : memref<1024xi32, #tpu.memory_space<vmem>>, vector<16xi32>,
      %mul3A_194 = arith.constant 16 : i32
      %mul3A_195 = arith.muli %add3A_189, %mul3A_194 : i32
      %add3A_196 = vector.broadcast %mul3A_195 : i32 to vector<16xi32>
      %add3A_197 = arith.addi %iota3A, %add3A_196 : vector<16xi32>
      %ge3A_198 = vector.broadcast %add3A_77 : i32 to vector<16xi32>
      %ge3A_199 = arith.cmpi sge, %get3A_193, %ge3A_198 : vector<16xi32>
      %add3A_200 = arith.constant 56 : i32
      %add3A_201 = arith.addi %add3A_77, %add3A_200 : i32
      %lt3A_202 = vector.broadcast %add3A_201 : i32 to vector<16xi32>
      %lt3A_203 = arith.cmpi slt, %get3A_193, %lt3A_202 : vector<16xi32>
      %and3A_204 = arith.andi %ge3A_199, %lt3A_203 : vector<16xi1>
      %sub3A_205 = vector.broadcast %add3A_77 : i32 to vector<16xi32>
      %sub3A_206 = arith.subi %get3A_193, %sub3A_205 : vector<16xi32>
      tpu.vector_store_idx %arg6[%sub3A_206, %add3A_197], %broadcast_in_dim3A_37 masked %and3A_204 : memref<56x1024xf32, #tpu.memory_space<vmem>>[vector<16xi32>, vector<16xi32>], vector<16xf32>, vector<16xi1>
      %ge3A_207 = vector.broadcast %add3A_99 : i32 to vector<16xi32>
      %ge3A_208 = arith.cmpi sge, %get3A_193, %ge3A_207 : vector<16xi32>
      %add3A_209 = arith.constant 56 : i32
      %add3A_210 = arith.addi %add3A_99, %add3A_209 : i32
      %lt3A_211 = vector.broadcast %add3A_210 : i32 to vector<16xi32>
      %lt3A_212 = arith.cmpi slt, %get3A_193, %lt3A_211 : vector<16xi32>
      %and3A_213 = arith.andi %ge3A_208, %lt3A_212 : vector<16xi1>
      %sub3A_214 = vector.broadcast %add3A_99 : i32 to vector<16xi32>
      %sub3A_215 = arith.subi %get3A_193, %sub3A_214 : vector<16xi32>
      tpu.vector_store_idx %arg6[%sub3A_215, %add3A_197], %broadcast_in_dim3A_35 masked %and3A_213 : memref<56x1024xf32, #tpu.memory_space<vmem>>[vector<16xi32>, vector<16xi32>], vector<16xf32>, vector<16xi1>
      %scan3A_216 = arith.constant 2 : i32
      %scan3A_217 = arith.addi %scan3A_155, %scan3A_216 : i32
      %mul3A_218 = arith.constant 1 : i32
      %mul3A_219 = arith.muli %scan3A_217, %mul3A_218 : i32
      %add3A_220 = arith.constant 0 : i32
      %add3A_221 = arith.addi %add3A_220, %mul3A_219 : i32
      %mul3A_222 = arith.constant 16 : i32
      %mul3A_223 = arith.muli %add3A_221, %mul3A_222 : i32
      %get3A_224 = arith.index_cast %mul3A_223 : i32 to index
      %get3A_225 = tpu.vector_load %arg4[%get3A_224] {strides = array<i32>} : memref<1024xi32, #tpu.memory_space<vmem>>, vector<16xi32>,
      %mul3A_226 = arith.constant 16 : i32
      %mul3A_227 = arith.muli %add3A_221, %mul3A_226 : i32
      %add3A_228 = vector.broadcast %mul3A_227 : i32 to vector<16xi32>
      %add3A_229 = arith.addi %iota3A, %add3A_228 : vector<16xi32>
      %ge3A_230 = vector.broadcast %add3A_77 : i32 to vector<16xi32>
      %ge3A_231 = arith.cmpi sge, %get3A_225, %ge3A_230 : vector<16xi32>
      %add3A_232 = arith.constant 56 : i32
      %add3A_233 = arith.addi %add3A_77, %add3A_232 : i32
      %lt3A_234 = vector.broadcast %add3A_233 : i32 to vector<16xi32>
      %lt3A_235 = arith.cmpi slt, %get3A_225, %lt3A_234 : vector<16xi32>
      %and3A_236 = arith.andi %ge3A_231, %lt3A_235 : vector<16xi1>
      %sub3A_237 = vector.broadcast %add3A_77 : i32 to vector<16xi32>
      %sub3A_238 = arith.subi %get3A_225, %sub3A_237 : vector<16xi32>
      tpu.vector_store_idx %arg6[%sub3A_238, %add3A_229], %broadcast_in_dim3A_37 masked %and3A_236 : memref<56x1024xf32, #tpu.memory_space<vmem>>[vector<16xi32>, vector<16xi32>], vector<16xf32>, vector<16xi1>
      %ge3A_239 = vector.broadcast %add3A_99 : i32 to vector<16xi32>
      %ge3A_240 = arith.cmpi sge, %get3A_225, %ge3A_239 : vector<16xi32>
      %add3A_241 = arith.constant 56 : i32
      %add3A_242 = arith.addi %add3A_99, %add3A_241 : i32
      %lt3A_243 = vector.broadcast %add3A_242 : i32 to vector<16xi32>
      %lt3A_244 = arith.cmpi slt, %get3A_225, %lt3A_243 : vector<16xi32>
      %and3A_245 = arith.andi %ge3A_240, %lt3A_244 : vector<16xi1>
      %sub3A_246 = vector.broadcast %add3A_99 : i32 to vector<16xi32>
      %sub3A_247 = arith.subi %get3A_225, %sub3A_246 : vector<16xi32>
      tpu.vector_store_idx %arg6[%sub3A_247, %add3A_229], %broadcast_in_dim3A_35 masked %and3A_245 : memref<56x1024xf32, #tpu.memory_space<vmem>>[vector<16xi32>, vector<16xi32>], vector<16xf32>, vector<16xi1>
      %scan3A_248 = arith.constant 3 : i32
      %scan3A_249 = arith.addi %scan3A_155, %scan3A_248 : i32
      %mul3A_250 = arith.constant 1 : i32
      %mul3A_251 = arith.muli %scan3A_249, %mul3A_250 : i32
      %add3A_252 = arith.constant 0 : i32
      %add3A_253 = arith.addi %add3A_252, %mul3A_251 : i32
      %mul3A_254 = arith.constant 16 : i32
      %mul3A_255 = arith.muli %add3A_253, %mul3A_254 : i32
      %get3A_256 = arith.index_cast %mul3A_255 : i32 to index
      %get3A_257 = tpu.vector_load %arg4[%get3A_256] {strides = array<i32>} : memref<1024xi32, #tpu.memory_space<vmem>>, vector<16xi32>,
      %mul3A_258 = arith.constant 16 : i32
      %mul3A_259 = arith.muli %add3A_253, %mul3A_258 : i32
      %add3A_260 = vector.broadcast %mul3A_259 : i32 to vector<16xi32>
      %add3A_261 = arith.addi %iota3A, %add3A_260 : vector<16xi32>
      %ge3A_262 = vector.broadcast %add3A_77 : i32 to vector<16xi32>
      %ge3A_263 = arith.cmpi sge, %get3A_257, %ge3A_262 : vector<16xi32>
      %add3A_264 = arith.constant 56 : i32
      %add3A_265 = arith.addi %add3A_77, %add3A_264 : i32
      %lt3A_266 = vector.broadcast %add3A_265 : i32 to vector<16xi32>
      %lt3A_267 = arith.cmpi slt, %get3A_257, %lt3A_266 : vector<16xi32>
      %and3A_268 = arith.andi %ge3A_263, %lt3A_267 : vector<16xi1>
      %sub3A_269 = vector.broadcast %add3A_77 : i32 to vector<16xi32>
      %sub3A_270 = arith.subi %get3A_257, %sub3A_269 : vector<16xi32>
      tpu.vector_store_idx %arg6[%sub3A_270, %add3A_261], %broadcast_in_dim3A_37 masked %and3A_268 : memref<56x1024xf32, #tpu.memory_space<vmem>>[vector<16xi32>, vector<16xi32>], vector<16xf32>, vector<16xi1>
      %ge3A_271 = vector.broadcast %add3A_99 : i32 to vector<16xi32>
      %ge3A_272 = arith.cmpi sge, %get3A_257, %ge3A_271 : vector<16xi32>
      %add3A_273 = arith.constant 56 : i32
      %add3A_274 = arith.addi %add3A_99, %add3A_273 : i32
      %lt3A_275 = vector.broadcast %add3A_274 : i32 to vector<16xi32>
      %lt3A_276 = arith.cmpi slt, %get3A_257, %lt3A_275 : vector<16xi32>
      %and3A_277 = arith.andi %ge3A_272, %lt3A_276 : vector<16xi1>
      %sub3A_278 = vector.broadcast %add3A_99 : i32 to vector<16xi32>
      %sub3A_279 = arith.subi %get3A_257, %sub3A_278 : vector<16xi32>
      tpu.vector_store_idx %arg6[%sub3A_279, %add3A_261], %broadcast_in_dim3A_35 masked %and3A_277 : memref<56x1024xf32, #tpu.memory_space<vmem>>[vector<16xi32>, vector<16xi32>], vector<16xf32>, vector<16xi1>
    }
    %scan3A_106 = arith.constant 64 : i32
    %dma_start3A_107 = tpu.memref_slice %arg3[%add3A_99, %mul3A_32] : memref<1000x16384xf32, #tpu.memory_space<hbm>> -> memref<56x1024xf32, #tpu.memory_space<hbm>>
    %dma_start3A_108 = tpu.memref_slice %arg3[%add3A_99, %mul3A_32] : memref<1000x16384xf32, #tpu.memory_space<hbm>> -> memref<56x1024xf32, #tpu.memory_space<hbm>>
    tpu.enqueue_dma source(%arg6 : memref<56x1024xf32, #tpu.memory_space<vmem>>) target(%dma_start3A_108 : memref<56x1024xf32, #tpu.memory_space<hbm>>) target_semaphore(%arg8 : memref<!tpu.dma_semaphore, #tpu.memory_space<semaphore_mem>>)
    %add3A_109 = arith.constant 336 : i32
    %add3A_110 = arith.addi %mul3A_39, %add3A_109 : i32
    %dma_wait3A_111 = tpu.memref_slice %arg3[%add3A_88, %mul3A_32] : memref<1000x16384xf32, #tpu.memory_space<hbm>> -> memref<56x1024xf32, #tpu.memory_space<hbm>>
    %dma_wait3A_112 = tpu.memref_slice %arg3[%add3A_88, %mul3A_32] : memref<1000x16384xf32, #tpu.memory_space<hbm>> -> memref<56x1024xf32, #tpu.memory_space<hbm>>
    tpu.wait_dma2 semaphore(%arg7 : memref<!tpu.dma_semaphore, #tpu.memory_space<semaphore_mem>>) src(%arg5 : memref<56x1024xf32, #tpu.memory_space<vmem>>) dst(%dma_wait3A_112 : memref<56x1024xf32, #tpu.memory_space<hbm>>)
    %scan3A_113 = arith.constant 0 : i32
    %scan3A_114 = arith.constant 64 : i32
    %scan3A_115 = arith.addi %scan3A_113, %scan3A_114 : i32
    %scan3A_116 = arith.constant 4 : i32
    scf.for %scan3A_155 = %scan3A_113 to %scan3A_115 step %scan3A_116  : i32 {
      %mul3A_156 = arith.constant 1 : i32
      %mul3A_157 = arith.muli %scan3A_155, %mul3A_156 : i32
      %add3A_158 = arith.constant 0 : i32
      %add3A_159 = arith.addi %add3A_158, %mul3A_157 : i32
      %mul3A_160 = arith.constant 16 : i32
      %mul3A_161 = arith.muli %add3A_159, %mul3A_160 : i32
      %get3A = arith.index_cast %mul3A_161 : i32 to index
      %get3A_162 = tpu.vector_load %arg4[%get3A] {strides = array<i32>} : memref<1024xi32, #tpu.memory_space<vmem>>, vector<16xi32>,
      %mul3A_163 = arith.constant 16 : i32
      %mul3A_164 = arith.muli %add3A_159, %mul3A_163 : i32
      %add3A_165 = vector.broadcast %mul3A_164 : i32 to vector<16xi32>
      %add3A_166 = arith.addi %iota3A, %add3A_165 : vector<16xi32>
      %ge3A = vector.broadcast %add3A_88 : i32 to vector<16xi32>
      %ge3A_167 = arith.cmpi sge, %get3A_162, %ge3A : vector<16xi32>
      %add3A_168 = arith.constant 56 : i32
      %add3A_169 = arith.addi %add3A_88, %add3A_168 : i32
      %lt3A_170 = vector.broadcast %add3A_169 : i32 to vector<16xi32>
      %lt3A_171 = arith.cmpi slt, %get3A_162, %lt3A_170 : vector<16xi32>
      %and3A_172 = arith.andi %ge3A_167, %lt3A_171 : vector<16xi1>
      %sub3A_173 = vector.broadcast %add3A_88 : i32 to vector<16xi32>
      %sub3A_174 = arith.subi %get3A_162, %sub3A_173 : vector<16xi32>
      tpu.vector_store_idx %arg5[%sub3A_174, %add3A_166], %broadcast_in_dim3A_37 masked %and3A_172 : memref<56x1024xf32, #tpu.memory_space<vmem>>[vector<16xi32>, vector<16xi32>], vector<16xf32>, vector<16xi1>
      %ge3A_175 = vector.broadcast %add3A_110 : i32 to vector<16xi32>
      %ge3A_176 = arith.cmpi sge, %get3A_162, %ge3A_175 : vector<16xi32>
      %add3A_177 = arith.constant 56 : i32
      %add3A_178 = arith.addi %add3A_110, %add3A_177 : i32
      %lt3A_179 = vector.broadcast %add3A_178 : i32 to vector<16xi32>
      %lt3A_180 = arith.cmpi slt, %get3A_162, %lt3A_179 : vector<16xi32>
      %and3A_181 = arith.andi %ge3A_176, %lt3A_180 : vector<16xi1>
      %sub3A_182 = vector.broadcast %add3A_110 : i32 to vector<16xi32>
      %sub3A_183 = arith.subi %get3A_162, %sub3A_182 : vector<16xi32>
      tpu.vector_store_idx %arg5[%sub3A_183, %add3A_166], %broadcast_in_dim3A_35 masked %and3A_181 : memref<56x1024xf32, #tpu.memory_space<vmem>>[vector<16xi32>, vector<16xi32>], vector<16xf32>, vector<16xi1>
      %scan3A_184 = arith.constant 1 : i32
      %scan3A_185 = arith.addi %scan3A_155, %scan3A_184 : i32
      %mul3A_186 = arith.constant 1 : i32
      %mul3A_187 = arith.muli %scan3A_185, %mul3A_186 : i32
      %add3A_188 = arith.constant 0 : i32
      %add3A_189 = arith.addi %add3A_188, %mul3A_187 : i32
      %mul3A_190 = arith.constant 16 : i32
      %mul3A_191 = arith.muli %add3A_189, %mul3A_190 : i32
      %get3A_192 = arith.index_cast %mul3A_191 : i32 to index
      %get3A_193 = tpu.vector_load %arg4[%get3A_192] {strides = array<i32>} : memref<1024xi32, #tpu.memory_space<vmem>>, vector<16xi32>,
      %mul3A_194 = arith.constant 16 : i32
      %mul3A_195 = arith.muli %add3A_189, %mul3A_194 : i32
      %add3A_196 = vector.broadcast %mul3A_195 : i32 to vector<16xi32>
      %add3A_197 = arith.addi %iota3A, %add3A_196 : vector<16xi32>
      %ge3A_198 = vector.broadcast %add3A_88 : i32 to vector<16xi32>
      %ge3A_199 = arith.cmpi sge, %get3A_193, %ge3A_198 : vector<16xi32>
      %add3A_200 = arith.constant 56 : i32
      %add3A_201 = arith.addi %add3A_88, %add3A_200 : i32
      %lt3A_202 = vector.broadcast %add3A_201 : i32 to vector<16xi32>
      %lt3A_203 = arith.cmpi slt, %get3A_193, %lt3A_202 : vector<16xi32>
      %and3A_204 = arith.andi %ge3A_199, %lt3A_203 : vector<16xi1>
      %sub3A_205 = vector.broadcast %add3A_88 : i32 to vector<16xi32>
      %sub3A_206 = arith.subi %get3A_193, %sub3A_205 : vector<16xi32>
      tpu.vector_store_idx %arg5[%sub3A_206, %add3A_197], %broadcast_in_dim3A_37 masked %and3A_204 : memref<56x1024xf32, #tpu.memory_space<vmem>>[vector<16xi32>, vector<16xi32>], vector<16xf32>, vector<16xi1>
      %ge3A_207 = vector.broadcast %add3A_110 : i32 to vector<16xi32>
      %ge3A_208 = arith.cmpi sge, %get3A_193, %ge3A_207 : vector<16xi32>
      %add3A_209 = arith.constant 56 : i32
      %add3A_210 = arith.addi %add3A_110, %add3A_209 : i32
      %lt3A_211 = vector.broadcast %add3A_210 : i32 to vector<16xi32>
      %lt3A_212 = arith.cmpi slt, %get3A_193, %lt3A_211 : vector<16xi32>
      %and3A_213 = arith.andi %ge3A_208, %lt3A_212 : vector<16xi1>
      %sub3A_214 = vector.broadcast %add3A_110 : i32 to vector<16xi32>
      %sub3A_215 = arith.subi %get3A_193, %sub3A_214 : vector<16xi32>
      tpu.vector_store_idx %arg5[%sub3A_215, %add3A_197], %broadcast_in_dim3A_35 masked %and3A_213 : memref<56x1024xf32, #tpu.memory_space<vmem>>[vector<16xi32>, vector<16xi32>], vector<16xf32>, vector<16xi1>
      %scan3A_216 = arith.constant 2 : i32
      %scan3A_217 = arith.addi %scan3A_155, %scan3A_216 : i32
      %mul3A_218 = arith.constant 1 : i32
      %mul3A_219 = arith.muli %scan3A_217, %mul3A_218 : i32
      %add3A_220 = arith.constant 0 : i32
      %add3A_221 = arith.addi %add3A_220, %mul3A_219 : i32
      %mul3A_222 = arith.constant 16 : i32
      %mul3A_223 = arith.muli %add3A_221, %mul3A_222 : i32
      %get3A_224 = arith.index_cast %mul3A_223 : i32 to index
      %get3A_225 = tpu.vector_load %arg4[%get3A_224] {strides = array<i32>} : memref<1024xi32, #tpu.memory_space<vmem>>, vector<16xi32>,
      %mul3A_226 = arith.constant 16 : i32
      %mul3A_227 = arith.muli %add3A_221, %mul3A_226 : i32
      %add3A_228 = vector.broadcast %mul3A_227 : i32 to vector<16xi32>
      %add3A_229 = arith.addi %iota3A, %add3A_228 : vector<16xi32>
      %ge3A_230 = vector.broadcast %add3A_88 : i32 to vector<16xi32>
      %ge3A_231 = arith.cmpi sge, %get3A_225, %ge3A_230 : vector<16xi32>
      %add3A_232 = arith.constant 56 : i32
      %add3A_233 = arith.addi %add3A_88, %add3A_232 : i32
      %lt3A_234 = vector.broadcast %add3A_233 : i32 to vector<16xi32>
      %lt3A_235 = arith.cmpi slt, %get3A_225, %lt3A_234 : vector<16xi32>
      %and3A_236 = arith.andi %ge3A_231, %lt3A_235 : vector<16xi1>
      %sub3A_237 = vector.broadcast %add3A_88 : i32 to vector<16xi32>
      %sub3A_238 = arith.subi %get3A_225, %sub3A_237 : vector<16xi32>
      tpu.vector_store_idx %arg5[%sub3A_238, %add3A_229], %broadcast_in_dim3A_37 masked %and3A_236 : memref<56x1024xf32, #tpu.memory_space<vmem>>[vector<16xi32>, vector<16xi32>], vector<16xf32>, vector<16xi1>
      %ge3A_239 = vector.broadcast %add3A_110 : i32 to vector<16xi32>
      %ge3A_240 = arith.cmpi sge, %get3A_225, %ge3A_239 : vector<16xi32>
      %add3A_241 = arith.constant 56 : i32
      %add3A_242 = arith.addi %add3A_110, %add3A_241 : i32
      %lt3A_243 = vector.broadcast %add3A_242 : i32 to vector<16xi32>
      %lt3A_244 = arith.cmpi slt, %get3A_225, %lt3A_243 : vector<16xi32>
      %and3A_245 = arith.andi %ge3A_240, %lt3A_244 : vector<16xi1>
      %sub3A_246 = vector.broadcast %add3A_110 : i32 to vector<16xi32>
      %sub3A_247 = arith.subi %get3A_225, %sub3A_246 : vector<16xi32>
      tpu.vector_store_idx %arg5[%sub3A_247, %add3A_229], %broadcast_in_dim3A_35 masked %and3A_245 : memref<56x1024xf32, #tpu.memory_space<vmem>>[vector<16xi32>, vector<16xi32>], vector<16xf32>, vector<16xi1>
      %scan3A_248 = arith.constant 3 : i32
      %scan3A_249 = arith.addi %scan3A_155, %scan3A_248 : i32
      %mul3A_250 = arith.constant 1 : i32
      %mul3A_251 = arith.muli %scan3A_249, %mul3A_250 : i32
      %add3A_252 = arith.constant 0 : i32
      %add3A_253 = arith.addi %add3A_252, %mul3A_251 : i32
      %mul3A_254 = arith.constant 16 : i32
      %mul3A_255 = arith.muli %add3A_253, %mul3A_254 : i32
      %get3A_256 = arith.index_cast %mul3A_255 : i32 to index
      %get3A_257 = tpu.vector_load %arg4[%get3A_256] {strides = array<i32>} : memref<1024xi32, #tpu.memory_space<vmem>>, vector<16xi32>,
      %mul3A_258 = arith.constant 16 : i32
      %mul3A_259 = arith.muli %add3A_253, %mul3A_258 : i32
      %add3A_260 = vector.broadcast %mul3A_259 : i32 to vector<16xi32>
      %add3A_261 = arith.addi %iota3A, %add3A_260 : vector<16xi32>
      %ge3A_262 = vector.broadcast %add3A_88 : i32 to vector<16xi32>
      %ge3A_263 = arith.cmpi sge, %get3A_257, %ge3A_262 : vector<16xi32>
      %add3A_264 = arith.constant 56 : i32
      %add3A_265 = arith.addi %add3A_88, %add3A_264 : i32
      %lt3A_266 = vector.broadcast %add3A_265 : i32 to vector<16xi32>
      %lt3A_267 = arith.cmpi slt, %get3A_257, %lt3A_266 : vector<16xi32>
      %and3A_268 = arith.andi %ge3A_263, %lt3A_267 : vector<16xi1>
      %sub3A_269 = vector.broadcast %add3A_88 : i32 to vector<16xi32>
      %sub3A_270 = arith.subi %get3A_257, %sub3A_269 : vector<16xi32>
      tpu.vector_store_idx %arg5[%sub3A_270, %add3A_261], %broadcast_in_dim3A_37 masked %and3A_268 : memref<56x1024xf32, #tpu.memory_space<vmem>>[vector<16xi32>, vector<16xi32>], vector<16xf32>, vector<16xi1>
      %ge3A_271 = vector.broadcast %add3A_110 : i32 to vector<16xi32>
      %ge3A_272 = arith.cmpi sge, %get3A_257, %ge3A_271 : vector<16xi32>
      %add3A_273 = arith.constant 56 : i32
      %add3A_274 = arith.addi %add3A_110, %add3A_273 : i32
      %lt3A_275 = vector.broadcast %add3A_274 : i32 to vector<16xi32>
      %lt3A_276 = arith.cmpi slt, %get3A_257, %lt3A_275 : vector<16xi32>
      %and3A_277 = arith.andi %ge3A_272, %lt3A_276 : vector<16xi1>
      %sub3A_278 = vector.broadcast %add3A_110 : i32 to vector<16xi32>
      %sub3A_279 = arith.subi %get3A_257, %sub3A_278 : vector<16xi32>
      tpu.vector_store_idx %arg5[%sub3A_279, %add3A_261], %broadcast_in_dim3A_35 masked %and3A_277 : memref<56x1024xf32, #tpu.memory_space<vmem>>[vector<16xi32>, vector<16xi32>], vector<16xf32>, vector<16xi1>
    }
    %scan3A_117 = arith.constant 64 : i32
    %dma_start3A_118 = tpu.memref_slice %arg3[%add3A_110, %mul3A_32] : memref<1000x16384xf32, #tpu.memory_space<hbm>> -> memref<56x1024xf32, #tpu.memory_space<hbm>>
    %dma_start3A_119 = tpu.memref_slice %arg3[%add3A_110, %mul3A_32] : memref<1000x16384xf32, #tpu.memory_space<hbm>> -> memref<56x1024xf32, #tpu.memory_space<hbm>>
    tpu.enqueue_dma source(%arg5 : memref<56x1024xf32, #tpu.memory_space<vmem>>) target(%dma_start3A_119 : memref<56x1024xf32, #tpu.memory_space<hbm>>) target_semaphore(%arg7 : memref<!tpu.dma_semaphore, #tpu.memory_space<semaphore_mem>>)
    %add3A_120 = arith.constant 392 : i32
    %add3A_121 = arith.addi %mul3A_39, %add3A_120 : i32
    %dma_wait3A_122 = tpu.memref_slice %arg3[%add3A_99, %mul3A_32] : memref<1000x16384xf32, #tpu.memory_space<hbm>> -> memref<56x1024xf32, #tpu.memory_space<hbm>>
    %dma_wait3A_123 = tpu.memref_slice %arg3[%add3A_99, %mul3A_32] : memref<1000x16384xf32, #tpu.memory_space<hbm>> -> memref<56x1024xf32, #tpu.memory_space<hbm>>
    tpu.wait_dma2 semaphore(%arg8 : memref<!tpu.dma_semaphore, #tpu.memory_space<semaphore_mem>>) src(%arg6 : memref<56x1024xf32, #tpu.memory_space<vmem>>) dst(%dma_wait3A_123 : memref<56x1024xf32, #tpu.memory_space<hbm>>)
    %scan3A_124 = arith.constant 0 : i32
    %scan3A_125 = arith.constant 64 : i32
    %scan3A_126 = arith.addi %scan3A_124, %scan3A_125 : i32
    %scan3A_127 = arith.constant 4 : i32
    scf.for %scan3A_155 = %scan3A_124 to %scan3A_126 step %scan3A_127  : i32 {
      %mul3A_156 = arith.constant 1 : i32
      %mul3A_157 = arith.muli %scan3A_155, %mul3A_156 : i32
      %add3A_158 = arith.constant 0 : i32
      %add3A_159 = arith.addi %add3A_158, %mul3A_157 : i32
      %mul3A_160 = arith.constant 16 : i32
      %mul3A_161 = arith.muli %add3A_159, %mul3A_160 : i32
      %get3A = arith.index_cast %mul3A_161 : i32 to index
      %get3A_162 = tpu.vector_load %arg4[%get3A] {strides = array<i32>} : memref<1024xi32, #tpu.memory_space<vmem>>, vector<16xi32>,
      %mul3A_163 = arith.constant 16 : i32
      %mul3A_164 = arith.muli %add3A_159, %mul3A_163 : i32
      %add3A_165 = vector.broadcast %mul3A_164 : i32 to vector<16xi32>
      %add3A_166 = arith.addi %iota3A, %add3A_165 : vector<16xi32>
      %ge3A = vector.broadcast %add3A_99 : i32 to vector<16xi32>
      %ge3A_167 = arith.cmpi sge, %get3A_162, %ge3A : vector<16xi32>
      %add3A_168 = arith.constant 56 : i32
      %add3A_169 = arith.addi %add3A_99, %add3A_168 : i32
      %lt3A_170 = vector.broadcast %add3A_169 : i32 to vector<16xi32>
      %lt3A_171 = arith.cmpi slt, %get3A_162, %lt3A_170 : vector<16xi32>
      %and3A_172 = arith.andi %ge3A_167, %lt3A_171 : vector<16xi1>
      %sub3A_173 = vector.broadcast %add3A_99 : i32 to vector<16xi32>
      %sub3A_174 = arith.subi %get3A_162, %sub3A_173 : vector<16xi32>
      tpu.vector_store_idx %arg6[%sub3A_174, %add3A_166], %broadcast_in_dim3A_37 masked %and3A_172 : memref<56x1024xf32, #tpu.memory_space<vmem>>[vector<16xi32>, vector<16xi32>], vector<16xf32>, vector<16xi1>
      %ge3A_175 = vector.broadcast %add3A_121 : i32 to vector<16xi32>
      %ge3A_176 = arith.cmpi sge, %get3A_162, %ge3A_175 : vector<16xi32>
      %add3A_177 = arith.constant 56 : i32
      %add3A_178 = arith.addi %add3A_121, %add3A_177 : i32
      %lt3A_179 = vector.broadcast %add3A_178 : i32 to vector<16xi32>
      %lt3A_180 = arith.cmpi slt, %get3A_162, %lt3A_179 : vector<16xi32>
      %and3A_181 = arith.andi %ge3A_176, %lt3A_180 : vector<16xi1>
      %sub3A_182 = vector.broadcast %add3A_121 : i32 to vector<16xi32>
      %sub3A_183 = arith.subi %get3A_162, %sub3A_182 : vector<16xi32>
      tpu.vector_store_idx %arg6[%sub3A_183, %add3A_166], %broadcast_in_dim3A_35 masked %and3A_181 : memref<56x1024xf32, #tpu.memory_space<vmem>>[vector<16xi32>, vector<16xi32>], vector<16xf32>, vector<16xi1>
      %scan3A_184 = arith.constant 1 : i32
      %scan3A_185 = arith.addi %scan3A_155, %scan3A_184 : i32
      %mul3A_186 = arith.constant 1 : i32
      %mul3A_187 = arith.muli %scan3A_185, %mul3A_186 : i32
      %add3A_188 = arith.constant 0 : i32
      %add3A_189 = arith.addi %add3A_188, %mul3A_187 : i32
      %mul3A_190 = arith.constant 16 : i32
      %mul3A_191 = arith.muli %add3A_189, %mul3A_190 : i32
      %get3A_192 = arith.index_cast %mul3A_191 : i32 to index
      %get3A_193 = tpu.vector_load %arg4[%get3A_192] {strides = array<i32>} : memref<1024xi32, #tpu.memory_space<vmem>>, vector<16xi32>,
      %mul3A_194 = arith.constant 16 : i32
      %mul3A_195 = arith.muli %add3A_189, %mul3A_194 : i32
      %add3A_196 = vector.broadcast %mul3A_195 : i32 to vector<16xi32>
      %add3A_197 = arith.addi %iota3A, %add3A_196 : vector<16xi32>
      %ge3A_198 = vector.broadcast %add3A_99 : i32 to vector<16xi32>
      %ge3A_199 = arith.cmpi sge, %get3A_193, %ge3A_198 : vector<16xi32>
      %add3A_200 = arith.constant 56 : i32
      %add3A_201 = arith.addi %add3A_99, %add3A_200 : i32
      %lt3A_202 = vector.broadcast %add3A_201 : i32 to vector<16xi32>
      %lt3A_203 = arith.cmpi slt, %get3A_193, %lt3A_202 : vector<16xi32>
      %and3A_204 = arith.andi %ge3A_199, %lt3A_203 : vector<16xi1>
      %sub3A_205 = vector.broadcast %add3A_99 : i32 to vector<16xi32>
      %sub3A_206 = arith.subi %get3A_193, %sub3A_205 : vector<16xi32>
      tpu.vector_store_idx %arg6[%sub3A_206, %add3A_197], %broadcast_in_dim3A_37 masked %and3A_204 : memref<56x1024xf32, #tpu.memory_space<vmem>>[vector<16xi32>, vector<16xi32>], vector<16xf32>, vector<16xi1>
      %ge3A_207 = vector.broadcast %add3A_121 : i32 to vector<16xi32>
      %ge3A_208 = arith.cmpi sge, %get3A_193, %ge3A_207 : vector<16xi32>
      %add3A_209 = arith.constant 56 : i32
      %add3A_210 = arith.addi %add3A_121, %add3A_209 : i32
      %lt3A_211 = vector.broadcast %add3A_210 : i32 to vector<16xi32>
      %lt3A_212 = arith.cmpi slt, %get3A_193, %lt3A_211 : vector<16xi32>
      %and3A_213 = arith.andi %ge3A_208, %lt3A_212 : vector<16xi1>
      %sub3A_214 = vector.broadcast %add3A_121 : i32 to vector<16xi32>
      %sub3A_215 = arith.subi %get3A_193, %sub3A_214 : vector<16xi32>
      tpu.vector_store_idx %arg6[%sub3A_215, %add3A_197], %broadcast_in_dim3A_35 masked %and3A_213 : memref<56x1024xf32, #tpu.memory_space<vmem>>[vector<16xi32>, vector<16xi32>], vector<16xf32>, vector<16xi1>
      %scan3A_216 = arith.constant 2 : i32
      %scan3A_217 = arith.addi %scan3A_155, %scan3A_216 : i32
      %mul3A_218 = arith.constant 1 : i32
      %mul3A_219 = arith.muli %scan3A_217, %mul3A_218 : i32
      %add3A_220 = arith.constant 0 : i32
      %add3A_221 = arith.addi %add3A_220, %mul3A_219 : i32
      %mul3A_222 = arith.constant 16 : i32
      %mul3A_223 = arith.muli %add3A_221, %mul3A_222 : i32
      %get3A_224 = arith.index_cast %mul3A_223 : i32 to index
      %get3A_225 = tpu.vector_load %arg4[%get3A_224] {strides = array<i32>} : memref<1024xi32, #tpu.memory_space<vmem>>, vector<16xi32>,
      %mul3A_226 = arith.constant 16 : i32
      %mul3A_227 = arith.muli %add3A_221, %mul3A_226 : i32
      %add3A_228 = vector.broadcast %mul3A_227 : i32 to vector<16xi32>
      %add3A_229 = arith.addi %iota3A, %add3A_228 : vector<16xi32>
      %ge3A_230 = vector.broadcast %add3A_99 : i32 to vector<16xi32>
      %ge3A_231 = arith.cmpi sge, %get3A_225, %ge3A_230 : vector<16xi32>
      %add3A_232 = arith.constant 56 : i32
      %add3A_233 = arith.addi %add3A_99, %add3A_232 : i32
      %lt3A_234 = vector.broadcast %add3A_233 : i32 to vector<16xi32>
      %lt3A_235 = arith.cmpi slt, %get3A_225, %lt3A_234 : vector<16xi32>
      %and3A_236 = arith.andi %ge3A_231, %lt3A_235 : vector<16xi1>
      %sub3A_237 = vector.broadcast %add3A_99 : i32 to vector<16xi32>
      %sub3A_238 = arith.subi %get3A_225, %sub3A_237 : vector<16xi32>
      tpu.vector_store_idx %arg6[%sub3A_238, %add3A_229], %broadcast_in_dim3A_37 masked %and3A_236 : memref<56x1024xf32, #tpu.memory_space<vmem>>[vector<16xi32>, vector<16xi32>], vector<16xf32>, vector<16xi1>
      %ge3A_239 = vector.broadcast %add3A_121 : i32 to vector<16xi32>
      %ge3A_240 = arith.cmpi sge, %get3A_225, %ge3A_239 : vector<16xi32>
      %add3A_241 = arith.constant 56 : i32
      %add3A_242 = arith.addi %add3A_121, %add3A_241 : i32
      %lt3A_243 = vector.broadcast %add3A_242 : i32 to vector<16xi32>
      %lt3A_244 = arith.cmpi slt, %get3A_225, %lt3A_243 : vector<16xi32>
      %and3A_245 = arith.andi %ge3A_240, %lt3A_244 : vector<16xi1>
      %sub3A_246 = vector.broadcast %add3A_121 : i32 to vector<16xi32>
      %sub3A_247 = arith.subi %get3A_225, %sub3A_246 : vector<16xi32>
      tpu.vector_store_idx %arg6[%sub3A_247, %add3A_229], %broadcast_in_dim3A_35 masked %and3A_245 : memref<56x1024xf32, #tpu.memory_space<vmem>>[vector<16xi32>, vector<16xi32>], vector<16xf32>, vector<16xi1>
      %scan3A_248 = arith.constant 3 : i32
      %scan3A_249 = arith.addi %scan3A_155, %scan3A_248 : i32
      %mul3A_250 = arith.constant 1 : i32
      %mul3A_251 = arith.muli %scan3A_249, %mul3A_250 : i32
      %add3A_252 = arith.constant 0 : i32
      %add3A_253 = arith.addi %add3A_252, %mul3A_251 : i32
      %mul3A_254 = arith.constant 16 : i32
      %mul3A_255 = arith.muli %add3A_253, %mul3A_254 : i32
      %get3A_256 = arith.index_cast %mul3A_255 : i32 to index
      %get3A_257 = tpu.vector_load %arg4[%get3A_256] {strides = array<i32>} : memref<1024xi32, #tpu.memory_space<vmem>>, vector<16xi32>,
      %mul3A_258 = arith.constant 16 : i32
      %mul3A_259 = arith.muli %add3A_253, %mul3A_258 : i32
      %add3A_260 = vector.broadcast %mul3A_259 : i32 to vector<16xi32>
      %add3A_261 = arith.addi %iota3A, %add3A_260 : vector<16xi32>
      %ge3A_262 = vector.broadcast %add3A_99 : i32 to vector<16xi32>
      %ge3A_263 = arith.cmpi sge, %get3A_257, %ge3A_262 : vector<16xi32>
      %add3A_264 = arith.constant 56 : i32
      %add3A_265 = arith.addi %add3A_99, %add3A_264 : i32
      %lt3A_266 = vector.broadcast %add3A_265 : i32 to vector<16xi32>
      %lt3A_267 = arith.cmpi slt, %get3A_257, %lt3A_266 : vector<16xi32>
      %and3A_268 = arith.andi %ge3A_263, %lt3A_267 : vector<16xi1>
      %sub3A_269 = vector.broadcast %add3A_99 : i32 to vector<16xi32>
      %sub3A_270 = arith.subi %get3A_257, %sub3A_269 : vector<16xi32>
      tpu.vector_store_idx %arg6[%sub3A_270, %add3A_261], %broadcast_in_dim3A_37 masked %and3A_268 : memref<56x1024xf32, #tpu.memory_space<vmem>>[vector<16xi32>, vector<16xi32>], vector<16xf32>, vector<16xi1>
      %ge3A_271 = vector.broadcast %add3A_121 : i32 to vector<16xi32>
      %ge3A_272 = arith.cmpi sge, %get3A_257, %ge3A_271 : vector<16xi32>
      %add3A_273 = arith.constant 56 : i32
      %add3A_274 = arith.addi %add3A_121, %add3A_273 : i32
      %lt3A_275 = vector.broadcast %add3A_274 : i32 to vector<16xi32>
      %lt3A_276 = arith.cmpi slt, %get3A_257, %lt3A_275 : vector<16xi32>
      %and3A_277 = arith.andi %ge3A_272, %lt3A_276 : vector<16xi1>
      %sub3A_278 = vector.broadcast %add3A_121 : i32 to vector<16xi32>
      %sub3A_279 = arith.subi %get3A_257, %sub3A_278 : vector<16xi32>
      tpu.vector_store_idx %arg6[%sub3A_279, %add3A_261], %broadcast_in_dim3A_35 masked %and3A_277 : memref<56x1024xf32, #tpu.memory_space<vmem>>[vector<16xi32>, vector<16xi32>], vector<16xf32>, vector<16xi1>
    }
    %scan3A_128 = arith.constant 64 : i32
    %dma_start3A_129 = tpu.memref_slice %arg3[%add3A_121, %mul3A_32] : memref<1000x16384xf32, #tpu.memory_space<hbm>> -> memref<56x1024xf32, #tpu.memory_space<hbm>>
    %dma_start3A_130 = tpu.memref_slice %arg3[%add3A_121, %mul3A_32] : memref<1000x16384xf32, #tpu.memory_space<hbm>> -> memref<56x1024xf32, #tpu.memory_space<hbm>>
    tpu.enqueue_dma source(%arg6 : memref<56x1024xf32, #tpu.memory_space<vmem>>) target(%dma_start3A_130 : memref<56x1024xf32, #tpu.memory_space<hbm>>) target_semaphore(%arg8 : memref<!tpu.dma_semaphore, #tpu.memory_space<semaphore_mem>>)
    %dma_wait3A_131 = tpu.memref_slice %arg3[%add3A_110, %mul3A_32] : memref<1000x16384xf32, #tpu.memory_space<hbm>> -> memref<56x1024xf32, #tpu.memory_space<hbm>>
    %dma_wait3A_132 = tpu.memref_slice %arg3[%add3A_110, %mul3A_32] : memref<1000x16384xf32, #tpu.memory_space<hbm>> -> memref<56x1024xf32, #tpu.memory_space<hbm>>
    tpu.wait_dma2 semaphore(%arg7 : memref<!tpu.dma_semaphore, #tpu.memory_space<semaphore_mem>>) src(%arg5 : memref<56x1024xf32, #tpu.memory_space<vmem>>) dst(%dma_wait3A_132 : memref<56x1024xf32, #tpu.memory_space<hbm>>)
    %add3A_133 = arith.constant 448 : i32
    %add3A_134 = arith.addi %mul3A_39, %add3A_133 : i32
    %eq3A_135 = arith.constant 0 : i32
    %eq3A_136 = arith.cmpi eq, %select_n3A_30, %eq3A_135 : i32
    %jit3A_137 = arith.constant 56 : i32
    %jit3A_138 = arith.constant 48 : i32
    %select_n3A_139 = arith.select %eq3A_136, %jit3A_137, %jit3A_138 : i32
    %scan3A_140 = arith.constant 0 : i32
    %scan3A_141 = arith.constant 64 : i32
    %scan3A_142 = arith.addi %scan3A_140, %scan3A_141 : i32
    %scan3A_143 = arith.constant 4 : i32
    scf.for %scan3A_155 = %scan3A_140 to %scan3A_142 step %scan3A_143  : i32 {
      %mul3A_156 = arith.constant 1 : i32
      %mul3A_157 = arith.muli %scan3A_155, %mul3A_156 : i32
      %add3A_158 = arith.constant 0 : i32
      %add3A_159 = arith.addi %add3A_158, %mul3A_157 : i32
      %mul3A_160 = arith.constant 16 : i32
      %mul3A_161 = arith.muli %add3A_159, %mul3A_160 : i32
      %get3A = arith.index_cast %mul3A_161 : i32 to index
      %get3A_162 = tpu.vector_load %arg4[%get3A] {strides = array<i32>} : memref<1024xi32, #tpu.memory_space<vmem>>, vector<16xi32>,
      %mul3A_163 = arith.constant 16 : i32
      %mul3A_164 = arith.muli %add3A_159, %mul3A_163 : i32
      %add3A_165 = vector.broadcast %mul3A_164 : i32 to vector<16xi32>
      %add3A_166 = arith.addi %iota3A, %add3A_165 : vector<16xi32>
      %ge3A = vector.broadcast %add3A_110 : i32 to vector<16xi32>
      %ge3A_167 = arith.cmpi sge, %get3A_162, %ge3A : vector<16xi32>
      %add3A_168 = arith.constant 56 : i32
      %add3A_169 = arith.addi %add3A_110, %add3A_168 : i32
      %lt3A_170 = vector.broadcast %add3A_169 : i32 to vector<16xi32>
      %lt3A_171 = arith.cmpi slt, %get3A_162, %lt3A_170 : vector<16xi32>
      %and3A_172 = arith.andi %ge3A_167, %lt3A_171 : vector<16xi1>
      %sub3A_173 = vector.broadcast %add3A_110 : i32 to vector<16xi32>
      %sub3A_174 = arith.subi %get3A_162, %sub3A_173 : vector<16xi32>
      tpu.vector_store_idx %arg5[%sub3A_174, %add3A_166], %broadcast_in_dim3A_37 masked %and3A_172 : memref<56x1024xf32, #tpu.memory_space<vmem>>[vector<16xi32>, vector<16xi32>], vector<16xf32>, vector<16xi1>
      %ge3A_175 = vector.broadcast %add3A_134 : i32 to vector<16xi32>
      %ge3A_176 = arith.cmpi sge, %get3A_162, %ge3A_175 : vector<16xi32>
      %add3A_177 = arith.addi %add3A_134, %select_n3A_139 : i32
      %lt3A_178 = vector.broadcast %add3A_177 : i32 to vector<16xi32>
      %lt3A_179 = arith.cmpi slt, %get3A_162, %lt3A_178 : vector<16xi32>
      %and3A_180 = arith.andi %ge3A_176, %lt3A_179 : vector<16xi1>
      %sub3A_181 = vector.broadcast %add3A_134 : i32 to vector<16xi32>
      %sub3A_182 = arith.subi %get3A_162, %sub3A_181 : vector<16xi32>
      tpu.vector_store_idx %arg5[%sub3A_182, %add3A_166], %broadcast_in_dim3A_35 masked %and3A_180 : memref<56x1024xf32, #tpu.memory_space<vmem>>[vector<16xi32>, vector<16xi32>], vector<16xf32>, vector<16xi1>
      %scan3A_183 = arith.constant 1 : i32
      %scan3A_184 = arith.addi %scan3A_155, %scan3A_183 : i32
      %mul3A_185 = arith.constant 1 : i32
      %mul3A_186 = arith.muli %scan3A_184, %mul3A_185 : i32
      %add3A_187 = arith.constant 0 : i32
      %add3A_188 = arith.addi %add3A_187, %mul3A_186 : i32
      %mul3A_189 = arith.constant 16 : i32
      %mul3A_190 = arith.muli %add3A_188, %mul3A_189 : i32
      %get3A_191 = arith.index_cast %mul3A_190 : i32 to index
      %get3A_192 = tpu.vector_load %arg4[%get3A_191] {strides = array<i32>} : memref<1024xi32, #tpu.memory_space<vmem>>, vector<16xi32>,
      %mul3A_193 = arith.constant 16 : i32
      %mul3A_194 = arith.muli %add3A_188, %mul3A_193 : i32
      %add3A_195 = vector.broadcast %mul3A_194 : i32 to vector<16xi32>
      %add3A_196 = arith.addi %iota3A, %add3A_195 : vector<16xi32>
      %ge3A_197 = vector.broadcast %add3A_110 : i32 to vector<16xi32>
      %ge3A_198 = arith.cmpi sge, %get3A_192, %ge3A_197 : vector<16xi32>
      %add3A_199 = arith.constant 56 : i32
      %add3A_200 = arith.addi %add3A_110, %add3A_199 : i32
      %lt3A_201 = vector.broadcast %add3A_200 : i32 to vector<16xi32>
      %lt3A_202 = arith.cmpi slt, %get3A_192, %lt3A_201 : vector<16xi32>
      %and3A_203 = arith.andi %ge3A_198, %lt3A_202 : vector<16xi1>
      %sub3A_204 = vector.broadcast %add3A_110 : i32 to vector<16xi32>
      %sub3A_205 = arith.subi %get3A_192, %sub3A_204 : vector<16xi32>
      tpu.vector_store_idx %arg5[%sub3A_205, %add3A_196], %broadcast_in_dim3A_37 masked %and3A_203 : memref<56x1024xf32, #tpu.memory_space<vmem>>[vector<16xi32>, vector<16xi32>], vector<16xf32>, vector<16xi1>
      %ge3A_206 = vector.broadcast %add3A_134 : i32 to vector<16xi32>
      %ge3A_207 = arith.cmpi sge, %get3A_192, %ge3A_206 : vector<16xi32>
      %add3A_208 = arith.addi %add3A_134, %select_n3A_139 : i32
      %lt3A_209 = vector.broadcast %add3A_208 : i32 to vector<16xi32>
      %lt3A_210 = arith.cmpi slt, %get3A_192, %lt3A_209 : vector<16xi32>
      %and3A_211 = arith.andi %ge3A_207, %lt3A_210 : vector<16xi1>
      %sub3A_212 = vector.broadcast %add3A_134 : i32 to vector<16xi32>
      %sub3A_213 = arith.subi %get3A_192, %sub3A_212 : vector<16xi32>
      tpu.vector_store_idx %arg5[%sub3A_213, %add3A_196], %broadcast_in_dim3A_35 masked %and3A_211 : memref<56x1024xf32, #tpu.memory_space<vmem>>[vector<16xi32>, vector<16xi32>], vector<16xf32>, vector<16xi1>
      %scan3A_214 = arith.constant 2 : i32
      %scan3A_215 = arith.addi %scan3A_155, %scan3A_214 : i32
      %mul3A_216 = arith.constant 1 : i32
      %mul3A_217 = arith.muli %scan3A_215, %mul3A_216 : i32
      %add3A_218 = arith.constant 0 : i32
      %add3A_219 = arith.addi %add3A_218, %mul3A_217 : i32
      %mul3A_220 = arith.constant 16 : i32
      %mul3A_221 = arith.muli %add3A_219, %mul3A_220 : i32
      %get3A_222 = arith.index_cast %mul3A_221 : i32 to index
      %get3A_223 = tpu.vector_load %arg4[%get3A_222] {strides = array<i32>} : memref<1024xi32, #tpu.memory_space<vmem>>, vector<16xi32>,
      %mul3A_224 = arith.constant 16 : i32
      %mul3A_225 = arith.muli %add3A_219, %mul3A_224 : i32
      %add3A_226 = vector.broadcast %mul3A_225 : i32 to vector<16xi32>
      %add3A_227 = arith.addi %iota3A, %add3A_226 : vector<16xi32>
      %ge3A_228 = vector.broadcast %add3A_110 : i32 to vector<16xi32>
      %ge3A_229 = arith.cmpi sge, %get3A_223, %ge3A_228 : vector<16xi32>
      %add3A_230 = arith.constant 56 : i32
      %add3A_231 = arith.addi %add3A_110, %add3A_230 : i32
      %lt3A_232 = vector.broadcast %add3A_231 : i32 to vector<16xi32>
      %lt3A_233 = arith.cmpi slt, %get3A_223, %lt3A_232 : vector<16xi32>
      %and3A_234 = arith.andi %ge3A_229, %lt3A_233 : vector<16xi1>
      %sub3A_235 = vector.broadcast %add3A_110 : i32 to vector<16xi32>
      %sub3A_236 = arith.subi %get3A_223, %sub3A_235 : vector<16xi32>
      tpu.vector_store_idx %arg5[%sub3A_236, %add3A_227], %broadcast_in_dim3A_37 masked %and3A_234 : memref<56x1024xf32, #tpu.memory_space<vmem>>[vector<16xi32>, vector<16xi32>], vector<16xf32>, vector<16xi1>
      %ge3A_237 = vector.broadcast %add3A_134 : i32 to vector<16xi32>
      %ge3A_238 = arith.cmpi sge, %get3A_223, %ge3A_237 : vector<16xi32>
      %add3A_239 = arith.addi %add3A_134, %select_n3A_139 : i32
      %lt3A_240 = vector.broadcast %add3A_239 : i32 to vector<16xi32>
      %lt3A_241 = arith.cmpi slt, %get3A_223, %lt3A_240 : vector<16xi32>
      %and3A_242 = arith.andi %ge3A_238, %lt3A_241 : vector<16xi1>
      %sub3A_243 = vector.broadcast %add3A_134 : i32 to vector<16xi32>
      %sub3A_244 = arith.subi %get3A_223, %sub3A_243 : vector<16xi32>
      tpu.vector_store_idx %arg5[%sub3A_244, %add3A_227], %broadcast_in_dim3A_35 masked %and3A_242 : memref<56x1024xf32, #tpu.memory_space<vmem>>[vector<16xi32>, vector<16xi32>], vector<16xf32>, vector<16xi1>
      %scan3A_245 = arith.constant 3 : i32
      %scan3A_246 = arith.addi %scan3A_155, %scan3A_245 : i32
      %mul3A_247 = arith.constant 1 : i32
      %mul3A_248 = arith.muli %scan3A_246, %mul3A_247 : i32
      %add3A_249 = arith.constant 0 : i32
      %add3A_250 = arith.addi %add3A_249, %mul3A_248 : i32
      %mul3A_251 = arith.constant 16 : i32
      %mul3A_252 = arith.muli %add3A_250, %mul3A_251 : i32
      %get3A_253 = arith.index_cast %mul3A_252 : i32 to index
      %get3A_254 = tpu.vector_load %arg4[%get3A_253] {strides = array<i32>} : memref<1024xi32, #tpu.memory_space<vmem>>, vector<16xi32>,
      %mul3A_255 = arith.constant 16 : i32
      %mul3A_256 = arith.muli %add3A_250, %mul3A_255 : i32
      %add3A_257 = vector.broadcast %mul3A_256 : i32 to vector<16xi32>
      %add3A_258 = arith.addi %iota3A, %add3A_257 : vector<16xi32>
      %ge3A_259 = vector.broadcast %add3A_110 : i32 to vector<16xi32>
      %ge3A_260 = arith.cmpi sge, %get3A_254, %ge3A_259 : vector<16xi32>
      %add3A_261 = arith.constant 56 : i32
      %add3A_262 = arith.addi %add3A_110, %add3A_261 : i32
      %lt3A_263 = vector.broadcast %add3A_262 : i32 to vector<16xi32>
      %lt3A_264 = arith.cmpi slt, %get3A_254, %lt3A_263 : vector<16xi32>
      %and3A_265 = arith.andi %ge3A_260, %lt3A_264 : vector<16xi1>
      %sub3A_266 = vector.broadcast %add3A_110 : i32 to vector<16xi32>
      %sub3A_267 = arith.subi %get3A_254, %sub3A_266 : vector<16xi32>
      tpu.vector_store_idx %arg5[%sub3A_267, %add3A_258], %broadcast_in_dim3A_37 masked %and3A_265 : memref<56x1024xf32, #tpu.memory_space<vmem>>[vector<16xi32>, vector<16xi32>], vector<16xf32>, vector<16xi1>
      %ge3A_268 = vector.broadcast %add3A_134 : i32 to vector<16xi32>
      %ge3A_269 = arith.cmpi sge, %get3A_254, %ge3A_268 : vector<16xi32>
      %add3A_270 = arith.addi %add3A_134, %select_n3A_139 : i32
      %lt3A_271 = vector.broadcast %add3A_270 : i32 to vector<16xi32>
      %lt3A_272 = arith.cmpi slt, %get3A_254, %lt3A_271 : vector<16xi32>
      %and3A_273 = arith.andi %ge3A_269, %lt3A_272 : vector<16xi1>
      %sub3A_274 = vector.broadcast %add3A_134 : i32 to vector<16xi32>
      %sub3A_275 = arith.subi %get3A_254, %sub3A_274 : vector<16xi32>
      tpu.vector_store_idx %arg5[%sub3A_275, %add3A_258], %broadcast_in_dim3A_35 masked %and3A_273 : memref<56x1024xf32, #tpu.memory_space<vmem>>[vector<16xi32>, vector<16xi32>], vector<16xf32>, vector<16xi1>
    }
    %scan3A_144 = arith.constant 64 : i32
    %eq3A_145 = arith.constant 0 : i32
    %eq3A_146 = arith.cmpi eq, %select_n3A_30, %eq3A_145 : i32
    %convert_element_type3A = arith.extui %eq3A_146 : i1 to i32
    %cond3A = arith.constant 0 : i32
    %cond3A_147 = arith.cmpi ne, %convert_element_type3A, %cond3A : i32
    scf.if %cond3A_147 {
      "tpu.region"() ({
        %run_scoped3A = tpu.sem_alloc : memref<!tpu.dma_semaphore, #tpu.memory_space<semaphore_mem>>
        %dma_start3A_155 = tpu.memref_slice %arg3[%add3A_134, %mul3A_32] : memref<1000x16384xf32, #tpu.memory_space<hbm>> -> memref<56x1024xf32, #tpu.memory_space<hbm>>
        %dma_start3A_156 = tpu.memref_slice %arg3[%add3A_134, %mul3A_32] : memref<1000x16384xf32, #tpu.memory_space<hbm>> -> memref<56x1024xf32, #tpu.memory_space<hbm>>
        tpu.enqueue_dma source(%arg5 : memref<56x1024xf32, #tpu.memory_space<vmem>>) target(%dma_start3A_156 : memref<56x1024xf32, #tpu.memory_space<hbm>>) target_semaphore(%run_scoped3A : memref<!tpu.dma_semaphore, #tpu.memory_space<semaphore_mem>>)
        %dma_wait3A_157 = tpu.memref_slice %arg3[%add3A_134, %mul3A_32] : memref<1000x16384xf32, #tpu.memory_space<hbm>> -> memref<56x1024xf32, #tpu.memory_space<hbm>>
        %dma_wait3A_158 = tpu.memref_slice %arg3[%add3A_134, %mul3A_32] : memref<1000x16384xf32, #tpu.memory_space<hbm>> -> memref<56x1024xf32, #tpu.memory_space<hbm>>
        tpu.wait_dma2 semaphore(%run_scoped3A : memref<!tpu.dma_semaphore, #tpu.memory_space<semaphore_mem>>) src(%arg5 : memref<56x1024xf32, #tpu.memory_space<vmem>>) dst(%dma_wait3A_158 : memref<56x1024xf32, #tpu.memory_space<hbm>>)
        tpu.yield
      }) : () -> ()
    } else {
    }
    %eq3A_148 = arith.constant 1 : i32
    %eq3A_149 = arith.cmpi eq, %select_n3A_30, %eq3A_148 : i32
    %convert_element_type3A_150 = arith.extui %eq3A_149 : i1 to i32
    %cond3A_151 = arith.constant 0 : i32
    %cond3A_152 = arith.cmpi ne, %convert_element_type3A_150, %cond3A_151 : i32
    scf.if %cond3A_152 {
      "tpu.region"() ({
        %run_scoped3A = tpu.sem_alloc : memref<!tpu.dma_semaphore, #tpu.memory_space<semaphore_mem>>
        %dma_start3A_155 = arith.constant 0 : i32
        %dma_start3A_156 = arith.constant 0 : i32
        %dma_start3A_157 = tpu.memref_slice %arg5[%dma_start3A_155, %dma_start3A_156] : memref<56x1024xf32, #tpu.memory_space<vmem>> -> memref<48x1024xf32, #tpu.memory_space<vmem>>
        %dma_start3A_158 = tpu.memref_slice %arg3[%add3A_134, %mul3A_32] : memref<1000x16384xf32, #tpu.memory_space<hbm>> -> memref<48x1024xf32, #tpu.memory_space<hbm>>
        %dma_start3A_159 = tpu.memref_slice %arg3[%add3A_134, %mul3A_32] : memref<1000x16384xf32, #tpu.memory_space<hbm>> -> memref<48x1024xf32, #tpu.memory_space<hbm>>
        %dma_start3A_160 = arith.constant 0 : i32
        %dma_start3A_161 = arith.constant 0 : i32
        %dma_start3A_162 = tpu.memref_slice %arg5[%dma_start3A_160, %dma_start3A_161] : memref<56x1024xf32, #tpu.memory_space<vmem>> -> memref<48x1024xf32, #tpu.memory_space<vmem>>
        tpu.enqueue_dma source(%dma_start3A_162 : memref<48x1024xf32, #tpu.memory_space<vmem>>) target(%dma_start3A_159 : memref<48x1024xf32, #tpu.memory_space<hbm>>) target_semaphore(%run_scoped3A : memref<!tpu.dma_semaphore, #tpu.memory_space<semaphore_mem>>)
        %dma_wait3A_163 = arith.constant 0 : i32
        %dma_wait3A_164 = arith.constant 0 : i32
        %dma_wait3A_165 = tpu.memref_slice %arg5[%dma_wait3A_163, %dma_wait3A_164] : memref<56x1024xf32, #tpu.memory_space<vmem>> -> memref<48x1024xf32, #tpu.memory_space<vmem>>
        %dma_wait3A_166 = tpu.memref_slice %arg3[%add3A_134, %mul3A_32] : memref<1000x16384xf32, #tpu.memory_space<hbm>> -> memref<48x1024xf32, #tpu.memory_space<hbm>>
        %dma_wait3A_167 = tpu.memref_slice %arg3[%add3A_134, %mul3A_32] : memref<1000x16384xf32, #tpu.memory_space<hbm>> -> memref<48x1024xf32, #tpu.memory_space<hbm>>
        %dma_wait3A_168 = arith.constant 0 : i32
        %dma_wait3A_169 = arith.constant 0 : i32
        %dma_wait3A_170 = tpu.memref_slice %arg5[%dma_wait3A_168, %dma_wait3A_169] : memref<56x1024xf32, #tpu.memory_space<vmem>> -> memref<48x1024xf32, #tpu.memory_space<vmem>>
        tpu.wait_dma2 semaphore(%run_scoped3A : memref<!tpu.dma_semaphore, #tpu.memory_space<semaphore_mem>>) src(%dma_wait3A_170 : memref<48x1024xf32, #tpu.memory_space<vmem>>) dst(%dma_wait3A_167 : memref<48x1024xf32, #tpu.memory_space<hbm>>)
        tpu.yield
      }) : () -> ()
    } else {
    }
    %dma_wait3A_153 = tpu.memref_slice %arg3[%add3A_121, %mul3A_32] : memref<1000x16384xf32, #tpu.memory_space<hbm>> -> memref<56x1024xf32, #tpu.memory_space<hbm>>
    %dma_wait3A_154 = tpu.memref_slice %arg3[%add3A_121, %mul3A_32] : memref<1000x16384xf32, #tpu.memory_space<hbm>> -> memref<56x1024xf32, #tpu.memory_space<hbm>>
    tpu.wait_dma2 semaphore(%arg8 : memref<!tpu.dma_semaphore, #tpu.memory_space<semaphore_mem>>) src(%arg6 : memref<56x1024xf32, #tpu.memory_space<vmem>>) dst(%dma_wait3A_154 : memref<56x1024xf32, #tpu.memory_space<hbm>>)
    return
  }
}

</mosaic_0001>

<sc_bundles>
// kernel: kernel.3.cloned.1.call-start
scs
__scs_entry_jumppad:
0x0: {  	(pc) =	sbr.rel $0x88, $3  }
0x1: {  	(tag) =	ssettag $0x0;
	lr =	simm.s32 $0x1  }
0x2: {  	[smem:$0x3FA0] =	sst lr;
	_ =	strace $0xD0000000  }
0x3: {  	_ = 	snop  }
0x4: {  	_ = 	snop  }
0x5: {  	_ = 	snop  }
0x6: {  	_ = 	snop  }
0x7: {  	_ = 	snop  }
__scs_overlays_trampoline_lowered:
0x8: {  	[smem:$0x3FAF] =	sst s0  }
0x9: {  	[smem:$0x3FB0] =	sst s1  }
0xa: {  	[smem:$0x3FB1] =	sst s2  }
0xb: {  	[smem:$0x3FB2] =	sst s3  }
0xc: {  	[smem:$0x3FB3] =	sst s4  }
0xd: {  	[smem:$0x3FB4] =	sst s5  }
0xe: {  	[smem:$0x3FB5] =	sst s6  }
0xf: {  	[smem:$0x3FB6] =	sst s7  }
0x10: {  	[smem:$0x3FB7] =	sst s8  }
0x11: {  	[smem:$0x3FB8] =	sst s9;
	s0 =	simm.s32 @!p0 $0x0  }
0x12: {  	s1 =	sld [smem:$0x3F9E];
	s0 =	simm.s32 @p0 $0x1  }
0x13: {  	[smem:$0x3FB9] =	sst s0;
	s0 =	simm.s32 @!p1 $0x0  }
0x14: {  	s2 =	sld [smem:$0x3F9D];
	s0 =	simm.s32 @p1 $0x1  }
0x15: {  	[smem:$0x3FBA] =	sst s0;
	s0 =	simm.s32 @!p2 $0x0  }
0x16: {  	s3 =	sld [smem:$0x3FDB];
	s0 =	simm.s32 @p2 $0x1  }
0x17: {  	s4 =	simm.s32 $0x1BF5;
	[smem:$0x3FBC] =	sst s0  }
0x18: {  	s0 =	sld [smem:$0x3F9F];
	_ =	swait.ge [sflag:s4], $0x0  }
0x19: {  	s7 =	sld [smem:$0x3FA0]  }
0x1a: {  	s8 =	sadd.s32 $0xFFFFE003, lr  }
0x1b: {  	s9 =	sadd.s32 $0xFFFFFEF7, lr;
	s5 =	simm.s32 $0xFFFFFFFF;
	p2 =	slt.u32 s8, $0xFFFFF086  }
0x1c: {  	p1 =	slt.u32 s9, $0xF7A;
	s5 =	simm.s32 @!p2 $0x0  }
0x1d: {  	s5 =	simm.s32 @p1 $0x1;
	p0 =	seq.s32 s7, s2  }
0x1e: {  	s7 =	smul.u32 @!p0 $0xF7A, s2;
	p2 =	seq.s32 @!p0 s5, $0x0  }
0x1f: {  	s9 =	smul.u32 $0xF7A, s1;
	s8 =	simm.s32 @!p0 $0x1BF5;
	p2 =	por !p2, p0  }
0x20: {  	[sflag:s8] =	ssyncset.s32 @!p0 $0xFFFFF086;
	s6 =	sadd.s32 @!p0 s3, s7;
	s7 =	simm.s32 @!p0 $0x108  }
0x21: {  	s3 =	sadd.s32 s3, s9;
	s6 =	sadd.s32 @!p0 $0x88, s6;
	s7 =	simm.s32 @p2 $0x1082  }
0x22: {  	[simem:s7], [sflag:s8] =	dma.local @!p0 [hbm:s6], $0xF7A  }
0x23: {  	s9 =	sor.u32 $0xD0000000, s2;
	s6 =	simm.s32 $0x108;
	_ =	swait.ge @!p0 [sflag:s8], $0x0  }
0x24: {  	s3 =	sadd.s32 $0x88, s3;
	s6 =	simm.s32 @!p1 $0x1082;
	[sflag:s4] =	ssyncset.s32 $0xFFFFF086  }
0x25: {  	[simem:s6], [sflag:s4] =	dma.local [hbm:s3], $0xF7A  }
0x26: {  	[smem:$0x3FA0] =	sst s1;
	(tag) =	ssettag s2;
	_ =	strace s9  }
0x27: {  	s1 =	sld [smem:$0x3FB0]  }
0x28: {  	s2 =	sld [smem:$0x3FB1]  }
0x29: {  	s4 =	sld [smem:$0x3FB3]  }
0x2a: {  	p0 =	seq.s32 s5, $0x0;
	s5 =	sld [smem:$0x3FB4]  }
0x2b: {  	s6 =	sld [smem:$0x3FB5]  }
0x2c: {  	s7 =	sld [smem:$0x3FB6]  }
0x2d: {  	s3 =	simm.s32 $0x108;
	s8 =	sld [smem:$0x3FB7]  }
0x2e: {  	s3 =	simm.s32 @!p0 $0x1082;
	s9 =	sld [smem:$0x3FB8]  }
0x2f: {  	lr =	sadd.s32 s0, s3;
	s0 =	sld [smem:$0x3FAF]  }
0x30: {  	s3 =	sld [smem:$0x3FB2]  }
0x31: {  	[smem:$0x3FBB] =	sst s10  }
0x32: {  	s10 =	sld [smem:$0x3FB9];
	_ =	sdelay $0x3  }
0x33: {  	p0 =	seq.s32 s10, $0x1;
	s10 =	sld [smem:$0x3FBB];
	_ =	sdelay $0x3  }
0x34: {  	[smem:$0x3FBB] =	sst s10  }
0x35: {  	s10 =	sld [smem:$0x3FBA];
	_ =	sdelay $0x3  }
0x36: {  	p1 =	seq.s32 s10, $0x1;
	s10 =	sld [smem:$0x3FBB];
	_ =	sdelay $0x3  }
0x37: {  	[smem:$0x3FBB] =	sst s10  }
0x38: {  	s10 =	sld [smem:$0x3FBC]  }
0x39: {  	_ = 	snop;
	(pc) =	sbr.ind lr, $3  }
0x3a: {  	_ = 	snop  }
0x3b: {  	_ = 	snop  }
0x3c: {  	p2 =	seq.s32 s10, $0x1;
	s10 =	sld [smem:$0x3FBB]  }
0x3d: {  	_ =	shalt  }
0x3e: {  	_ =	shalt  }
0x3f: {  	_ =	shalt  }
0x40: {  	_ =	shalt  }
0x41: {  	_ =	shalt  }
0x42: {  	_ =	shalt  }
0x43: {  	_ =	shalt  }
0x44: {  	_ =	shalt  }
0x45: {  	_ =	shalt  }
0x46: {  	_ =	shalt  }
0x47: {  	_ =	shalt  }
0x48: {  	_ =	shalt  }
0x49: {  	_ =	shalt  }
0x4a: {  	_ =	shalt  }
0x4b: {  	_ =	shalt  }
0x4c: {  	_ =	shalt  }
0x4d: {  	_ =	shalt  }
0x4e: {  	_ =	shalt  }
0x4f: {  	_ =	shalt  }
0x50: {  	_ =	shalt  }
0x51: {  	_ =	shalt  }
0x52: {  	_ =	shalt  }
0x53: {  	_ =	shalt  }
0x54: {  	_ =	shalt  }
0x55: {  	_ =	shalt  }
0x56: {  	_ =	shalt  }
0x57: {  	_ =	shalt  }
0x58: {  	_ =	shalt  }
0x59: {  	_ =	shalt  }
0x5a: {  	_ =	shalt  }
0x5b: {  	_ =	shalt  }
0x5c: {  	_ =	shalt  }
0x5d: {  	_ =	shalt  }
0x5e: {  	_ =	shalt  }
0x5f: {  	_ =	shalt  }
0x60: {  	_ =	shalt  }
0x61: {  	_ =	shalt  }
0x62: {  	_ =	shalt  }
0x63: {  	_ =	shalt  }
0x64: {  	_ =	shalt  }
0x65: {  	_ =	shalt  }
0x66: {  	_ =	shalt  }
0x67: {  	_ =	shalt  }
0x68: {  	_ =	shalt  }
0x69: {  	_ =	shalt  }
0x6a: {  	_ =	shalt  }
0x6b: {  	_ =	shalt  }
0x6c: {  	_ =	shalt  }
0x6d: {  	_ =	shalt  }
0x6e: {  	_ =	shalt  }
0x6f: {  	_ =	shalt  }
0x70: {  	_ =	shalt  }
0x71: {  	_ =	shalt  }
0x72: {  	_ =	shalt  }
0x73: {  	_ =	shalt  }
0x74: {  	_ =	shalt  }
0x75: {  	_ =	shalt  }
0x76: {  	_ =	shalt  }
0x77: {  	_ =	shalt  }
0x78: {  	_ =	shalt  }
0x79: {  	_ =	shalt  }
0x7a: {  	_ =	shalt  }
0x7b: {  	_ =	shalt  }
0x7c: {  	_ =	shalt  }
0x7d: {  	_ =	shalt  }
0x7e: {  	_ =	shalt  }
0x7f: {  	_ =	shalt  }
0x80: {  	_ =	shalt  }
0x81: {  	_ =	shalt  }
0x82: {  	_ =	shalt  }
0x83: {  	_ =	shalt  }
0x84: {  	_ =	shalt  }
0x85: {  	_ =	shalt  }
0x86: {  	_ =	shalt  }
0x87: {  	_ =	shalt  }
.Lfunc_end0:
.L_simem_size_0:
called_computation_lowered:
.L_overlay_start_0:
0x88: {  	s2 =	sld [smem:$0x3FD9]  }
0x89: {  	s3 =	sld [smem:$0x3FFE];
	_ =	sdelay $0x1  }
0x8a: {  	s1 =	srdreg.scid  }
0x8b: {  	s0 =	sand.u32 $0x1, s1  }
0x8c: {  	s18 =	sshll.u32 s0, $0xA;
	s2 =	sadd.s32 s3, s2  }
0x8d: {  	s2 =	sadd.s32 s2, s18  }
0x8e: {  	[smem:$0x3FC7] =	sst s2  }
0x8f: {  	_ = 	snop  }
0x90: {  	s2 =	sld [smem:$0x3FC9]  }
0x91: {  	s19 =	sld [smem:$0x3FD0];
	(tm) =	ssettm $0x1  }
0x92: {  	s4 =	sld [smem:$0x3FFB];
	_ =	sdelay $0x3  }
0x93: {  	_ =	strace s4  }
0x94: {  	s4 =	sld [smem:$0x3FFC];
	_ =	sdelay $0x3  }
0x95: {  	_ =	strace s4  }
0x96: {  	s4 =	sld [smem:$0x3FFD];
	_ =	sdelay $0x3  }
0x97: {  	_ =	strace s4  }
0x98: {  	_ =	strace $0x8FFFFFFF  }
0x99: {  	s20 =	sld [smem:$0x3FDB];
	_ =	sdelay $0x1  }
0x9a: {  	s5 =	simm.s32 $_scs_section_size  }
0x9b: {  	s6 =	simm.s32 $_size__tile_overlayer_lowered;
	s7 =	simm.s32 $_tile_overlayer_lowered  }
0x9c: {  	s23 =	simm.s32 $0x1BFF;
	s22 =	sshll.u32 s7, $0x1;
	s4 =	sadd.s32 s5, s20  }
0x9d: {  	s8 =	simm.s32 $0x0;
	s21 =	sshll.u32 s6, $0x1;
	s6 =	sadd.s32 s22, s4  }
0x9e: {  	[timem:s8], [sflag:s23] =	dma.local [hbm:s6], s21  }
0x9f: {  	_ =	swait.ge [sflag:s23], s21  }
0xa0: {  	s5 =	ssub.s32 $0x0, s21;
	[sflag:s23] =	ssyncset.done $0x0  }
0xa1: {  	[sflag:s23] =	ssyncadd.s32 s5;
	_ =	sdelay $0x1  }
0xa2: {  	s24 =	simm.s32 $0x1B8B  }
0xa3: {  	_ =	swait.ge [sflag:s24], $0x1  }
0xa4: {  	[sflag:s24] =	ssyncset.done $0x0  }
0xa5: {  	s25 =	simm.s32 $0x1B8E;
	[sflag:s24] =	ssyncadd.s32 $0xFFFFFFFF  }
0xa6: {  	s26 =	simm.s32 $execute0_lowered;
	[smem:$0x3FD2] =	sst s25  }
0xa7: {  	s5 =	sshll.u32 s26, $0x1;
	_ =	strace $0x80000046;
	[dreg:$0x1] =	wrdreg $0xFFFFFFFF  }
0xa8: {  	s28 =	simm.s32 $_size_execute0_lowered;
	s4 =	sadd.s32 s4, s5;
	[dreg:$0x0] =	wrdreg $0x0  }
0xa9: {  	s5 =	sshll.u32 s28, $0x1;
	[dreg:$0x2] =	wrdreg s4  }
0xaa: {  	[dreg:$0x3] =	wrdreg s5  }
0xab: {  	[dreg:$0x4] =	wrdreg $0xC0  }
0xac: {  	_ =	task [dreg:s8], $0x5FFFF  }
0xad: {  	[dreg:$0x1] =	wrdreg $0xFFFFFFFF  }
0xae: {  	[dreg:$0x0] =	wrdreg $0x60  }
0xaf: {  	[dreg:$0x2] =	wrdreg s2  }
0xb0: {  	[dreg:$0x3] =	wrdreg s19  }
0xb1: {  	[dreg:$0x4] =	wrdreg $0x9  }
0xb2: {  	_ =	task.clear_ibuf [dreg:s8], $0x5FFFF;
	_ =	strace $0x90000046  }
0xb3: {  	s29 =	simm.s32 $0x9;
	_ =	strace $0x80000048  }
0xb4: {  	_ =	swait.ge [sflag:s29], $0x1  }
0xb5: {  	[sflag:s29] =	ssyncadd.s32 $0xFFFFFFFF  }
0xb6: {  	_ =	strace $0x90000048  }
0xb7: {  	_ =	sfence  }
0xb8: {  	s30 =	sld [smem:$0x0];
	_ =	sdelay $0x2  }
0xb9: {  	s31 =	sshll.u32 s1, $0xD;
	s1 =	sshrl.u32 s1, $0x2  }
0xba: {  	s3 =	sand.u32 $0x4000, s31;
	s1 =	sadd.s32 s1, s30  }
0xbb: {  	s0 =	sor.u32 s3, s0;
	s1 =	sshll.u32 s1, $0x11  }
0xbc: {  	s0 =	sor.u32 s1, s0  }
0xbd: {  	s0 =	sadd.s32 $0x8F2B, s0  }
0xbe: {  	[sflag:s0] =	ssyncadd.remote.s32 $0x1  }
0xbf: {  	_ =	sfence.sel $0xFFFF  }
0xc0: {  	[dreg:$0x0] =	wrdreg $0xFFFFFFFF;
	(pc) =	sbr.abs _section_cstart, $3  }
0xc1: {  	[dreg:$0x1] =	wrdreg $0xFFFFFFFF  }
0xc2: {  	_ =	task.clear_ibuf [dreg:s8], $0x2FFFF;
	_ =	strace $0x9FFFFFFF  }
0xc3: {  	(tm) =	ssettm $0x7FFFFFFF  }
tec
execute0_lowered:
.L_overlay_start_1:
0x0: {  	(tag) =	ssettag $0x1  }
0x1: {  	s3 =	rddreg [dreg:$0x0]  }
0x2: {  	s12 =	rddreg [dreg:$0x1]  }
0x3: {  	s0 =	rddreg [dreg:$0x2]  }
0x4: {  	s2 =	simm.s32 $0x0;
	s4 =	srdreg.scid;
	s1 =	stileid.u32  }
0x5: {  	s4 =	sand.u32 $0x1, s4;
	s5 =	sshll.u32 s1, $0x1;
	s22 =	sshrl.u32 s1, $0x3  }
0x6: {  	[smem:$0x7FF] =	sst s2;
	s6 =	ssub.s32 $0x2, s4;
	s13 =	smul.u32 $0x1F8, s22  }
0x7: {  	s5 =	sand.u32 $0xE, s5;
	s25 =	smul.u32 $0x7E0000, s22;
	p0 =	seq.s32 s22, $0x0  }
0x8: {  	_ =	strace $0x80000047;
	s7 =	sshrl.u32 s6, $0x1;
	s4 =	sor.u32 s4, s5  }
0x9: {  	s14 =	ssub.s32 s6, s7;
	s11 =	sshll.u32 s4, $0xD;
	s15 =	sshll.u32 s4, $0xA  }
0xa: {  	s16 =	sadd.s32 $0x38, s13;
	s4 =	sshll.u32 s4, $0x7;
	s17 =	sadd.s32 $0x70, s13  }
0xb: {  	s18 =	sadd.s32 $0xA8, s13;
	s19 =	sadd.s32 $0xE0, s13;
	s20 =	sadd.s32 $0x118, s13  }
0xc: {  	s21 =	sadd.s32 $0x150, s13;
	s23 =	sadd.s32 $0x188, s13;
	s5 =	sor.u32 s25, s11  }
0xd: {  	s26 =	sshll.u32 s16, $0xE;
	s3 =	sadd.s32 s3, s4;
	s29 =	sshll.u32 s17, $0xE  }
0xe: {  	s30 =	sshll.u32 s18, $0xE;
	s8 =	sshll.u32 s19, $0xE;
	s9 =	sshll.u32 s20, $0xE  }
0xf: {  	s10 =	sshll.u32 s21, $0xE;
	s24 =	sshll.u32 s23, $0xE;
	s25 =	sadd.s32 $0x1C0, s13  }
0x10: {  	s31 =	sadd.s32 s15, s12;
	s14 =	smax.u32 s14, $0x1;
	s15 =	simm.s32 $0x3  }
0x11: {  	v1 =	vmov s16;
	v2 =	vmov s17;
	v3 =	vmov s18;
	s16 =	simm.s32 $0x400;
	s17 =	simm.s32 $0x2000;
	s18 =	simm.s32 $0x20000  }
0x12: {  	v4 =	vmov s19;
	v5 =	vmov s20;
	v6 =	vmov s21;
	s19 =	simm.s32 $0xE400;
	s20 =	simm.s32 $0x1;
	s21 =	simm.s32 $0x2  }
0x13: {  	s5 =	sshrl.u32 s5, $0x3;
	s28 =	sor.u32 s11, s26;
	s6 =	sor.u32 s11, s29  }
0x14: {  	s7 =	sor.u32 s11, s30;
	s8 =	sor.u32 s11, s8;
	s9 =	sor.u32 s11, s9  }
0x15: {  	s10 =	sor.u32 s11, s10;
	s11 =	sor.u32 s11, s24;
	s24 =	simm.s32 $0x38  }
0x16: {  	v0 =	vmov s13;
	s13 =	sadd.s32 $0xE0000, s31;
	s4 =	sadd.s32 s12, s5;
	s5 =	sshrl.u32 s28, $0x3  }
0x17: {  	s6 =	sshrl.u32 s6, $0x3;
	s7 =	sshrl.u32 s7, $0x3;
	s8 =	sshrl.u32 s8, $0x3  }
0x18: {  	s9 =	sshrl.u32 s9, $0x3;
	s10 =	sshrl.u32 s10, $0x3;
	s11 =	sshrl.u32 s11, $0x3  }
0x19: {  	s24 =	simm.s32 @!p0 $0x30;
	p0 =	sne.s32 s22, $0x0;
	s22 =	simm.s32 $0x0  }
0x1a: {  	s5 =	sadd.s32 s12, s5;
	s6 =	sadd.s32 s12, s6;
	s7 =	sadd.s32 s12, s7  }
0x1b: {  	v10 =	vimm.f32 $0.0e+00;
	v11 =	vlaneseq.u32;
	v12 =	vimm.f32 $1.000000000e+00;
	s8 =	sadd.s32 s12, s8;
	s9 =	sadd.s32 s12, s9;
	s24 =	sadd.s32 s24, s25  }
0x1c: {  	v7 =	vmov s23;
	v8 =	vmov s25;
	s10 =	sadd.s32 s12, s10;
	s11 =	sadd.s32 s12, s11;
	s12 =	sadd.s32 $0x1DC000, s31;
	v9 =	vmov s24  }
.LBB2_1:
0x1d: {  	[tilespmem:s2], [sflag:$0x3] =	stream.linear.gather [hbm4b:s3+s2], $0x400, $0x38;
	[tilespmem:$0x1C400] =	vst v63  }
0x1e: {  	_ =	swait.ge [sflag:s15], $0x400  }
0x1f: {  	s23 =	simm.s32 $0xFFFF2000;
	s24 =	simm.s32 $0x0;
	[sflag:s15] =	ssyncset.done $0x0  }
0x20: {  	s25 =	simm.s32 $0x0;
	s26 =	simm.s32 $0x0;
	[sflag:s15] =	ssyncadd.s32 $0xFFFFFC00  }
.LBB2_2:
0x21: {  	s28 =	sadd.s32 $0xE000, s23  }
0x22: {  	s29 =	sand.u32 $0x380, s26;
	s28 =	sand.u32 $0xE000, s28  }
0x23: {  	s28 =	sor.u32 s29, s28  }
0x24: {  	[tilespmem:s28+$0x400] =	vst v10  }
0x25: {  	[tilespmem:s28+$0x410] =	vst v10  }
0x26: {  	[tilespmem:s28+$0x420] =	vst v10  }
0x27: {  	[tilespmem:s28+$0x430] =	vst v10  }
0x28: {  	[tilespmem:s28+$0x440] =	vst v10  }
0x29: {  	[tilespmem:s28+$0x450] =	vst v10  }
0x2a: {  	[tilespmem:s28+$0x460] =	vst v10  }
0x2b: {  	[tilespmem:s28+$0x470] =	vst v10  }
0x2c: {  	[tilespmem:s28+$0x800] =	vst v10  }
0x2d: {  	[tilespmem:s28+$0x810] =	vst v10  }
0x2e: {  	[tilespmem:s28+$0x820] =	vst v10  }
0x2f: {  	[tilespmem:s28+$0x830] =	vst v10  }
0x30: {  	[tilespmem:s28+$0x840] =	vst v10  }
0x31: {  	[tilespmem:s28+$0x850] =	vst v10  }
0x32: {  	[tilespmem:s28+$0x860] =	vst v10  }
0x33: {  	[tilespmem:s28+$0x870] =	vst v10  }
0x34: {  	[tilespmem:s28+$0xC00] =	vst v10  }
0x35: {  	[tilespmem:s28+$0xC10] =	vst v10  }
0x36: {  	[tilespmem:s28+$0xC20] =	vst v10  }
0x37: {  	[tilespmem:s28+$0xC30] =	vst v10  }
0x38: {  	[tilespmem:s28+$0xC40] =	vst v10  }
0x39: {  	[tilespmem:s28+$0xC50] =	vst v10  }
0x3a: {  	[tilespmem:s28+$0xC60] =	vst v10  }
0x3b: {  	[tilespmem:s28+$0xC70] =	vst v10  }
0x3c: {  	[tilespmem:s28+$0x1000] =	vst v10  }
0x3d: {  	[tilespmem:s28+$0x1010] =	vst v10  }
0x3e: {  	[tilespmem:s28+$0x1020] =	vst v10  }
0x3f: {  	[tilespmem:s28+$0x1030] =	vst v10  }
0x40: {  	[tilespmem:s28+$0x1040] =	vst v10  }
0x41: {  	[tilespmem:s28+$0x1050] =	vst v10  }
0x42: {  	[tilespmem:s28+$0x1060] =	vst v10  }
0x43: {  	[tilespmem:s28+$0x1070] =	vst v10  }
0x44: {  	[tilespmem:s28+$0x1400] =	vst v10  }
0x45: {  	[tilespmem:s28+$0x1410] =	vst v10  }
0x46: {  	[tilespmem:s28+$0x1420] =	vst v10  }
0x47: {  	[tilespmem:s28+$0x1430] =	vst v10  }
0x48: {  	[tilespmem:s28+$0x1440] =	vst v10  }
0x49: {  	[tilespmem:s28+$0x1450] =	vst v10  }
0x4a: {  	[tilespmem:s28+$0x1460] =	vst v10  }
0x4b: {  	[tilespmem:s28+$0x1470] =	vst v10  }
0x4c: {  	[tilespmem:s28+$0x1800] =	vst v10  }
0x4d: {  	[tilespmem:s28+$0x1810] =	vst v10  }
0x4e: {  	[tilespmem:s28+$0x1820] =	vst v10  }
0x4f: {  	[tilespmem:s28+$0x1830] =	vst v10  }
0x50: {  	[tilespmem:s28+$0x1840] =	vst v10  }
0x51: {  	[tilespmem:s28+$0x1850] =	vst v10  }
0x52: {  	[tilespmem:s28+$0x1860] =	vst v10  }
0x53: {  	[tilespmem:s28+$0x1870] =	vst v10  }
0x54: {  	[tilespmem:s28+$0x1C00] =	vst v10  }
0x55: {  	[tilespmem:s28+$0x1C10] =	vst v10  }
0x56: {  	[tilespmem:s28+$0x1C20] =	vst v10  }
0x57: {  	[tilespmem:s28+$0x1C30] =	vst v10  }
0x58: {  	s31 =	sand.u32 $0x7, s24;
	[tilespmem:s28+$0x1C40] =	vst v10  }
0x59: {  	s29 =	sshll.u32 s31, $0x7;
	[tilespmem:s28+$0x1C50] =	vst v10  }
0x5a: {  	s29 =	sadd.s32 s29, s25;
	[tilespmem:s28+$0x1C60] =	vst v10  }
0x5b: {  	[tilespmem:s28+$0x1C70] =	vst v10;
	s30 =	sor.u32 $0x1C00, s29  }
0x5c: {  	s31 =	sor.u32 $0x1C10, s29;
	[tilespmem:s30+$0x400] =	vst v10  }
0x5d: {  	s30 =	sor.u32 $0x1C20, s29;
	[tilespmem:s31+$0x400] =	vst v10  }
0x5e: {  	p1 =	sne.s32 s26, $0x1B80;
	s31 =	sor.u32 $0x1C30, s29;
	[tilespmem:s30+$0x400] =	vst v10  }
.Ltmp0:
0x5f: {  	s30 =	sor.u32 $0x1C40, s29;
	[tilespmem:s31+$0x400] =	vst v10;
	(pc) =	sbr.rel @p1 .LBB2_2-.Ltmp0, $4  }
0x60: {  	s31 =	sor.u32 $0x1C50, s29;
	[tilespmem:s30+$0x400] =	vst v10  }
0x61: {  	s30 =	sor.u32 $0x1C60, s29;
	[tilespmem:s31+$0x400] =	vst v10  }
0x62: {  	s24 =	sadd.s32 $0x1, s24;
	s31 =	sor.u32 $0x1C70, s29;
	[tilespmem:s30+$0x400] =	vst v10  }
0x63: {  	s23 =	sadd.s32 $0x400, s23;
	s26 =	sadd.s32 $0x80, s26;
	s25 =	sadd.s32 $0x400, s25;
	[tilespmem:s31+$0x400] =	vst v10  }
0x64: {  	s23 =	simm.s32 $0xFFFFFFFC;
	s24 =	simm.s32 $0x0;
	s25 =	simm.s32 $0x20  }
.LBB2_4:
0x65: {  	v13 =	vld [tilespmem:s25+$0xFFFFFFE0]  }
0x66: {  	v14 =	vmov s24  }
0x67: {  	v15 =	vor.u32 s24, v11;
	v14 =	vshll.u32 v14, $0x3  }
0x68: {  	v15 =	vand.u32 $0x4F, v15;
	v14 =	vand.u32 $0x1C00, v14  }
0x69: {  	v14 =	vor.u32 v14, v15  }
0x6a: {  	vm0 =	vge.s32 v13, v0;
	v16 =	vsub.s32 v13, v0;
	v15 =	vshll.u32 v13, $0x7  }
0x6b: {  	vm1 =	vlt.s32 v13, v1;
	v13 =	vshll.u32 v16, $0xA;
	v15 =	vand.u32 $0x380, v15  }
0x6c: {  	vm0 =	vmand vm0, vm1;
	v13 =	vand.u32 $0xFFFFE000, v13;
	v14 =	vor.u32 v15, v14  }
0x6d: {  	v13 =	vor.u32 v13, v14;
	_ =	sdelay $0x4  }
0x6e: {  	[tilespmem:v13+s16+$0x0] =	vst.idx.msk vm0, v12  }
0x6f: {  	s26 =	sadd.s32 $0x10, s24;
	v13 =	vld [tilespmem:s25+$0xFFFFFFF0]  }
0x70: {  	v14 =	vmov s26  }
0x71: {  	v15 =	vor.u32 s26, v11;
	v14 =	vshll.u32 v14, $0x3  }
0x72: {  	v15 =	vand.u32 $0x5F, v15;
	v14 =	vand.u32 $0x1C00, v14  }
0x73: {  	v14 =	vor.u32 v14, v15  }
0x74: {  	vm10 =	vge.s32 v13, v0;
	v61 =	vsub.s32 v13, v0;
	v15 =	vshll.u32 v13, $0x7  }
0x75: {  	vm11 =	vlt.s32 v13, v1;
	v13 =	vshll.u32 v61, $0xA;
	v15 =	vand.u32 $0x380, v15  }
0x76: {  	vm0 =	vmand vm10, vm11;
	v13 =	vand.u32 $0xFFFFE000, v13;
	v14 =	vor.u32 v15, v14  }
0x77: {  	v13 =	vor.u32 v13, v14;
	_ =	sdelay $0x4  }
0x78: {  	[tilespmem:v13+s16+$0x0] =	vst.idx.msk vm0, v12  }
0x79: {  	s30 =	sadd.s32 $0x20, s24;
	v13 =	vld [tilespmem:s25+$0x0]  }
0x7a: {  	v14 =	vmov s30  }
0x7b: {  	v15 =	vor.u32 s30, v11;
	v14 =	vshll.u32 v14, $0x3  }
0x7c: {  	v15 =	vand.u32 $0x6F, v15;
	v14 =	vand.u32 $0x1C00, v14  }
0x7d: {  	v14 =	vor.u32 v14, v15  }
0x7e: {  	vm12 =	vge.s32 v13, v0;
	v62 =	vsub.s32 v13, v0;
	v15 =	vshll.u32 v13, $0x7  }
0x7f: {  	vm13 =	vlt.s32 v13, v1;
	v13 =	vshll.u32 v62, $0xA;
	v15 =	vand.u32 $0x380, v15  }
0x80: {  	vm0 =	vmand vm12, vm13;
	v13 =	vand.u32 $0xFFFFE000, v13;
	v14 =	vor.u32 v15, v14  }
0x81: {  	v13 =	vor.u32 v13, v14;
	_ =	sdelay $0x4  }
0x82: {  	[tilespmem:v13+s16+$0x0] =	vst.idx.msk vm0, v12  }
0x83: {  	s31 =	sadd.s32 $0x30, s24;
	v13 =	vld [tilespmem:s25+$0x10]  }
0x84: {  	v14 =	vmov s31  }
0x85: {  	v15 =	vor.u32 s31, v11;
	v14 =	vshll.u32 v14, $0x3  }
0x86: {  	v15 =	vand.u32 $0x7F, v15;
	v14 =	vand.u32 $0x1C00, v14  }
0x87: {  	v14 =	vor.u32 v14, v15  }
0x88: {  	vm14 =	vge.s32 v13, v0;
	v63 =	vsub.s32 v13, v0;
	v15 =	vshll.u32 v13, $0x7  }
0x89: {  	vm15 =	vlt.s32 v13, v1;
	v13 =	vshll.u32 v63, $0xA;
	v15 =	vand.u32 $0x380, v15  }
0x8a: {  	s23 =	sadd.s32 $0x4, s23;
	vm0 =	vmand vm14, vm15;
	v13 =	vand.u32 $0xFFFFE000, v13;
	v14 =	vor.u32 v15, v14  }
0x8b: {  	p1 =	slt.u32 s23, $0x3C;
	v13 =	vor.u32 v13, v14  }
.Ltmp1:
0x8c: {  	_ = 	snop;
	(pc) =	sbr.rel @p1 .LBB2_4-.Ltmp1, $2  }
0x8d: {  	_ =	sdelay $0x2  }
0x8e: {  	s24 =	sadd.s32 $0x40, s24;
	s25 =	sadd.s32 $0x40, s25;
	[tilespmem:v13+s16+$0x0] =	vst.idx.msk vm0, v12  }
0x8f: {  	[hbm4b:s4+s17] =	stream.strided.scatter [tilespmem:s16], [sflag:$0x1], $0xE000, s18, s17, $0x38;
	[tilespmem:$0x1C400] =	vst v63  }
0x90: {  	s23 =	simm.s32 $0x0;
	s24 =	simm.s32 $0xFFFF2000  }
0x91: {  	s25 =	simm.s32 $0x0;
	s26 =	simm.s32 $0x0;
	s28 =	simm.s32 $0x0  }
.LBB2_6:
0x92: {  	s29 =	sadd.s32 $0xE000, s24  }
0x93: {  	s30 =	sand.u32 $0x380, s28;
	s29 =	sand.u32 $0xE000, s29  }
0x94: {  	s29 =	sor.u32 s30, s29  }
0x95: {  	[tilespmem:s29+$0xE400] =	vst v10  }
0x96: {  	[tilespmem:s29+$0xE410] =	vst v10  }
0x97: {  	[tilespmem:s29+$0xE420] =	vst v10  }
0x98: {  	[tilespmem:s29+$0xE430] =	vst v10  }
0x99: {  	[tilespmem:s29+$0xE440] =	vst v10  }
0x9a: {  	[tilespmem:s29+$0xE450] =	vst v10  }
0x9b: {  	[tilespmem:s29+$0xE460] =	vst v10  }
0x9c: {  	[tilespmem:s29+$0xE470] =	vst v10  }
0x9d: {  	[tilespmem:s29+$0xE800] =	vst v10  }
0x9e: {  	[tilespmem:s29+$0xE810] =	vst v10  }
0x9f: {  	[tilespmem:s29+$0xE820] =	vst v10  }
0xa0: {  	[tilespmem:s29+$0xE830] =	vst v10  }
0xa1: {  	[tilespmem:s29+$0xE840] =	vst v10  }
0xa2: {  	[tilespmem:s29+$0xE850] =	vst v10  }
0xa3: {  	[tilespmem:s29+$0xE860] =	vst v10  }
0xa4: {  	[tilespmem:s29+$0xE870] =	vst v10  }
0xa5: {  	[tilespmem:s29+$0xEC00] =	vst v10  }
0xa6: {  	[tilespmem:s29+$0xEC10] =	vst v10  }
0xa7: {  	[tilespmem:s29+$0xEC20] =	vst v10  }
0xa8: {  	[tilespmem:s29+$0xEC30] =	vst v10  }
0xa9: {  	[tilespmem:s29+$0xEC40] =	vst v10  }
0xaa: {  	[tilespmem:s29+$0xEC50] =	vst v10  }
0xab: {  	[tilespmem:s29+$0xEC60] =	vst v10  }
0xac: {  	[tilespmem:s29+$0xEC70] =	vst v10  }
0xad: {  	[tilespmem:s29+$0xF000] =	vst v10  }
0xae: {  	[tilespmem:s29+$0xF010] =	vst v10  }
0xaf: {  	[tilespmem:s29+$0xF020] =	vst v10  }
0xb0: {  	[tilespmem:s29+$0xF030] =	vst v10  }
0xb1: {  	[tilespmem:s29+$0xF040] =	vst v10  }
0xb2: {  	[tilespmem:s29+$0xF050] =	vst v10  }
0xb3: {  	[tilespmem:s29+$0xF060] =	vst v10  }
0xb4: {  	[tilespmem:s29+$0xF070] =	vst v10  }
0xb5: {  	[tilespmem:s29+$0xF400] =	vst v10  }
0xb6: {  	[tilespmem:s29+$0xF410] =	vst v10  }
0xb7: {  	[tilespmem:s29+$0xF420] =	vst v10  }
0xb8: {  	[tilespmem:s29+$0xF430] =	vst v10  }
0xb9: {  	[tilespmem:s29+$0xF440] =	vst v10  }
0xba: {  	[tilespmem:s29+$0xF450] =	vst v10  }
0xbb: {  	[tilespmem:s29+$0xF460] =	vst v10  }
0xbc: {  	[tilespmem:s29+$0xF470] =	vst v10  }
0xbd: {  	[tilespmem:s29+$0xF800] =	vst v10  }
0xbe: {  	[tilespmem:s29+$0xF810] =	vst v10  }
0xbf: {  	[tilespmem:s29+$0xF820] =	vst v10  }
0xc0: {  	[tilespmem:s29+$0xF830] =	vst v10  }
0xc1: {  	[tilespmem:s29+$0xF840] =	vst v10  }
0xc2: {  	[tilespmem:s29+$0xF850] =	vst v10  }
0xc3: {  	[tilespmem:s29+$0xF860] =	vst v10  }
0xc4: {  	[tilespmem:s29+$0xF870] =	vst v10  }
0xc5: {  	[tilespmem:s29+$0xFC00] =	vst v10  }
0xc6: {  	[tilespmem:s29+$0xFC10] =	vst v10  }
0xc7: {  	[tilespmem:s29+$0xFC20] =	vst v10  }
0xc8: {  	[tilespmem:s29+$0xFC30] =	vst v10  }
0xc9: {  	s31 =	sand.u32 $0x7, s25;
	[tilespmem:s29+$0xFC40] =	vst v10  }
0xca: {  	s30 =	sshll.u32 s31, $0x7;
	[tilespmem:s29+$0xFC50] =	vst v10  }
0xcb: {  	s30 =	sadd.s32 s30, s26;
	[tilespmem:s29+$0xFC60] =	vst v10  }
0xcc: {  	[tilespmem:s29+$0xFC70] =	vst v10;
	s31 =	sor.u32 $0x1C00, s30  }
0xcd: {  	[tilespmem:s31+$0xE400] =	vst v10;
	s31 =	sor.u32 $0x1C10, s30  }
0xce: {  	[tilespmem:s31+$0xE400] =	vst v10;
	s31 =	sor.u32 $0x1C20, s30  }
0xcf: {  	p1 =	sne.s32 s28, $0x1B80;
	[tilespmem:s31+$0xE400] =	vst v10;
	s31 =	sor.u32 $0x1C30, s30  }
.Ltmp2:
0xd0: {  	[tilespmem:s31+$0xE400] =	vst v10;
	s31 =	sor.u32 $0x1C40, s30;
	(pc) =	sbr.rel @p1 .LBB2_6-.Ltmp2, $4  }
0xd1: {  	[tilespmem:s31+$0xE400] =	vst v10;
	s31 =	sor.u32 $0x1C50, s30  }
0xd2: {  	[tilespmem:s31+$0xE400] =	vst v10;
	s31 =	sor.u32 $0x1C60, s30  }
0xd3: {  	s25 =	sadd.s32 $0x1, s25;
	[tilespmem:s31+$0xE400] =	vst v10;
	s31 =	sor.u32 $0x1C70, s30  }
0xd4: {  	s24 =	sadd.s32 $0x400, s24;
	s28 =	sadd.s32 $0x80, s28;
	s26 =	sadd.s32 $0x400, s26;
	[tilespmem:s31+$0xE400] =	vst v10  }
0xd5: {  	s24 =	simm.s32 $0xFFFFFFFC;
	s25 =	simm.s32 $0x20  }
.LBB2_8:
0xd6: {  	v13 =	vld [tilespmem:s25+$0xFFFFFFE0]  }
0xd7: {  	v14 =	vmov s23  }
0xd8: {  	v15 =	vor.u32 s23, v11;
	v14 =	vshll.u32 v14, $0x3  }
0xd9: {  	v15 =	vand.u32 $0x4F, v15;
	v14 =	vand.u32 $0x1C00, v14  }
0xda: {  	v14 =	vor.u32 v14, v15  }
0xdb: {  	vm0 =	vge.s32 v13, v1;
	v16 =	vsub.s32 v13, v1;
	v15 =	vshll.u32 v13, $0x7  }
0xdc: {  	vm1 =	vlt.s32 v13, v2;
	v13 =	vshll.u32 v16, $0xA;
	v15 =	vand.u32 $0x380, v15  }
0xdd: {  	vm0 =	vmand vm0, vm1;
	v13 =	vand.u32 $0xFFFFE000, v13;
	v14 =	vor.u32 v15, v14  }
0xde: {  	v13 =	vor.u32 v13, v14;
	_ =	sdelay $0x4  }
0xdf: {  	[tilespmem:v13+s19+$0x0] =	vst.idx.msk vm0, v12  }
0xe0: {  	s26 =	sadd.s32 $0x10, s23;
	v13 =	vld [tilespmem:s25+$0xFFFFFFF0]  }
0xe1: {  	v14 =	vmov s26  }
0xe2: {  	v15 =	vor.u32 s26, v11;
	v14 =	vshll.u32 v14, $0x3  }
0xe3: {  	v15 =	vand.u32 $0x5F, v15;
	v14 =	vand.u32 $0x1C00, v14  }
0xe4: {  	v14 =	vor.u32 v14, v15  }
0xe5: {  	vm10 =	vge.s32 v13, v1;
	v61 =	vsub.s32 v13, v1;
	v15 =	vshll.u32 v13, $0x7  }
0xe6: {  	vm11 =	vlt.s32 v13, v2;
	v13 =	vshll.u32 v61, $0xA;
	v15 =	vand.u32 $0x380, v15  }
0xe7: {  	vm0 =	vmand vm10, vm11;
	v13 =	vand.u32 $0xFFFFE000, v13;
	v14 =	vor.u32 v15, v14  }
0xe8: {  	v13 =	vor.u32 v13, v14;
	_ =	sdelay $0x4  }
0xe9: {  	[tilespmem:v13+s19+$0x0] =	vst.idx.msk vm0, v12  }
0xea: {  	s30 =	sadd.s32 $0x20, s23;
	v13 =	vld [tilespmem:s25+$0x0]  }
0xeb: {  	v14 =	vmov s30  }
0xec: {  	v15 =	vor.u32 s30, v11;
	v14 =	vshll.u32 v14, $0x3  }
0xed: {  	v15 =	vand.u32 $0x6F, v15;
	v14 =	vand.u32 $0x1C00, v14  }
0xee: {  	v14 =	vor.u32 v14, v15  }
0xef: {  	vm12 =	vge.s32 v13, v1;
	v62 =	vsub.s32 v13, v1;
	v15 =	vshll.u32 v13, $0x7  }
0xf0: {  	vm13 =	vlt.s32 v13, v2;
	v13 =	vshll.u32 v62, $0xA;
	v15 =	vand.u32 $0x380, v15  }
0xf1: {  	vm0 =	vmand vm12, vm13;
	v13 =	vand.u32 $0xFFFFE000, v13;
	v14 =	vor.u32 v15, v14  }
0xf2: {  	v13 =	vor.u32 v13, v14;
	_ =	sdelay $0x4  }
0xf3: {  	[tilespmem:v13+s19+$0x0] =	vst.idx.msk vm0, v12  }
0xf4: {  	s31 =	sadd.s32 $0x30, s23;
	v13 =	vld [tilespmem:s25+$0x10]  }
0xf5: {  	v14 =	vmov s31  }
0xf6: {  	v15 =	vor.u32 s31, v11;
	v14 =	vshll.u32 v14, $0x3  }
0xf7: {  	v15 =	vand.u32 $0x7F, v15;
	v14 =	vand.u32 $0x1C00, v14  }
0xf8: {  	v14 =	vor.u32 v14, v15  }
0xf9: {  	vm14 =	vge.s32 v13, v1;
	v63 =	vsub.s32 v13, v1;
	v15 =	vshll.u32 v13, $0x7  }
0xfa: {  	vm15 =	vlt.s32 v13, v2;
	v13 =	vshll.u32 v63, $0xA;
	v15 =	vand.u32 $0x380, v15  }
0xfb: {  	s24 =	sadd.s32 $0x4, s24;
	vm0 =	vmand vm14, vm15;
	v13 =	vand.u32 $0xFFFFE000, v13;
	v14 =	vor.u32 v15, v14  }
0xfc: {  	p1 =	slt.u32 s24, $0x3C;
	v13 =	vor.u32 v13, v14  }
.Ltmp3:
0xfd: {  	_ = 	snop;
	(pc) =	sbr.rel @p1 .LBB2_8-.Ltmp3, $2  }
0xfe: {  	_ =	sdelay $0x2  }
0xff: {  	s23 =	sadd.s32 $0x40, s23;
	s25 =	sadd.s32 $0x40, s25;
	[tilespmem:v13+s19+$0x0] =	vst.idx.msk vm0, v12  }
0x100: {  	[hbm4b:s5+s17] =	stream.strided.scatter [tilespmem:s19], [sflag:$0x2], $0xE000, s18, s17, $0x38;
	[tilespmem:$0x1C400] =	vst v63  }
0x101: {  	_ =	swait.ge [sflag:s20], $0xE000  }
0x102: {  	s23 =	simm.s32 $0xFFFFFFFC;
	[sflag:s20] =	ssyncset.done $0x0  }
0x103: {  	s24 =	simm.s32 $0x0;
	s25 =	simm.s32 $0x20;
	[sflag:s20] =	ssyncadd.s32 $0xFFFF2000  }
.LBB2_10:
0x104: {  	v13 =	vld [tilespmem:s25+$0xFFFFFFE0];
	_ =	sdelay $0x2  }
0x105: {  	v14 =	vmov s24  }
0x106: {  	v15 =	vor.u32 s24, v11;
	v14 =	vshll.u32 v14, $0x3  }
0x107: {  	v15 =	vand.u32 $0x4F, v15;
	v14 =	vand.u32 $0x1C00, v14;
	vm0 =	vge.s32 v13, v0  }
0x108: {  	vm1 =	vlt.s32 v13, v1;
	v16 =	vsub.s32 v13, v0;
	v17 =	vsub.s32 v13, v2  }
0x109: {  	v54 =	vshll.u32 v13, $0x7;
	vm15 =	vge.s32 v13, v2;
	v16 =	vshll.u32 v16, $0xA  }
0x10a: {  	vm2 =	vlt.s32 v13, v3;
	v17 =	vshll.u32 v17, $0xA;
	v16 =	vand.u32 $0xFFFFE000, v16  }
0x10b: {  	vm0 =	vmand vm0, vm1;
	v17 =	vand.u32 $0xFFFFE000, v17;
	v16 =	vor.u32 v16, v14  }
0x10c: {  	v14 =	vor.u32 v17, v14;
	v17 =	vand.u32 $0x380, v54;
	v16 =	vor.u32 v15, v16  }
0x10d: {  	vm1 =	vmand vm15, vm2;
	v14 =	vor.u32 v15, v14;
	v13 =	vor.u32 v17, v16  }
0x10e: {  	v14 =	vor.u32 v17, v14;
	_ =	sdelay $0x3  }
0x10f: {  	[tilespmem:v13+s16+$0x0] =	vst.idx.msk vm0, v10  }
0x110: {  	[tilespmem:v14+s16+$0x0] =	vst.idx.msk vm1, v12  }
0x111: {  	v13 =	vld [tilespmem:s25+$0xFFFFFFF0];
	_ =	sdelay $0x1  }
0x112: {  	s26 =	sadd.s32 $0x10, s24  }
0x113: {  	v14 =	vmov s26  }
0x114: {  	v15 =	vor.u32 s26, v11;
	v14 =	vshll.u32 v14, $0x3  }
0x115: {  	v15 =	vand.u32 $0x5F, v15;
	v14 =	vand.u32 $0x1C00, v14;
	vm4 =	vge.s32 v13, v0  }
0x116: {  	vm5 =	vlt.s32 v13, v1;
	v55 =	vsub.s32 v13, v0;
	v56 =	vsub.s32 v13, v2  }
0x117: {  	v57 =	vshll.u32 v13, $0x7;
	vm6 =	vge.s32 v13, v2;
	v16 =	vshll.u32 v55, $0xA  }
0x118: {  	vm7 =	vlt.s32 v13, v3;
	v17 =	vshll.u32 v56, $0xA;
	v16 =	vand.u32 $0xFFFFE000, v16  }
0x119: {  	vm0 =	vmand vm4, vm5;
	v17 =	vand.u32 $0xFFFFE000, v17;
	v16 =	vor.u32 v16, v14  }
0x11a: {  	v14 =	vor.u32 v17, v14;
	v17 =	vand.u32 $0x380, v57;
	v16 =	vor.u32 v15, v16  }
0x11b: {  	vm1 =	vmand vm6, vm7;
	v14 =	vor.u32 v15, v14;
	v13 =	vor.u32 v17, v16  }
0x11c: {  	v14 =	vor.u32 v17, v14;
	_ =	sdelay $0x3  }
0x11d: {  	[tilespmem:v13+s16+$0x0] =	vst.idx.msk vm0, v10  }
0x11e: {  	[tilespmem:v14+s16+$0x0] =	vst.idx.msk vm1, v12  }
0x11f: {  	v13 =	vld [tilespmem:s25+$0x0];
	_ =	sdelay $0x1  }
0x120: {  	s30 =	sadd.s32 $0x20, s24  }
0x121: {  	v14 =	vmov s30  }
0x122: {  	v15 =	vor.u32 s30, v11;
	v14 =	vshll.u32 v14, $0x3  }
0x123: {  	v15 =	vand.u32 $0x6F, v15;
	v14 =	vand.u32 $0x1C00, v14;
	vm8 =	vge.s32 v13, v0  }
0x124: {  	vm9 =	vlt.s32 v13, v1;
	v58 =	vsub.s32 v13, v0;
	v59 =	vsub.s32 v13, v2  }
0x125: {  	v60 =	vshll.u32 v13, $0x7;
	vm10 =	vge.s32 v13, v2;
	v16 =	vshll.u32 v58, $0xA  }
0x126: {  	vm11 =	vlt.s32 v13, v3;
	v17 =	vshll.u32 v59, $0xA;
	v16 =	vand.u32 $0xFFFFE000, v16  }
0x127: {  	vm0 =	vmand vm8, vm9;
	v17 =	vand.u32 $0xFFFFE000, v17;
	v16 =	vor.u32 v16, v14  }
0x128: {  	v14 =	vor.u32 v17, v14;
	v17 =	vand.u32 $0x380, v60;
	v16 =	vor.u32 v15, v16  }
0x129: {  	vm1 =	vmand vm10, vm11;
	v14 =	vor.u32 v15, v14;
	v13 =	vor.u32 v17, v16  }
0x12a: {  	v14 =	vor.u32 v17, v14;
	_ =	sdelay $0x3  }
0x12b: {  	[tilespmem:v13+s16+$0x0] =	vst.idx.msk vm0, v10  }
0x12c: {  	[tilespmem:v14+s16+$0x0] =	vst.idx.msk vm1, v12  }
0x12d: {  	v13 =	vld [tilespmem:s25+$0x10];
	_ =	sdelay $0x1  }
0x12e: {  	s31 =	sadd.s32 $0x30, s24  }
0x12f: {  	v14 =	vmov s31  }
0x130: {  	v15 =	vor.u32 s31, v11;
	v14 =	vshll.u32 v14, $0x3  }
0x131: {  	v15 =	vand.u32 $0x7F, v15;
	v14 =	vand.u32 $0x1C00, v14;
	vm12 =	vge.s32 v13, v0  }
0x132: {  	vm13 =	vlt.s32 v13, v1;
	v61 =	vsub.s32 v13, v0;
	v62 =	vsub.s32 v13, v2  }
0x133: {  	v63 =	vshll.u32 v13, $0x7;
	vm14 =	vge.s32 v13, v2;
	v16 =	vshll.u32 v61, $0xA  }
0x134: {  	vm15 =	vlt.s32 v13, v3;
	v17 =	vshll.u32 v62, $0xA;
	v16 =	vand.u32 $0xFFFFE000, v16  }
0x135: {  	vm0 =	vmand vm12, vm13;
	v17 =	vand.u32 $0xFFFFE000, v17;
	v16 =	vor.u32 v16, v14  }
0x136: {  	v14 =	vor.u32 v17, v14;
	v17 =	vand.u32 $0x380, v63;
	v16 =	vor.u32 v15, v16  }
0x137: {  	s23 =	sadd.s32 $0x4, s23;
	vm1 =	vmand vm14, vm15;
	v14 =	vor.u32 v15, v14;
	v13 =	vor.u32 v17, v16  }
0x138: {  	p1 =	slt.u32 s23, $0x3C;
	v14 =	vor.u32 v17, v14  }
.Ltmp4:
0x139: {  	_ = 	snop;
	(pc) =	sbr.rel @p1 .LBB2_10-.Ltmp4, $3  }
0x13a: {  	_ =	sdelay $0x1  }
0x13b: {  	[tilespmem:v13+s16+$0x0] =	vst.idx.msk vm0, v10  }
0x13c: {  	s24 =	sadd.s32 $0x40, s24;
	s25 =	sadd.s32 $0x40, s25;
	[tilespmem:v14+s16+$0x0] =	vst.idx.msk vm1, v12  }
0x13d: {  	[hbm4b:s6+s17] =	stream.strided.scatter [tilespmem:s16], [sflag:$0x1], $0xE000, s18, s17, $0x38;
	[tilespmem:$0x1C400] =	vst v63  }
0x13e: {  	_ =	swait.ge [sflag:s21], $0xE000  }
0x13f: {  	s23 =	simm.s32 $0xFFFFFFFC;
	[sflag:s21] =	ssyncset.done $0x0  }
0x140: {  	s24 =	simm.s32 $0x0;
	s25 =	simm.s32 $0x20;
	[sflag:s21] =	ssyncadd.s32 $0xFFFF2000  }
.LBB2_12:
0x141: {  	v13 =	vld [tilespmem:s25+$0xFFFFFFE0];
	_ =	sdelay $0x2  }
0x142: {  	v14 =	vmov s24  }
0x143: {  	v15 =	vor.u32 s24, v11;
	v14 =	vshll.u32 v14, $0x3  }
0x144: {  	v15 =	vand.u32 $0x4F, v15;
	v14 =	vand.u32 $0x1C00, v14;
	vm0 =	vge.s32 v13, v1  }
0x145: {  	vm1 =	vlt.s32 v13, v2;
	v16 =	vsub.s32 v13, v1;
	v17 =	vsub.s32 v13, v3  }
0x146: {  	v54 =	vshll.u32 v13, $0x7;
	vm15 =	vge.s32 v13, v3;
	v16 =	vshll.u32 v16, $0xA  }
0x147: {  	vm2 =	vlt.s32 v13, v4;
	v17 =	vshll.u32 v17, $0xA;
	v16 =	vand.u32 $0xFFFFE000, v16  }
0x148: {  	vm0 =	vmand vm0, vm1;
	v17 =	vand.u32 $0xFFFFE000, v17;
	v16 =	vor.u32 v16, v14  }
0x149: {  	v14 =	vor.u32 v17, v14;
	v17 =	vand.u32 $0x380, v54;
	v16 =	vor.u32 v15, v16  }
0x14a: {  	vm1 =	vmand vm15, vm2;
	v14 =	vor.u32 v15, v14;
	v13 =	vor.u32 v17, v16  }
0x14b: {  	v14 =	vor.u32 v17, v14;
	_ =	sdelay $0x3  }
0x14c: {  	[tilespmem:v13+s19+$0x0] =	vst.idx.msk vm0, v10  }
0x14d: {  	[tilespmem:v14+s19+$0x0] =	vst.idx.msk vm1, v12  }
0x14e: {  	v13 =	vld [tilespmem:s25+$0xFFFFFFF0];
	_ =	sdelay $0x1  }
0x14f: {  	s26 =	sadd.s32 $0x10, s24  }
0x150: {  	v14 =	vmov s26  }
0x151: {  	v15 =	vor.u32 s26, v11;
	v14 =	vshll.u32 v14, $0x3  }
0x152: {  	v15 =	vand.u32 $0x5F, v15;
	v14 =	vand.u32 $0x1C00, v14;
	vm4 =	vge.s32 v13, v1  }
0x153: {  	vm5 =	vlt.s32 v13, v2;
	v55 =	vsub.s32 v13, v1;
	v56 =	vsub.s32 v13, v3  }
0x154: {  	v57 =	vshll.u32 v13, $0x7;
	vm6 =	vge.s32 v13, v3;
	v16 =	vshll.u32 v55, $0xA  }
0x155: {  	vm7 =	vlt.s32 v13, v4;
	v17 =	vshll.u32 v56, $0xA;
	v16 =	vand.u32 $0xFFFFE000, v16  }
0x156: {  	vm0 =	vmand vm4, vm5;
	v17 =	vand.u32 $0xFFFFE000, v17;
	v16 =	vor.u32 v16, v14  }
0x157: {  	v14 =	vor.u32 v17, v14;
	v17 =	vand.u32 $0x380, v57;
	v16 =	vor.u32 v15, v16  }
0x158: {  	vm1 =	vmand vm6, vm7;
	v14 =	vor.u32 v15, v14;
	v13 =	vor.u32 v17, v16  }
0x159: {  	v14 =	vor.u32 v17, v14;
	_ =	sdelay $0x3  }
0x15a: {  	[tilespmem:v13+s19+$0x0] =	vst.idx.msk vm0, v10  }
0x15b: {  	[tilespmem:v14+s19+$0x0] =	vst.idx.msk vm1, v12  }
0x15c: {  	v13 =	vld [tilespmem:s25+$0x0];
	_ =	sdelay $0x1  }
0x15d: {  	s30 =	sadd.s32 $0x20, s24  }
0x15e: {  	v14 =	vmov s30  }
0x15f: {  	v15 =	vor.u32 s30, v11;
	v14 =	vshll.u32 v14, $0x3  }
0x160: {  	v15 =	vand.u32 $0x6F, v15;
	v14 =	vand.u32 $0x1C00, v14;
	vm8 =	vge.s32 v13, v1  }
0x161: {  	vm9 =	vlt.s32 v13, v2;
	v58 =	vsub.s32 v13, v1;
	v59 =	vsub.s32 v13, v3  }
0x162: {  	v60 =	vshll.u32 v13, $0x7;
	vm10 =	vge.s32 v13, v3;
	v16 =	vshll.u32 v58, $0xA  }
0x163: {  	vm11 =	vlt.s32 v13, v4;
	v17 =	vshll.u32 v59, $0xA;
	v16 =	vand.u32 $0xFFFFE000, v16  }
0x164: {  	vm0 =	vmand vm8, vm9;
	v17 =	vand.u32 $0xFFFFE000, v17;
	v16 =	vor.u32 v16, v14  }
0x165: {  	v14 =	vor.u32 v17, v14;
	v17 =	vand.u32 $0x380, v60;
	v16 =	vor.u32 v15, v16  }
0x166: {  	vm1 =	vmand vm10, vm11;
	v14 =	vor.u32 v15, v14;
	v13 =	vor.u32 v17, v16  }
0x167: {  	v14 =	vor.u32 v17, v14;
	_ =	sdelay $0x3  }
0x168: {  	[tilespmem:v13+s19+$0x0] =	vst.idx.msk vm0, v10  }
0x169: {  	[tilespmem:v14+s19+$0x0] =	vst.idx.msk vm1, v12  }
0x16a: {  	v13 =	vld [tilespmem:s25+$0x10];
	_ =	sdelay $0x1  }
0x16b: {  	s31 =	sadd.s32 $0x30, s24  }
0x16c: {  	v14 =	vmov s31  }
0x16d: {  	v15 =	vor.u32 s31, v11;
	v14 =	vshll.u32 v14, $0x3  }
0x16e: {  	v15 =	vand.u32 $0x7F, v15;
	v14 =	vand.u32 $0x1C00, v14;
	vm12 =	vge.s32 v13, v1  }
0x16f: {  	vm13 =	vlt.s32 v13, v2;
	v61 =	vsub.s32 v13, v1;
	v62 =	vsub.s32 v13, v3  }
0x170: {  	v63 =	vshll.u32 v13, $0x7;
	vm14 =	vge.s32 v13, v3;
	v16 =	vshll.u32 v61, $0xA  }
0x171: {  	vm15 =	vlt.s32 v13, v4;
	v17 =	vshll.u32 v62, $0xA;
	v16 =	vand.u32 $0xFFFFE000, v16  }
0x172: {  	vm0 =	vmand vm12, vm13;
	v17 =	vand.u32 $0xFFFFE000, v17;
	v16 =	vor.u32 v16, v14  }
0x173: {  	v14 =	vor.u32 v17, v14;
	v17 =	vand.u32 $0x380, v63;
	v16 =	vor.u32 v15, v16  }
0x174: {  	s23 =	sadd.s32 $0x4, s23;
	vm1 =	vmand vm14, vm15;
	v14 =	vor.u32 v15, v14;
	v13 =	vor.u32 v17, v16  }
0x175: {  	p1 =	slt.u32 s23, $0x3C;
	v14 =	vor.u32 v17, v14  }
.Ltmp5:
0x176: {  	_ = 	snop;
	(pc) =	sbr.rel @p1 .LBB2_12-.Ltmp5, $3  }
0x177: {  	_ =	sdelay $0x1  }
0x178: {  	[tilespmem:v13+s19+$0x0] =	vst.idx.msk vm0, v10  }
0x179: {  	s24 =	sadd.s32 $0x40, s24;
	s25 =	sadd.s32 $0x40, s25;
	[tilespmem:v14+s19+$0x0] =	vst.idx.msk vm1, v12  }
0x17a: {  	[hbm4b:s7+s17] =	stream.strided.scatter [tilespmem:s19], [sflag:$0x2], $0xE000, s18, s17, $0x38;
	[tilespmem:$0x1C400] =	vst v63  }
0x17b: {  	_ =	swait.ge [sflag:s20], $0xE000  }
0x17c: {  	s23 =	simm.s32 $0xFFFFFFFC;
	[sflag:s20] =	ssyncset.done $0x0  }
0x17d: {  	s24 =	simm.s32 $0x0;
	s25 =	simm.s32 $0x20;
	[sflag:s20] =	ssyncadd.s32 $0xFFFF2000  }
.LBB2_14:
0x17e: {  	v13 =	vld [tilespmem:s25+$0xFFFFFFE0];
	_ =	sdelay $0x2  }
0x17f: {  	v14 =	vmov s24  }
0x180: {  	v15 =	vor.u32 s24, v11;
	v14 =	vshll.u32 v14, $0x3  }
0x181: {  	v15 =	vand.u32 $0x4F, v15;
	v14 =	vand.u32 $0x1C00, v14;
	vm0 =	vge.s32 v13, v2  }
0x182: {  	vm1 =	vlt.s32 v13, v3;
	v16 =	vsub.s32 v13, v2;
	v17 =	vsub.s32 v13, v4  }
0x183: {  	v54 =	vshll.u32 v13, $0x7;
	vm15 =	vge.s32 v13, v4;
	v16 =	vshll.u32 v16, $0xA  }
0x184: {  	vm2 =	vlt.s32 v13, v5;
	v17 =	vshll.u32 v17, $0xA;
	v16 =	vand.u32 $0xFFFFE000, v16  }
0x185: {  	vm0 =	vmand vm0, vm1;
	v17 =	vand.u32 $0xFFFFE000, v17;
	v16 =	vor.u32 v16, v14  }
0x186: {  	v14 =	vor.u32 v17, v14;
	v17 =	vand.u32 $0x380, v54;
	v16 =	vor.u32 v15, v16  }
0x187: {  	vm1 =	vmand vm15, vm2;
	v14 =	vor.u32 v15, v14;
	v13 =	vor.u32 v17, v16  }
0x188: {  	v14 =	vor.u32 v17, v14;
	_ =	sdelay $0x3  }
0x189: {  	[tilespmem:v13+s16+$0x0] =	vst.idx.msk vm0, v10  }
0x18a: {  	[tilespmem:v14+s16+$0x0] =	vst.idx.msk vm1, v12  }
0x18b: {  	v13 =	vld [tilespmem:s25+$0xFFFFFFF0];
	_ =	sdelay $0x1  }
0x18c: {  	s26 =	sadd.s32 $0x10, s24  }
0x18d: {  	v14 =	vmov s26  }
0x18e: {  	v15 =	vor.u32 s26, v11;
	v14 =	vshll.u32 v14, $0x3  }
0x18f: {  	v15 =	vand.u32 $0x5F, v15;
	v14 =	vand.u32 $0x1C00, v14;
	vm4 =	vge.s32 v13, v2  }
0x190: {  	vm5 =	vlt.s32 v13, v3;
	v55 =	vsub.s32 v13, v2;
	v56 =	vsub.s32 v13, v4  }
0x191: {  	v57 =	vshll.u32 v13, $0x7;
	vm6 =	vge.s32 v13, v4;
	v16 =	vshll.u32 v55, $0xA  }
0x192: {  	vm7 =	vlt.s32 v13, v5;
	v17 =	vshll.u32 v56, $0xA;
	v16 =	vand.u32 $0xFFFFE000, v16  }
0x193: {  	vm0 =	vmand vm4, vm5;
	v17 =	vand.u32 $0xFFFFE000, v17;
	v16 =	vor.u32 v16, v14  }
0x194: {  	v14 =	vor.u32 v17, v14;
	v17 =	vand.u32 $0x380, v57;
	v16 =	vor.u32 v15, v16  }
0x195: {  	vm1 =	vmand vm6, vm7;
	v14 =	vor.u32 v15, v14;
	v13 =	vor.u32 v17, v16  }
0x196: {  	v14 =	vor.u32 v17, v14;
	_ =	sdelay $0x3  }
0x197: {  	[tilespmem:v13+s16+$0x0] =	vst.idx.msk vm0, v10  }
0x198: {  	[tilespmem:v14+s16+$0x0] =	vst.idx.msk vm1, v12  }
0x199: {  	v13 =	vld [tilespmem:s25+$0x0];
	_ =	sdelay $0x1  }
0x19a: {  	s30 =	sadd.s32 $0x20, s24  }
0x19b: {  	v14 =	vmov s30  }
0x19c: {  	v15 =	vor.u32 s30, v11;
	v14 =	vshll.u32 v14, $0x3  }
0x19d: {  	v15 =	vand.u32 $0x6F, v15;
	v14 =	vand.u32 $0x1C00, v14;
	vm8 =	vge.s32 v13, v2  }
0x19e: {  	vm9 =	vlt.s32 v13, v3;
	v58 =	vsub.s32 v13, v2;
	v59 =	vsub.s32 v13, v4  }
0x19f: {  	v60 =	vshll.u32 v13, $0x7;
	vm10 =	vge.s32 v13, v4;
	v16 =	vshll.u32 v58, $0xA  }
0x1a0: {  	vm11 =	vlt.s32 v13, v5;
	v17 =	vshll.u32 v59, $0xA;
	v16 =	vand.u32 $0xFFFFE000, v16  }
0x1a1: {  	vm0 =	vmand vm8, vm9;
	v17 =	vand.u32 $0xFFFFE000, v17;
	v16 =	vor.u32 v16, v14  }
0x1a2: {  	v14 =	vor.u32 v17, v14;
	v17 =	vand.u32 $0x380, v60;
	v16 =	vor.u32 v15, v16  }
0x1a3: {  	vm1 =	vmand vm10, vm11;
	v14 =	vor.u32 v15, v14;
	v13 =	vor.u32 v17, v16  }
0x1a4: {  	v14 =	vor.u32 v17, v14;
	_ =	sdelay $0x3  }
0x1a5: {  	[tilespmem:v13+s16+$0x0] =	vst.idx.msk vm0, v10  }
0x1a6: {  	[tilespmem:v14+s16+$0x0] =	vst.idx.msk vm1, v12  }
0x1a7: {  	v13 =	vld [tilespmem:s25+$0x10];
	_ =	sdelay $0x1  }
0x1a8: {  	s31 =	sadd.s32 $0x30, s24  }
0x1a9: {  	v14 =	vmov s31  }
0x1aa: {  	v15 =	vor.u32 s31, v11;
	v14 =	vshll.u32 v14, $0x3  }
0x1ab: {  	v15 =	vand.u32 $0x7F, v15;
	v14 =	vand.u32 $0x1C00, v14;
	vm12 =	vge.s32 v13, v2  }
0x1ac: {  	vm13 =	vlt.s32 v13, v3;
	v61 =	vsub.s32 v13, v2;
	v62 =	vsub.s32 v13, v4  }
0x1ad: {  	v63 =	vshll.u32 v13, $0x7;
	vm14 =	vge.s32 v13, v4;
	v16 =	vshll.u32 v61, $0xA  }
0x1ae: {  	vm15 =	vlt.s32 v13, v5;
	v17 =	vshll.u32 v62, $0xA;
	v16 =	vand.u32 $0xFFFFE000, v16  }
0x1af: {  	vm0 =	vmand vm12, vm13;
	v17 =	vand.u32 $0xFFFFE000, v17;
	v16 =	vor.u32 v16, v14  }
0x1b0: {  	v14 =	vor.u32 v17, v14;
	v17 =	vand.u32 $0x380, v63;
	v16 =	vor.u32 v15, v16  }
0x1b1: {  	s23 =	sadd.s32 $0x4, s23;
	vm1 =	vmand vm14, vm15;
	v14 =	vor.u32 v15, v14;
	v13 =	vor.u32 v17, v16  }
0x1b2: {  	p1 =	slt.u32 s23, $0x3C;
	v14 =	vor.u32 v17, v14  }
.Ltmp6:
0x1b3: {  	_ = 	snop;
	(pc) =	sbr.rel @p1 .LBB2_14-.Ltmp6, $3  }
0x1b4: {  	_ =	sdelay $0x1  }
0x1b5: {  	[tilespmem:v13+s16+$0x0] =	vst.idx.msk vm0, v10  }
0x1b6: {  	s24 =	sadd.s32 $0x40, s24;
	s25 =	sadd.s32 $0x40, s25;
	[tilespmem:v14+s16+$0x0] =	vst.idx.msk vm1, v12  }
0x1b7: {  	[hbm4b:s8+s17] =	stream.strided.scatter [tilespmem:s16], [sflag:$0x1], $0xE000, s18, s17, $0x38;
	[tilespmem:$0x1C400] =	vst v63  }
0x1b8: {  	_ =	swait.ge [sflag:s21], $0xE000  }
0x1b9: {  	s23 =	simm.s32 $0xFFFFFFFC;
	[sflag:s21] =	ssyncset.done $0x0  }
0x1ba: {  	s24 =	simm.s32 $0x0;
	s25 =	simm.s32 $0x20;
	[sflag:s21] =	ssyncadd.s32 $0xFFFF2000  }
.LBB2_16:
0x1bb: {  	v13 =	vld [tilespmem:s25+$0xFFFFFFE0];
	_ =	sdelay $0x2  }
0x1bc: {  	v14 =	vmov s24  }
0x1bd: {  	v15 =	vor.u32 s24, v11;
	v14 =	vshll.u32 v14, $0x3  }
0x1be: {  	v15 =	vand.u32 $0x4F, v15;
	v14 =	vand.u32 $0x1C00, v14;
	vm0 =	vge.s32 v13, v3  }
0x1bf: {  	vm1 =	vlt.s32 v13, v4;
	v16 =	vsub.s32 v13, v3;
	v17 =	vsub.s32 v13, v5  }
0x1c0: {  	v54 =	vshll.u32 v13, $0x7;
	vm15 =	vge.s32 v13, v5;
	v16 =	vshll.u32 v16, $0xA  }
0x1c1: {  	vm2 =	vlt.s32 v13, v6;
	v17 =	vshll.u32 v17, $0xA;
	v16 =	vand.u32 $0xFFFFE000, v16  }
0x1c2: {  	vm0 =	vmand vm0, vm1;
	v17 =	vand.u32 $0xFFFFE000, v17;
	v16 =	vor.u32 v16, v14  }
0x1c3: {  	v14 =	vor.u32 v17, v14;
	v17 =	vand.u32 $0x380, v54;
	v16 =	vor.u32 v15, v16  }
0x1c4: {  	vm1 =	vmand vm15, vm2;
	v14 =	vor.u32 v15, v14;
	v13 =	vor.u32 v17, v16  }
0x1c5: {  	v14 =	vor.u32 v17, v14;
	_ =	sdelay $0x3  }
0x1c6: {  	[tilespmem:v13+s19+$0x0] =	vst.idx.msk vm0, v10  }
0x1c7: {  	[tilespmem:v14+s19+$0x0] =	vst.idx.msk vm1, v12  }
0x1c8: {  	v13 =	vld [tilespmem:s25+$0xFFFFFFF0];
	_ =	sdelay $0x1  }
0x1c9: {  	s26 =	sadd.s32 $0x10, s24  }
0x1ca: {  	v14 =	vmov s26  }
0x1cb: {  	v15 =	vor.u32 s26, v11;
	v14 =	vshll.u32 v14, $0x3  }
0x1cc: {  	v15 =	vand.u32 $0x5F, v15;
	v14 =	vand.u32 $0x1C00, v14;
	vm4 =	vge.s32 v13, v3  }
0x1cd: {  	vm5 =	vlt.s32 v13, v4;
	v55 =	vsub.s32 v13, v3;
	v56 =	vsub.s32 v13, v5  }
0x1ce: {  	v57 =	vshll.u32 v13, $0x7;
	vm6 =	vge.s32 v13, v5;
	v16 =	vshll.u32 v55, $0xA  }
0x1cf: {  	vm7 =	vlt.s32 v13, v6;
	v17 =	vshll.u32 v56, $0xA;
	v16 =	vand.u32 $0xFFFFE000, v16  }
0x1d0: {  	vm0 =	vmand vm4, vm5;
	v17 =	vand.u32 $0xFFFFE000, v17;
	v16 =	vor.u32 v16, v14  }
0x1d1: {  	v14 =	vor.u32 v17, v14;
	v17 =	vand.u32 $0x380, v57;
	v16 =	vor.u32 v15, v16  }
0x1d2: {  	vm1 =	vmand vm6, vm7;
	v14 =	vor.u32 v15, v14;
	v13 =	vor.u32 v17, v16  }
0x1d3: {  	v14 =	vor.u32 v17, v14;
	_ =	sdelay $0x3  }
0x1d4: {  	[tilespmem:v13+s19+$0x0] =	vst.idx.msk vm0, v10  }
0x1d5: {  	[tilespmem:v14+s19+$0x0] =	vst.idx.msk vm1, v12  }
0x1d6: {  	v13 =	vld [tilespmem:s25+$0x0];
	_ =	sdelay $0x1  }
0x1d7: {  	s30 =	sadd.s32 $0x20, s24  }
0x1d8: {  	v14 =	vmov s30  }
0x1d9: {  	v15 =	vor.u32 s30, v11;
	v14 =	vshll.u32 v14, $0x3  }
0x1da: {  	v15 =	vand.u32 $0x6F, v15;
	v14 =	vand.u32 $0x1C00, v14;
	vm8 =	vge.s32 v13, v3  }
0x1db: {  	vm9 =	vlt.s32 v13, v4;
	v58 =	vsub.s32 v13, v3;
	v59 =	vsub.s32 v13, v5  }
0x1dc: {  	v60 =	vshll.u32 v13, $0x7;
	vm10 =	vge.s32 v13, v5;
	v16 =	vshll.u32 v58, $0xA  }
0x1dd: {  	vm11 =	vlt.s32 v13, v6;
	v17 =	vshll.u32 v59, $0xA;
	v16 =	vand.u32 $0xFFFFE000, v16  }
0x1de: {  	vm0 =	vmand vm8, vm9;
	v17 =	vand.u32 $0xFFFFE000, v17;
	v16 =	vor.u32 v16, v14  }
0x1df: {  	v14 =	vor.u32 v17, v14;
	v17 =	vand.u32 $0x380, v60;
	v16 =	vor.u32 v15, v16  }
0x1e0: {  	vm1 =	vmand vm10, vm11;
	v14 =	vor.u32 v15, v14;
	v13 =	vor.u32 v17, v16  }
0x1e1: {  	v14 =	vor.u32 v17, v14;
	_ =	sdelay $0x3  }
0x1e2: {  	[tilespmem:v13+s19+$0x0] =	vst.idx.msk vm0, v10  }
0x1e3: {  	[tilespmem:v14+s19+$0x0] =	vst.idx.msk vm1, v12  }
0x1e4: {  	v13 =	vld [tilespmem:s25+$0x10];
	_ =	sdelay $0x1  }
0x1e5: {  	s31 =	sadd.s32 $0x30, s24  }
0x1e6: {  	v14 =	vmov s31  }
0x1e7: {  	v15 =	vor.u32 s31, v11;
	v14 =	vshll.u32 v14, $0x3  }
0x1e8: {  	v15 =	vand.u32 $0x7F, v15;
	v14 =	vand.u32 $0x1C00, v14;
	vm12 =	vge.s32 v13, v3  }
0x1e9: {  	vm13 =	vlt.s32 v13, v4;
	v61 =	vsub.s32 v13, v3;
	v62 =	vsub.s32 v13, v5  }
0x1ea: {  	v63 =	vshll.u32 v13, $0x7;
	vm14 =	vge.s32 v13, v5;
	v16 =	vshll.u32 v61, $0xA  }
0x1eb: {  	vm15 =	vlt.s32 v13, v6;
	v17 =	vshll.u32 v62, $0xA;
	v16 =	vand.u32 $0xFFFFE000, v16  }
0x1ec: {  	vm0 =	vmand vm12, vm13;
	v17 =	vand.u32 $0xFFFFE000, v17;
	v16 =	vor.u32 v16, v14  }
0x1ed: {  	v14 =	vor.u32 v17, v14;
	v17 =	vand.u32 $0x380, v63;
	v16 =	vor.u32 v15, v16  }
0x1ee: {  	s23 =	sadd.s32 $0x4, s23;
	vm1 =	vmand vm14, vm15;
	v14 =	vor.u32 v15, v14;
	v13 =	vor.u32 v17, v16  }
0x1ef: {  	p1 =	slt.u32 s23, $0x3C;
	v14 =	vor.u32 v17, v14  }
.Ltmp7:
0x1f0: {  	_ = 	snop;
	(pc) =	sbr.rel @p1 .LBB2_16-.Ltmp7, $3  }
0x1f1: {  	_ =	sdelay $0x1  }
0x1f2: {  	[tilespmem:v13+s19+$0x0] =	vst.idx.msk vm0, v10  }
0x1f3: {  	s24 =	sadd.s32 $0x40, s24;
	s25 =	sadd.s32 $0x40, s25;
	[tilespmem:v14+s19+$0x0] =	vst.idx.msk vm1, v12  }
0x1f4: {  	[hbm4b:s9+s17] =	stream.strided.scatter [tilespmem:s19], [sflag:$0x2], $0xE000, s18, s17, $0x38;
	[tilespmem:$0x1C400] =	vst v63  }
0x1f5: {  	_ =	swait.ge [sflag:s20], $0xE000  }
0x1f6: {  	s23 =	simm.s32 $0xFFFFFFFC;
	[sflag:s20] =	ssyncset.done $0x0  }
0x1f7: {  	s24 =	simm.s32 $0x0;
	s25 =	simm.s32 $0x20;
	[sflag:s20] =	ssyncadd.s32 $0xFFFF2000  }
.LBB2_18:
0x1f8: {  	v13 =	vld [tilespmem:s25+$0xFFFFFFE0];
	_ =	sdelay $0x2  }
0x1f9: {  	v14 =	vmov s24  }
0x1fa: {  	v15 =	vor.u32 s24, v11;
	v14 =	vshll.u32 v14, $0x3  }
0x1fb: {  	v15 =	vand.u32 $0x4F, v15;
	v14 =	vand.u32 $0x1C00, v14;
	vm0 =	vge.s32 v13, v4  }
0x1fc: {  	vm1 =	vlt.s32 v13, v5;
	v16 =	vsub.s32 v13, v4;
	v17 =	vsub.s32 v13, v6  }
0x1fd: {  	v54 =	vshll.u32 v13, $0x7;
	vm15 =	vge.s32 v13, v6;
	v16 =	vshll.u32 v16, $0xA  }
0x1fe: {  	vm2 =	vlt.s32 v13, v7;
	v17 =	vshll.u32 v17, $0xA;
	v16 =	vand.u32 $0xFFFFE000, v16  }
0x1ff: {  	vm0 =	vmand vm0, vm1;
	v17 =	vand.u32 $0xFFFFE000, v17;
	v16 =	vor.u32 v16, v14  }
0x200: {  	v14 =	vor.u32 v17, v14;
	v17 =	vand.u32 $0x380, v54;
	v16 =	vor.u32 v15, v16  }
0x201: {  	vm1 =	vmand vm15, vm2;
	v14 =	vor.u32 v15, v14;
	v13 =	vor.u32 v17, v16  }
0x202: {  	v14 =	vor.u32 v17, v14;
	_ =	sdelay $0x3  }
0x203: {  	[tilespmem:v13+s16+$0x0] =	vst.idx.msk vm0, v10  }
0x204: {  	[tilespmem:v14+s16+$0x0] =	vst.idx.msk vm1, v12  }
0x205: {  	v13 =	vld [tilespmem:s25+$0xFFFFFFF0];
	_ =	sdelay $0x1  }
0x206: {  	s26 =	sadd.s32 $0x10, s24  }
0x207: {  	v14 =	vmov s26  }
0x208: {  	v15 =	vor.u32 s26, v11;
	v14 =	vshll.u32 v14, $0x3  }
0x209: {  	v15 =	vand.u32 $0x5F, v15;
	v14 =	vand.u32 $0x1C00, v14;
	vm4 =	vge.s32 v13, v4  }
0x20a: {  	vm5 =	vlt.s32 v13, v5;
	v55 =	vsub.s32 v13, v4;
	v56 =	vsub.s32 v13, v6  }
0x20b: {  	v57 =	vshll.u32 v13, $0x7;
	vm6 =	vge.s32 v13, v6;
	v16 =	vshll.u32 v55, $0xA  }
0x20c: {  	vm7 =	vlt.s32 v13, v7;
	v17 =	vshll.u32 v56, $0xA;
	v16 =	vand.u32 $0xFFFFE000, v16  }
0x20d: {  	vm0 =	vmand vm4, vm5;
	v17 =	vand.u32 $0xFFFFE000, v17;
	v16 =	vor.u32 v16, v14  }
0x20e: {  	v14 =	vor.u32 v17, v14;
	v17 =	vand.u32 $0x380, v57;
	v16 =	vor.u32 v15, v16  }
0x20f: {  	vm1 =	vmand vm6, vm7;
	v14 =	vor.u32 v15, v14;
	v13 =	vor.u32 v17, v16  }
0x210: {  	v14 =	vor.u32 v17, v14;
	_ =	sdelay $0x3  }
0x211: {  	[tilespmem:v13+s16+$0x0] =	vst.idx.msk vm0, v10  }
0x212: {  	[tilespmem:v14+s16+$0x0] =	vst.idx.msk vm1, v12  }
0x213: {  	v13 =	vld [tilespmem:s25+$0x0];
	_ =	sdelay $0x1  }
0x214: {  	s30 =	sadd.s32 $0x20, s24  }
0x215: {  	v14 =	vmov s30  }
0x216: {  	v15 =	vor.u32 s30, v11;
	v14 =	vshll.u32 v14, $0x3  }
0x217: {  	v15 =	vand.u32 $0x6F, v15;
	v14 =	vand.u32 $0x1C00, v14;
	vm8 =	vge.s32 v13, v4  }
0x218: {  	vm9 =	vlt.s32 v13, v5;
	v58 =	vsub.s32 v13, v4;
	v59 =	vsub.s32 v13, v6  }
0x219: {  	v60 =	vshll.u32 v13, $0x7;
	vm10 =	vge.s32 v13, v6;
	v16 =	vshll.u32 v58, $0xA  }
0x21a: {  	vm11 =	vlt.s32 v13, v7;
	v17 =	vshll.u32 v59, $0xA;
	v16 =	vand.u32 $0xFFFFE000, v16  }
0x21b: {  	vm0 =	vmand vm8, vm9;
	v17 =	vand.u32 $0xFFFFE000, v17;
	v16 =	vor.u32 v16, v14  }
0x21c: {  	v14 =	vor.u32 v17, v14;
	v17 =	vand.u32 $0x380, v60;
	v16 =	vor.u32 v15, v16  }
0x21d: {  	vm1 =	vmand vm10, vm11;
	v14 =	vor.u32 v15, v14;
	v13 =	vor.u32 v17, v16  }
0x21e: {  	v14 =	vor.u32 v17, v14;
	_ =	sdelay $0x3  }
0x21f: {  	[tilespmem:v13+s16+$0x0] =	vst.idx.msk vm0, v10  }
0x220: {  	[tilespmem:v14+s16+$0x0] =	vst.idx.msk vm1, v12  }
0x221: {  	v13 =	vld [tilespmem:s25+$0x10];
	_ =	sdelay $0x1  }
0x222: {  	s31 =	sadd.s32 $0x30, s24  }
0x223: {  	v14 =	vmov s31  }
0x224: {  	v15 =	vor.u32 s31, v11;
	v14 =	vshll.u32 v14, $0x3  }
0x225: {  	v15 =	vand.u32 $0x7F, v15;
	v14 =	vand.u32 $0x1C00, v14;
	vm12 =	vge.s32 v13, v4  }
0x226: {  	vm13 =	vlt.s32 v13, v5;
	v61 =	vsub.s32 v13, v4;
	v62 =	vsub.s32 v13, v6  }
0x227: {  	v63 =	vshll.u32 v13, $0x7;
	vm14 =	vge.s32 v13, v6;
	v16 =	vshll.u32 v61, $0xA  }
0x228: {  	vm15 =	vlt.s32 v13, v7;
	v17 =	vshll.u32 v62, $0xA;
	v16 =	vand.u32 $0xFFFFE000, v16  }
0x229: {  	vm0 =	vmand vm12, vm13;
	v17 =	vand.u32 $0xFFFFE000, v17;
	v16 =	vor.u32 v16, v14  }
0x22a: {  	v14 =	vor.u32 v17, v14;
	v17 =	vand.u32 $0x380, v63;
	v16 =	vor.u32 v15, v16  }
0x22b: {  	s23 =	sadd.s32 $0x4, s23;
	vm1 =	vmand vm14, vm15;
	v14 =	vor.u32 v15, v14;
	v13 =	vor.u32 v17, v16  }
0x22c: {  	p1 =	slt.u32 s23, $0x3C;
	v14 =	vor.u32 v17, v14  }
.Ltmp8:
0x22d: {  	_ = 	snop;
	(pc) =	sbr.rel @p1 .LBB2_18-.Ltmp8, $3  }
0x22e: {  	_ =	sdelay $0x1  }
0x22f: {  	[tilespmem:v13+s16+$0x0] =	vst.idx.msk vm0, v10  }
0x230: {  	s24 =	sadd.s32 $0x40, s24;
	s25 =	sadd.s32 $0x40, s25;
	[tilespmem:v14+s16+$0x0] =	vst.idx.msk vm1, v12  }
0x231: {  	[hbm4b:s10+s17] =	stream.strided.scatter [tilespmem:s16], [sflag:$0x1], $0xE000, s18, s17, $0x38;
	[tilespmem:$0x1C400] =	vst v63  }
0x232: {  	_ =	swait.ge [sflag:s21], $0xE000  }
0x233: {  	s23 =	simm.s32 $0xFFFFFFFC;
	[sflag:s21] =	ssyncset.done $0x0  }
0x234: {  	s24 =	simm.s32 $0x0;
	s25 =	simm.s32 $0x20;
	[sflag:s21] =	ssyncadd.s32 $0xFFFF2000  }
.LBB2_20:
0x235: {  	v13 =	vld [tilespmem:s25+$0xFFFFFFE0];
	_ =	sdelay $0x2  }
0x236: {  	v14 =	vmov s24  }
0x237: {  	v15 =	vor.u32 s24, v11;
	v14 =	vshll.u32 v14, $0x3  }
0x238: {  	v15 =	vand.u32 $0x4F, v15;
	v14 =	vand.u32 $0x1C00, v14;
	vm0 =	vge.s32 v13, v5  }
0x239: {  	vm1 =	vlt.s32 v13, v6;
	v16 =	vsub.s32 v13, v5;
	v17 =	vsub.s32 v13, v7  }
0x23a: {  	v54 =	vshll.u32 v13, $0x7;
	vm15 =	vge.s32 v13, v7;
	v16 =	vshll.u32 v16, $0xA  }
0x23b: {  	vm2 =	vlt.s32 v13, v8;
	v17 =	vshll.u32 v17, $0xA;
	v16 =	vand.u32 $0xFFFFE000, v16  }
0x23c: {  	vm0 =	vmand vm0, vm1;
	v17 =	vand.u32 $0xFFFFE000, v17;
	v16 =	vor.u32 v16, v14  }
0x23d: {  	v14 =	vor.u32 v17, v14;
	v17 =	vand.u32 $0x380, v54;
	v16 =	vor.u32 v15, v16  }
0x23e: {  	vm1 =	vmand vm15, vm2;
	v14 =	vor.u32 v15, v14;
	v13 =	vor.u32 v17, v16  }
0x23f: {  	v14 =	vor.u32 v17, v14;
	_ =	sdelay $0x3  }
0x240: {  	[tilespmem:v13+s19+$0x0] =	vst.idx.msk vm0, v10  }
0x241: {  	[tilespmem:v14+s19+$0x0] =	vst.idx.msk vm1, v12  }
0x242: {  	v13 =	vld [tilespmem:s25+$0xFFFFFFF0];
	_ =	sdelay $0x1  }
0x243: {  	s26 =	sadd.s32 $0x10, s24  }
0x244: {  	v14 =	vmov s26  }
0x245: {  	v15 =	vor.u32 s26, v11;
	v14 =	vshll.u32 v14, $0x3  }
0x246: {  	v15 =	vand.u32 $0x5F, v15;
	v14 =	vand.u32 $0x1C00, v14;
	vm4 =	vge.s32 v13, v5  }
0x247: {  	vm5 =	vlt.s32 v13, v6;
	v55 =	vsub.s32 v13, v5;
	v56 =	vsub.s32 v13, v7  }
0x248: {  	v57 =	vshll.u32 v13, $0x7;
	vm6 =	vge.s32 v13, v7;
	v16 =	vshll.u32 v55, $0xA  }
0x249: {  	vm7 =	vlt.s32 v13, v8;
	v17 =	vshll.u32 v56, $0xA;
	v16 =	vand.u32 $0xFFFFE000, v16  }
0x24a: {  	vm0 =	vmand vm4, vm5;
	v17 =	vand.u32 $0xFFFFE000, v17;
	v16 =	vor.u32 v16, v14  }
0x24b: {  	v14 =	vor.u32 v17, v14;
	v17 =	vand.u32 $0x380, v57;
	v16 =	vor.u32 v15, v16  }
0x24c: {  	vm1 =	vmand vm6, vm7;
	v14 =	vor.u32 v15, v14;
	v13 =	vor.u32 v17, v16  }
0x24d: {  	v14 =	vor.u32 v17, v14;
	_ =	sdelay $0x3  }
0x24e: {  	[tilespmem:v13+s19+$0x0] =	vst.idx.msk vm0, v10  }
0x24f: {  	[tilespmem:v14+s19+$0x0] =	vst.idx.msk vm1, v12  }
0x250: {  	v13 =	vld [tilespmem:s25+$0x0];
	_ =	sdelay $0x1  }
0x251: {  	s30 =	sadd.s32 $0x20, s24  }
0x252: {  	v14 =	vmov s30  }
0x253: {  	v15 =	vor.u32 s30, v11;
	v14 =	vshll.u32 v14, $0x3  }
0x254: {  	v15 =	vand.u32 $0x6F, v15;
	v14 =	vand.u32 $0x1C00, v14;
	vm8 =	vge.s32 v13, v5  }
0x255: {  	vm9 =	vlt.s32 v13, v6;
	v58 =	vsub.s32 v13, v5;
	v59 =	vsub.s32 v13, v7  }
0x256: {  	v60 =	vshll.u32 v13, $0x7;
	vm10 =	vge.s32 v13, v7;
	v16 =	vshll.u32 v58, $0xA  }
0x257: {  	vm11 =	vlt.s32 v13, v8;
	v17 =	vshll.u32 v59, $0xA;
	v16 =	vand.u32 $0xFFFFE000, v16  }
0x258: {  	vm0 =	vmand vm8, vm9;
	v17 =	vand.u32 $0xFFFFE000, v17;
	v16 =	vor.u32 v16, v14  }
0x259: {  	v14 =	vor.u32 v17, v14;
	v17 =	vand.u32 $0x380, v60;
	v16 =	vor.u32 v15, v16  }
0x25a: {  	vm1 =	vmand vm10, vm11;
	v14 =	vor.u32 v15, v14;
	v13 =	vor.u32 v17, v16  }
0x25b: {  	v14 =	vor.u32 v17, v14;
	_ =	sdelay $0x3  }
0x25c: {  	[tilespmem:v13+s19+$0x0] =	vst.idx.msk vm0, v10  }
0x25d: {  	[tilespmem:v14+s19+$0x0] =	vst.idx.msk vm1, v12  }
0x25e: {  	v13 =	vld [tilespmem:s25+$0x10];
	_ =	sdelay $0x1  }
0x25f: {  	s31 =	sadd.s32 $0x30, s24  }
0x260: {  	v14 =	vmov s31  }
0x261: {  	v15 =	vor.u32 s31, v11;
	v14 =	vshll.u32 v14, $0x3  }
0x262: {  	v15 =	vand.u32 $0x7F, v15;
	v14 =	vand.u32 $0x1C00, v14;
	vm12 =	vge.s32 v13, v5  }
0x263: {  	vm13 =	vlt.s32 v13, v6;
	v61 =	vsub.s32 v13, v5;
	v62 =	vsub.s32 v13, v7  }
0x264: {  	v63 =	vshll.u32 v13, $0x7;
	vm14 =	vge.s32 v13, v7;
	v16 =	vshll.u32 v61, $0xA  }
0x265: {  	vm15 =	vlt.s32 v13, v8;
	v17 =	vshll.u32 v62, $0xA;
	v16 =	vand.u32 $0xFFFFE000, v16  }
0x266: {  	vm0 =	vmand vm12, vm13;
	v17 =	vand.u32 $0xFFFFE000, v17;
	v16 =	vor.u32 v16, v14  }
0x267: {  	v14 =	vor.u32 v17, v14;
	v17 =	vand.u32 $0x380, v63;
	v16 =	vor.u32 v15, v16  }
0x268: {  	s23 =	sadd.s32 $0x4, s23;
	vm1 =	vmand vm14, vm15;
	v14 =	vor.u32 v15, v14;
	v13 =	vor.u32 v17, v16  }
0x269: {  	p1 =	slt.u32 s23, $0x3C;
	v14 =	vor.u32 v17, v14  }
.Ltmp9:
0x26a: {  	_ = 	snop;
	(pc) =	sbr.rel @p1 .LBB2_20-.Ltmp9, $3  }
0x26b: {  	_ =	sdelay $0x1  }
0x26c: {  	[tilespmem:v13+s19+$0x0] =	vst.idx.msk vm0, v10  }
0x26d: {  	s24 =	sadd.s32 $0x40, s24;
	s25 =	sadd.s32 $0x40, s25;
	[tilespmem:v14+s19+$0x0] =	vst.idx.msk vm1, v12  }
0x26e: {  	[hbm4b:s11+s17] =	stream.strided.scatter [tilespmem:s19], [sflag:$0x2], $0xE000, s18, s17, $0x38;
	[tilespmem:$0x1C400] =	vst v63  }
0x26f: {  	_ =	swait.ge [sflag:s20], $0xE000  }
0x270: {  	s23 =	simm.s32 $0xFFFFFFFC;
	[sflag:s20] =	ssyncset.done $0x0  }
0x271: {  	s24 =	simm.s32 $0x0;
	s25 =	simm.s32 $0x20;
	[sflag:s20] =	ssyncadd.s32 $0xFFFF2000  }
.LBB2_22:
0x272: {  	v13 =	vld [tilespmem:s25+$0xFFFFFFE0];
	_ =	sdelay $0x2  }
0x273: {  	v14 =	vmov s24  }
0x274: {  	v15 =	vor.u32 s24, v11;
	v14 =	vshll.u32 v14, $0x3  }
0x275: {  	v15 =	vand.u32 $0x4F, v15;
	v14 =	vand.u32 $0x1C00, v14;
	vm0 =	vge.s32 v13, v6  }
0x276: {  	vm1 =	vlt.s32 v13, v7;
	v16 =	vsub.s32 v13, v6;
	v17 =	vsub.s32 v13, v8  }
0x277: {  	v54 =	vshll.u32 v13, $0x7;
	vm15 =	vge.s32 v13, v8;
	v16 =	vshll.u32 v16, $0xA  }
0x278: {  	vm2 =	vlt.s32 v13, v9;
	v17 =	vshll.u32 v17, $0xA;
	v16 =	vand.u32 $0xFFFFE000, v16  }
0x279: {  	vm0 =	vmand vm0, vm1;
	v17 =	vand.u32 $0xFFFFE000, v17;
	v16 =	vor.u32 v16, v14  }
0x27a: {  	v14 =	vor.u32 v17, v14;
	v17 =	vand.u32 $0x380, v54;
	v16 =	vor.u32 v15, v16  }
0x27b: {  	vm1 =	vmand vm15, vm2;
	v14 =	vor.u32 v15, v14;
	v13 =	vor.u32 v17, v16  }
0x27c: {  	v14 =	vor.u32 v17, v14;
	_ =	sdelay $0x3  }
0x27d: {  	[tilespmem:v13+s16+$0x0] =	vst.idx.msk vm0, v10  }
0x27e: {  	[tilespmem:v14+s16+$0x0] =	vst.idx.msk vm1, v12  }
0x27f: {  	v13 =	vld [tilespmem:s25+$0xFFFFFFF0];
	_ =	sdelay $0x1  }
0x280: {  	s26 =	sadd.s32 $0x10, s24  }
0x281: {  	v14 =	vmov s26  }
0x282: {  	v15 =	vor.u32 s26, v11;
	v14 =	vshll.u32 v14, $0x3  }
0x283: {  	v15 =	vand.u32 $0x5F, v15;
	v14 =	vand.u32 $0x1C00, v14;
	vm4 =	vge.s32 v13, v6  }
0x284: {  	vm5 =	vlt.s32 v13, v7;
	v55 =	vsub.s32 v13, v6;
	v56 =	vsub.s32 v13, v8  }
0x285: {  	v57 =	vshll.u32 v13, $0x7;
	vm6 =	vge.s32 v13, v8;
	v16 =	vshll.u32 v55, $0xA  }
0x286: {  	vm7 =	vlt.s32 v13, v9;
	v17 =	vshll.u32 v56, $0xA;
	v16 =	vand.u32 $0xFFFFE000, v16  }
0x287: {  	vm0 =	vmand vm4, vm5;
	v17 =	vand.u32 $0xFFFFE000, v17;
	v16 =	vor.u32 v16, v14  }
0x288: {  	v14 =	vor.u32 v17, v14;
	v17 =	vand.u32 $0x380, v57;
	v16 =	vor.u32 v15, v16  }
0x289: {  	vm1 =	vmand vm6, vm7;
	v14 =	vor.u32 v15, v14;
	v13 =	vor.u32 v17, v16  }
0x28a: {  	v14 =	vor.u32 v17, v14;
	_ =	sdelay $0x3  }
0x28b: {  	[tilespmem:v13+s16+$0x0] =	vst.idx.msk vm0, v10  }
0x28c: {  	[tilespmem:v14+s16+$0x0] =	vst.idx.msk vm1, v12  }
0x28d: {  	v13 =	vld [tilespmem:s25+$0x0];
	_ =	sdelay $0x1  }
0x28e: {  	s30 =	sadd.s32 $0x20, s24  }
0x28f: {  	v14 =	vmov s30  }
0x290: {  	v15 =	vor.u32 s30, v11;
	v14 =	vshll.u32 v14, $0x3  }
0x291: {  	v15 =	vand.u32 $0x6F, v15;
	v14 =	vand.u32 $0x1C00, v14;
	vm8 =	vge.s32 v13, v6  }
0x292: {  	vm9 =	vlt.s32 v13, v7;
	v58 =	vsub.s32 v13, v6;
	v59 =	vsub.s32 v13, v8  }
0x293: {  	v60 =	vshll.u32 v13, $0x7;
	vm10 =	vge.s32 v13, v8;
	v16 =	vshll.u32 v58, $0xA  }
0x294: {  	vm11 =	vlt.s32 v13, v9;
	v17 =	vshll.u32 v59, $0xA;
	v16 =	vand.u32 $0xFFFFE000, v16  }
0x295: {  	vm0 =	vmand vm8, vm9;
	v17 =	vand.u32 $0xFFFFE000, v17;
	v16 =	vor.u32 v16, v14  }
0x296: {  	v14 =	vor.u32 v17, v14;
	v17 =	vand.u32 $0x380, v60;
	v16 =	vor.u32 v15, v16  }
0x297: {  	vm1 =	vmand vm10, vm11;
	v14 =	vor.u32 v15, v14;
	v13 =	vor.u32 v17, v16  }
0x298: {  	v14 =	vor.u32 v17, v14;
	_ =	sdelay $0x3  }
0x299: {  	[tilespmem:v13+s16+$0x0] =	vst.idx.msk vm0, v10  }
0x29a: {  	[tilespmem:v14+s16+$0x0] =	vst.idx.msk vm1, v12  }
0x29b: {  	v13 =	vld [tilespmem:s25+$0x10];
	_ =	sdelay $0x1  }
0x29c: {  	s31 =	sadd.s32 $0x30, s24  }
0x29d: {  	v14 =	vmov s31  }
0x29e: {  	v15 =	vor.u32 s31, v11;
	v14 =	vshll.u32 v14, $0x3  }
0x29f: {  	v15 =	vand.u32 $0x7F, v15;
	v14 =	vand.u32 $0x1C00, v14;
	vm12 =	vge.s32 v13, v6  }
0x2a0: {  	vm13 =	vlt.s32 v13, v7;
	v61 =	vsub.s32 v13, v6;
	v62 =	vsub.s32 v13, v8  }
0x2a1: {  	v63 =	vshll.u32 v13, $0x7;
	vm14 =	vge.s32 v13, v8;
	v16 =	vshll.u32 v61, $0xA  }
0x2a2: {  	vm15 =	vlt.s32 v13, v9;
	v17 =	vshll.u32 v62, $0xA;
	v16 =	vand.u32 $0xFFFFE000, v16  }
0x2a3: {  	vm0 =	vmand vm12, vm13;
	v17 =	vand.u32 $0xFFFFE000, v17;
	v16 =	vor.u32 v16, v14  }
0x2a4: {  	v14 =	vor.u32 v17, v14;
	v17 =	vand.u32 $0x380, v63;
	v16 =	vor.u32 v15, v16  }
0x2a5: {  	s23 =	sadd.s32 $0x4, s23;
	vm1 =	vmand vm14, vm15;
	v14 =	vor.u32 v15, v14;
	v13 =	vor.u32 v17, v16  }
0x2a6: {  	p1 =	slt.u32 s23, $0x3C;
	v14 =	vor.u32 v17, v14  }
.Ltmp10:
0x2a7: {  	_ = 	snop;
	(pc) =	sbr.rel @p1 .LBB2_22-.Ltmp10, $3  }
0x2a8: {  	_ =	sdelay $0x1  }
0x2a9: {  	[tilespmem:v13+s16+$0x0] =	vst.idx.msk vm0, v10  }
0x2aa: {  	s24 =	sadd.s32 $0x40, s24;
	s25 =	sadd.s32 $0x40, s25;
	[tilespmem:v14+s16+$0x0] =	vst.idx.msk vm1, v12  }
0x2ab: {  	s23 =	simm.s32 @p0 $0x2000;
	s24 =	simm.s32 @p0 $0x20000;
	s25 =	simm.s32 @p0 $0x400  }
0x2ac: {  	[hbm4b:s12+s23] =	stream.strided.scatter @p0 [tilespmem:s25], [sflag:$0x3], $0xC000, s24, s23, $0x38;
	[tilespmem:$0x1C400] =	vst v63  }
0x2ad: {  	s23 =	simm.s32 @p0 $0x3  }
0x2ae: {  	_ =	swait.ge @p0 [sflag:s23], $0xC000  }
0x2af: {  	s24 =	simm.s32 @!p0 $0x20000;
	[sflag:s23] =	ssyncset.done @p0 $0x0  }
0x2b0: {  	s25 =	simm.s32 @!p0 $0x400;
	[sflag:s23] =	ssyncadd.s32 @p0 $0xFFFF4000;
	s23 =	simm.s32 @!p0 $0x2000  }
0x2b1: {  	[hbm4b:s13+s23] =	stream.strided.scatter @!p0 [tilespmem:s25], [sflag:$0x3], $0xE000, s24, s23, $0x38;
	[tilespmem:$0x1C400] =	vst v63  }
0x2b2: {  	s22 =	sadd.s32 $0x1, s22;
	s23 =	simm.s32 @!p0 $0x3  }
0x2b3: {  	p1 =	sne.s32 s22, s14;
	_ =	swait.ge @!p0 [sflag:s23], $0xE000  }
.Ltmp11:
0x2b4: {  	[sflag:s23] =	ssyncset.done @!p0 $0x0;
	(pc) =	sbr.rel @p1 .LBB2_1-.Ltmp11, $4  }
0x2b5: {  	[sflag:s23] =	ssyncadd.s32 @!p0 $0xFFFF2000  }
0x2b6: {  	_ =	swait.ge [sflag:s21], $0xE000  }
0x2b7: {  	[sflag:s21] =	ssyncset.done $0x0  }
0x2b8: {  	[sflag:s21] =	ssyncadd.s32 $0xFFFF2000  }
0x2b9: {  	_ =	sfence.sel $0x180000  }
0x2ba: {  	[bflag:$0x0] =	sbarrier.arrive $0xFFFF  }
0x2bb: {  	p0 =	sne.s32 s1, $0x0;
	_ =	strace $0x90000047  }
0x2bc: {  	s0 =	sadd.s32 @!p0 $0x100000, s0;
	[bflag:$0x2] =	sbarrier.arrive $0xFFFF  }
0x2bd: {  	[sflag:s0] =	ssyncadd.tile.s32 @!p0 $0x1;
	_ =	shalt  }
.Lfunc_end2:
_tile_overlayer_lowered:
.L_overlay_start_2:
0x2be: {  	(tag) =	ssettag $0x2  }
0x2bf: {  	s0 =	rddreg [dreg:$0x0];
	s2 =	stileid.u32  }
0x2c0: {  	s1 =	rddreg [dreg:$0x1];
	p0 =	sne.s32 s2, $0x0  }
0x2c1: {  	s3 =	rddreg [dreg:$0x2];
	[bflag:$0x3] =	sbarrier.arrive $0xFFFF;
	s2 =	simm.s32 @!p0 $0x1C03  }
0x2c2: {  	[timem:s3], [sflag:s2] =	dma.local @!p0 [hbm:s0], s1  }
0x2c3: {  	s0 =	simm.s32 @!p0 $0x3  }
0x2c4: {  	_ =	swait.ge @!p0 [sflag:s0], s1  }
0x2c5: {  	s1 =	ssub.s32 @!p0 $0x0, s1;
	[sflag:s0] =	ssyncset.done @!p0 $0x0  }
0x2c6: {  	[sflag:s0] =	ssyncadd.s32 @!p0 s1  }
0x2c7: {  	[bflag:$0x3] =	sbarrier.arrive $0xFFFF  }
0x2c8: {  	_ =	shalt  }

</sc_bundles>
